<compile_context>
chip_gen: v7x
topology: tpu7x:2x2x1
jax: 0.10.2.dev20260603
libtpu: 0.0.44.dev20260713+nightly
codegen_flags: <defaults>
</compile_context>

<pallas_src>
import functools

import jax
import jax.numpy as jnp
from jax import lax
from jax.experimental import pallas as pl
from jax.experimental.pallas import tpu as pltpu
from jax.experimental.pallas import tpu_sc as plsc

N = 10000
E = 320000
D_IN = 128
D_HID = 16
D_OUT = 40
D_OUTP = 48

NC = 2
NS = 16
NW = NC * NS
K = 128
NCH = 80
EPW = NCH * K
EP = NW * EPW
NJ = 16
NRH = 640
NR = N // 16
RPT = NR // NS
RB = 16 * RPT
TAIL0 = NS * RB
TAILN = N - TAIL0

_MESH = plsc.VectorSubcoreMesh(core_axis_name="c", subcore_axis_name="s")
_SC_PARAMS = pltpu.CompilerParams(use_tc_tiling_on_sc=False,
                                  needs_layout_passes=False)


def _tile_rows_copy(src, dst, s):
    pltpu.sync_copy(src.at[pl.ds(s * RB, RB)], dst.at[pl.ds(s * RB, RB)])

    @pl.when(s == 0)
    def _():
        pltpu.sync_copy(src.at[pl.ds(TAIL0, TAILN)], dst.at[pl.ds(TAIL0, TAILN)])


def _rsqrt16(x):
    i = plsc.bitcast(x, jnp.int32)
    y = plsc.bitcast(jnp.int32(0x5F3759DF) - lax.shift_right_logical(i, 1),
                     jnp.float32)
    for _ in range(3):
        y = y * (1.5 - 0.5 * x * y * y)
    return y


def _edge_pipeline(val_ref, acc, src_v, dst_v, bufs, gsems, ssems):
    for u in range(4):
        pltpu.async_copy(val_ref.at[src_v.at[u]], bufs[u], gsems[u])

    @pl.loop(0, NCH, step=4)
    def _(j):
        for u in range(4):
            pltpu.make_async_copy(val_ref.at[src_v.at[j + u]], bufs[u],
                                  gsems[u]).wait()
            pltpu.async_copy(bufs[u], acc.at[dst_v.at[j + u]], ssems[u],
                             add=True)
        for u in range(4):
            @pl.when(j + 4 + u < NCH)
            def _(u=u):
                pltpu.make_async_copy(bufs[u], acc.at[dst_v.at[j + u]],
                                      ssems[u]).wait()
                pltpu.async_copy(val_ref.at[src_v.at[j + 4 + u]], bufs[u],
                                 gsems[u])

    for u in range(4):
        pltpu.make_async_copy(bufs[u], acc.at[dst_v.at[0]], ssems[u]).wait()



NPR = N // 8
PB = RB // 8

@functools.partial(
    pl.kernel,
    out_type=(
        jax.ShapeDtypeStruct((NC, NPR, 128), jnp.float32),
        jax.ShapeDtypeStruct((NC, N, D_HID), jnp.float32),
        jax.ShapeDtypeStruct((NPR, 384), jnp.float32),
        jax.ShapeDtypeStruct((N,), jnp.float32),
    ),
    mesh=_MESH,
    scratch_types=[
        pltpu.VMEM((NCH, K), jnp.int32),
        pltpu.VMEM((NCH, K), jnp.int32),
        pltpu.VMEM((NCH, K), jnp.int32),
        pltpu.VMEM((NRH, 16), jnp.float32),
        pltpu.VMEM((5, 128), jnp.int32),
        pltpu.VMEM((RPT + 1, 16), jnp.float32),
        pltpu.VMEM((RB + TAILN,), jnp.float32),
        pltpu.VMEM((RB, D_HID), jnp.float32),
        pltpu.VMEM((TAILN, D_HID), jnp.float32),
        pltpu.VMEM((PB, 128), jnp.float32),
        pltpu.VMEM((PB, 384), jnp.float32),
        pltpu.VMEM((2, 128), jnp.float32),
        pltpu.VMEM((2, 384), jnp.float32),
        [pltpu.VMEM((K, D_HID), jnp.float32)] * 4,
        pltpu.VMEM_SHARED((NRH, 16), jnp.float32),
        pltpu.VMEM_SHARED((N + NJ, D_HID), jnp.float32),
        [pltpu.SemaphoreType.DMA] * 4,
        [pltpu.SemaphoreType.DMA] * 4,
    ],
    compiler_params=_SC_PARAMS,
)
def _sc_k1(xw_hbm, src_hbm, dst_hbm, iota_hbm,
           agg_hbm, xwp_hbm, dinvr48_hbm, dinvf_hbm,
           src_v, dst_v, dsto_v, hist, iota_v, ddv, dinvv, xwv, xwt,
           dinvr_v, dinvr48_v, dinvrt, dinvr48t,
           bufs, degacc, acc, gsems, ssems):
    c = lax.axis_index("c")
    s = lax.axis_index("s")
    wid = c * NS + s
    owid = (1 - c) * NS + s
    pltpu.sync_copy(src_hbm.at[wid], src_v)
    pltpu.sync_copy(dst_hbm.at[wid], dst_v)
    pltpu.sync_copy(dst_hbm.at[owid], dsto_v)
    pltpu.sync_copy(iota_hbm, iota_v)

    @pl.loop(0, NRH)
    def _(i):
        hist[i] = jnp.zeros((16,), jnp.float32)

    @pl.loop(0, K)
    def _(i):
        bufs[0][i] = jnp.zeros((16,), jnp.float32)

    @pl.when(s == 0)
    def _():
        for q in range(NRH // K):
            pltpu.sync_copy(bufs[0], degacc.at[pl.ds(q * K, K)])

    @pl.when(c == 1)
    def _():
        for q in range(RB // K):
            pltpu.sync_copy(bufs[0], acc.at[pl.ds(s * RB + q * K, K)])
        pltpu.sync_copy(bufs[0].at[pl.ds(0, RB % K)],
                        acc.at[pl.ds(s * RB + (RB // K) * K, RB % K)])

        @pl.when(s == 0)
        def _():
            pltpu.sync_copy(bufs[0].at[pl.ds(0, TAILN)],
                            acc.at[pl.ds(TAIL0, TAILN)])

    plsc.subcore_barrier()

    ones16 = jnp.ones((16,), jnp.float32)

    @pl.loop(0, NCH)
    def _(row):
        for half in (dst_v, dsto_v):
            for cc in range(K // 16):
                idx = half[row, pl.ds(cc * 16, 16)]
                plsc.addupdate_scatter(
                    hist, [lax.shift_right_logical(idx, 4), idx & 15], ones16)

    @pl.loop(0, 5)
    def _(r):
        pltpu.sync_copy(hist.at[pl.ds(r * 128, 128)],
                        degacc.at[iota_v.at[r]], add=True)

    plsc.subcore_barrier()

    pltpu.sync_copy(degacc.at[pl.ds(s * RPT, RPT)], ddv.at[pl.ds(0, RPT)])

    @pl.when(s == 0)
    def _():
        pltpu.sync_copy(degacc.at[pl.ds(NR - 1, 1)], ddv.at[pl.ds(RPT, 1)])

    @pl.loop(0, RPT)
    def _(i):
        dinvv[pl.ds(i * 16, 16)] = _rsqrt16(1.0 + ddv[i])

    @pl.when(s == 0)
    def _():
        dinvv[pl.ds(RB, TAILN)] = _rsqrt16(1.0 + ddv[RPT])

    pltpu.sync_copy(xw_hbm.at[pl.ds(s * RB, RB)], xwv)

    @pl.loop(0, RB)
    def _(n):
        spl = plsc.load_gather(dinvv, [jnp.full((16,), 0, jnp.int32) + n])
        xwv[n] = xwv[n] * spl
        r = lax.shift_right_logical(n, 3)
        l48 = (n & 7) * 48
        for u in range(3):
            dinvr48_v[r, pl.ds(l48 + u * 16, 16)] = spl

    pltpu.sync_copy(xwv, xwp_hbm.at[c, pl.ds(s * RB, RB)])

    @pl.when(c == 0)
    def _():
        pltpu.sync_copy(xwv, acc.at[pl.ds(s * RB, RB)])
        pltpu.sync_copy(dinvr48_v, dinvr48_hbm.at[pl.ds(s * PB, PB)])
        pltpu.sync_copy(dinvv.at[pl.ds(0, RB)], dinvf_hbm.at[pl.ds(s * RB, RB)])

    @pl.when(s == 0)
    def _():
        pltpu.sync_copy(xw_hbm.at[pl.ds(TAIL0, TAILN)], xwt)

        @pl.loop(0, TAILN)
        def _(n):
            spl = plsc.load_gather(
                dinvv, [jnp.full((16,), RB, jnp.int32) + n])
            xwt[n] = xwt[n] * spl
            r = lax.shift_right_logical(n, 3)
            l48 = (n & 7) * 48
            for u in range(3):
                dinvr48t[r, pl.ds(l48 + u * 16, 16)] = spl

        pltpu.sync_copy(xwt, xwp_hbm.at[c, pl.ds(TAIL0, TAILN)])

        @pl.when(c == 0)
        def _():
            pltpu.sync_copy(xwt, acc.at[pl.ds(TAIL0, TAILN)])
            pltpu.sync_copy(dinvr48t, dinvr48_hbm.at[pl.ds(NS * PB, 2)])
            pltpu.sync_copy(dinvv.at[pl.ds(RB, TAILN)],
                            dinvf_hbm.at[pl.ds(TAIL0, TAILN)])

    plsc.subcore_barrier()

    _edge_pipeline(xwp_hbm.at[c], acc, src_v, dst_v, bufs, gsems, ssems)

    plsc.subcore_barrier()
    pltpu.sync_copy(acc.at[pl.ds(s * RB, RB)], xwv)

    @pl.loop(0, RB)
    def _(n):
        spl = plsc.load_gather(dinvv, [jnp.full((16,), 0, jnp.int32) + n])
        dinvr_v[lax.shift_right_logical(n, 3),
                pl.ds((n & 7) * 16, 16)] = xwv[n] * spl

    pltpu.sync_copy(dinvr_v, agg_hbm.at[c, pl.ds(s * PB, PB)])

    @pl.when(s == 0)
    def _():
        pltpu.sync_copy(acc.at[pl.ds(TAIL0, TAILN)], xwt)

        @pl.loop(0, TAILN)
        def _(n):
            spl = plsc.load_gather(
                dinvv, [jnp.full((16,), RB, jnp.int32) + n])
            dinvrt[lax.shift_right_logical(n, 3),
                   pl.ds((n & 7) * 16, 16)] = xwt[n] * spl

        pltpu.sync_copy(dinvrt, agg_hbm.at[c, pl.ds(NS * PB, 2)])



@functools.partial(
    pl.kernel,
    out_type=jax.ShapeDtypeStruct((NC, N, D_OUTP), jnp.float32),
    mesh=_MESH,
    scratch_types=[
        pltpu.VMEM((NCH, K), jnp.int32),
        pltpu.VMEM((NCH, K), jnp.int32),
        [pltpu.VMEM((K, D_OUTP), jnp.float32)] * 4,
        pltpu.VMEM_SHARED((N + NJ, D_OUTP), jnp.float32),
        [pltpu.SemaphoreType.DMA] * 4,
        [pltpu.SemaphoreType.DMA] * 4,
    ],
    compiler_params=_SC_PARAMS,
)
def _sc_k2(val_hbm, src_hbm, dst_hbm, zero_hbm, out_hbm,
           src_v, dst_v, bufs, acc, gsems, ssems):
    c = lax.axis_index("c")
    s = lax.axis_index("s")
    wid = c * NS + s
    pltpu.sync_copy(src_hbm.at[wid], src_v)
    pltpu.sync_copy(dst_hbm.at[wid], dst_v)

    @pl.when(c == 0)
    def _():
        _tile_rows_copy(val_hbm, acc, s)

    @pl.when(c == 1)
    def _():
        _tile_rows_copy(zero_hbm, acc, s)

    plsc.subcore_barrier()
    _edge_pipeline(val_hbm, acc, src_v, dst_v, bufs, gsems, ssems)
    plsc.subcore_barrier()
    _tile_rows_copy(acc, out_hbm.at[c], s)



_BR = 2000
_G = N // _BR


def _tc_mm_body(x_ref, w1_ref, xw_ref):
    xw_ref[...] = jnp.dot(x_ref[...], w1_ref[...],
                          preferred_element_type=jnp.float32)


def _tc_mm(x, w1):
    return pl.pallas_call(
        _tc_mm_body,
        grid=(1,),
        in_specs=[
            pl.BlockSpec((N, D_IN), lambda i: (0, 0)),
            pl.BlockSpec((D_IN, D_HID), lambda i: (0, 0)),
        ],
        out_specs=pl.BlockSpec((N, D_HID), lambda i: (0, 0)),
        out_shape=jax.ShapeDtypeStruct((N, D_HID), jnp.float32),
    )(x, w1)


def _tc_b_body(agg_ref, b1_ref, w2bd_ref, dinvr48_ref, hwp_ref):
    pre = agg_ref[0] + agg_ref[1] + b1_ref[...]
    h = jnp.where(pre > 0, pre, jnp.exp(jnp.minimum(pre, 0.0)) - 1.0)
    hw = jnp.dot(h, w2bd_ref[...], preferred_element_type=jnp.float32)
    hwp_ref[...] = hw * dinvr48_ref[...]


def _tc_b(agg1, b1t, w2bd, dinvr48):
    return pl.pallas_call(
        _tc_b_body,
        grid=(1,),
        in_specs=[
            pl.BlockSpec((NC, NPR, 128), lambda i: (0, 0, 0)),
            pl.BlockSpec((1, 128), lambda i: (0, 0)),
            pl.BlockSpec((128, 384), lambda i: (0, 0)),
            pl.BlockSpec((NPR, 384), lambda i: (0, 0)),
        ],
        out_specs=pl.BlockSpec((NPR, 384), lambda i: (0, 0)),
        out_shape=jax.ShapeDtypeStruct((NPR, 384), jnp.float32),
    )(agg1, b1t, w2bd, dinvr48)


def _tc_c_body(agg_ref, dinv_ref, b2_ref, o_ref):
    dinv = jnp.broadcast_to(dinv_ref[...], (N, D_OUTP))
    o = (agg_ref[0] + agg_ref[1]) * dinv + b2_ref[...]
    col = lax.broadcasted_iota(jnp.int32, (N, D_OUTP), 1)
    valid = col < D_OUT
    om = jnp.where(valid, o, jnp.float32(-1e30))
    m = jnp.max(om, axis=1, keepdims=True)
    ex = jnp.where(valid, jnp.exp(o - m), 0.0)
    lse = jnp.log(jnp.sum(ex, axis=1, keepdims=True))
    o_ref[...] = o - m - lse


def _tc_c(agg2, dinv, b2p):
    return pl.pallas_call(
        _tc_c_body,
        grid=(1,),
        in_specs=[
            pl.BlockSpec((NC, N, D_OUTP), lambda i: (0, 0, 0)),
            pl.BlockSpec((N, 1), lambda i: (0, 0)),
            pl.BlockSpec((1, D_OUTP), lambda i: (0, 0)),
        ],
        out_specs=pl.BlockSpec((N, D_OUTP), lambda i: (0, 0)),
        out_shape=jax.ShapeDtypeStruct((N, D_OUTP), jnp.float32),
    )(agg2, dinv, b2p)



@jax.jit
def kernel(node_feature, edge_index, W1, b1, W2, b2):
    di = jnp.arange(EP - E, dtype=jnp.int32)
    srcp = jnp.concatenate([edge_index[0], di % N]).reshape(NW, NCH, K)
    dstp = jnp.concatenate([edge_index[1], N + (di % NJ)]).reshape(NW, NCH, K)
    iota = jnp.arange(NRH, dtype=jnp.int32).reshape(5, 128)
    w2p = jnp.pad(W2, ((0, 0), (0, D_OUTP - D_OUT)))
    w2bd = jnp.zeros((128, 384), jnp.float32)
    for u in range(8):
        w2bd = lax.dynamic_update_slice(w2bd, w2p, (u * D_HID, u * D_OUTP))
    b1t = jnp.tile(b1, 8).reshape(1, 128)
    b2p = jnp.pad(b2, (0, D_OUTP - D_OUT)).reshape(1, D_OUTP)

    xw = _tc_mm(node_feature, W1)
    agg1, _, dinvr48, dinvf = _sc_k1(xw, srcp, dstp, iota)
    hwp = _tc_b(agg1, b1t, w2bd, dinvr48)
    z_o = jnp.zeros((N, D_OUTP), jnp.float32)
    agg2 = _sc_k2(hwp.reshape(N, D_OUTP), srcp, dstp, z_o)
    o = _tc_c(agg2, dinvf.reshape(N, 1), b2p)
    return o[:, :D_OUT]

# --- scband reference (transcript-rebuilt; emitter-appended) ---
"""Pipeline reference for scband-net-25907242729900 (READ-ONLY COPY).

The authoritative reference and input builder live on the scoring server;
editing this copy changes nothing except your own understanding.
"""

import jax, jax.numpy as jnp
import numpy as np

N = 10000
E = 320000
D_IN = 128
D_HID = 16
D_OUT = 40


def _gcn_conv(x, edge_index, W, b, n):
    # PyG GCNConv: add self-loops, symmetric deg^-1/2 normalization, scatter-add aggregation
    src = edge_index[0]
    dst = edge_index[1]
    loop = jnp.arange(n, dtype=edge_index.dtype)
    src = jnp.concatenate([src, loop])
    dst = jnp.concatenate([dst, loop])
    xw = x @ W
    deg = jnp.zeros((n,), dtype=x.dtype).at[dst].add(1.0)
    dinv = jnp.where(deg > 0, jax.lax.rsqrt(jnp.maximum(deg, 1e-12)), 0.0)
    norm = dinv[src] * dinv[dst]
    msg = jnp.take(xw, src, axis=0) * norm[:, None]
    out = jax.ops.segment_sum(msg, dst, num_segments=n)
    return out + b


def setup_inputs(seed: int = 0):
    key = jax.random.key(seed)
    k1, k2, k3, k4, k5, k6 = jax.random.split(key, 6)
    node_feature = jax.random.normal(k1, (N, D_IN), dtype=jnp.float32)
    edge_index = jax.random.randint(k2, (2, E), 0, N, dtype=jnp.int32)
    W1 = jax.random.normal(k3, (D_IN, D_HID), dtype=jnp.float32) * (1.0 / np.sqrt(D_IN))
    b1 = jnp.zeros((D_HID,), dtype=jnp.float32)
    W2 = jax.random.normal(k4, (D_HID, D_OUT), dtype=jnp.float32) * (1.0 / np.sqrt(D_HID))
    b2 = jnp.zeros((D_OUT,), dtype=jnp.float32)
    return {"node_feature": node_feature, "edge_index": edge_index, "W1": W1, "b1": b1, "W2": W2, "b2": b2}


def reference(node_feature, edge_index, W1, b1, W2, b2):
    # eval mode: F.dropout(training=False) is identity
    h = _gcn_conv(node_feature, edge_index, W1, b1, N)
    h = jax.nn.elu(h)
    o = _gcn_conv(h, edge_index, W2, b2, N)
    return jax.nn.log_softmax(o, axis=1)

if __name__ == "__main__":
    import jax
    _d = setup_inputs()
    print(jax.jit(kernel)(*tuple(_d.values())))

</pallas_src>

<mosaic_0001>
#map = affine_map<(d0, d1) -> (0, 0)>
#map1 = affine_map<(d0, d1) -> (0, 0, 0)>
#map2 = affine_map<(d0, d1) -> (0)>
module attributes {stable_mosaic.version = 14 : i64} {
  func.func @_sc_k1(%arg0: i32, %arg1: i32, %arg2: memref<10000x16xf32, #tpu.memory_space<hbm>>, %arg3: memref<32x80x128xi32, #tpu.memory_space<hbm>>, %arg4: memref<32x80x128xi32, #tpu.memory_space<hbm>>, %arg5: memref<5x128xi32, #tpu.memory_space<hbm>>, %arg6: memref<2x1250x128xf32, #tpu.memory_space<hbm>>, %arg7: memref<2x10000x16xf32, #tpu.memory_space<hbm>>, %arg8: memref<1250x384xf32, #tpu.memory_space<hbm>>, %arg9: memref<10000xf32, #tpu.memory_space<hbm>>, %arg10: memref<80x128xi32, #tpu.memory_space<vmem>>, %arg11: memref<80x128xi32, #tpu.memory_space<vmem>>, %arg12: memref<80x128xi32, #tpu.memory_space<vmem>>, %arg13: memref<640x16xf32, #tpu.memory_space<vmem>>, %arg14: memref<5x128xi32, #tpu.memory_space<vmem>>, %arg15: memref<40x16xf32, #tpu.memory_space<vmem>>, %arg16: memref<640xf32, #tpu.memory_space<vmem>>, %arg17: memref<624x16xf32, #tpu.memory_space<vmem>>, %arg18: memref<16x16xf32, #tpu.memory_space<vmem>>, %arg19: memref<78x128xf32, #tpu.memory_space<vmem>>, %arg20: memref<78x384xf32, #tpu.memory_space<vmem>>, %arg21: memref<2x128xf32, #tpu.memory_space<vmem>>, %arg22: memref<2x384xf32, #tpu.memory_space<vmem>>, %arg23: memref<128x16xf32, #tpu.memory_space<vmem>>, %arg24: memref<128x16xf32, #tpu.memory_space<vmem>>, %arg25: memref<128x16xf32, #tpu.memory_space<vmem>>, %arg26: memref<128x16xf32, #tpu.memory_space<vmem>>, %arg27: memref<640x16xf32, #tpu.memory_space<vmem_shared>>, %arg28: memref<10016x16xf32, #tpu.memory_space<vmem_shared>>, %arg29: memref<!tpu.dma_semaphore, #tpu.memory_space<semaphore_mem>>, %arg30: memref<!tpu.dma_semaphore, #tpu.memory_space<semaphore_mem>>, %arg31: memref<!tpu.dma_semaphore, #tpu.memory_space<semaphore_mem>>, %arg32: memref<!tpu.dma_semaphore, #tpu.memory_space<semaphore_mem>>, %arg33: memref<!tpu.dma_semaphore, #tpu.memory_space<semaphore_mem>>, %arg34: memref<!tpu.dma_semaphore, #tpu.memory_space<semaphore_mem>>, %arg35: memref<!tpu.dma_semaphore, #tpu.memory_space<semaphore_mem>>, %arg36: memref<!tpu.dma_semaphore, #tpu.memory_space<semaphore_mem>>) attributes {dimension_semantics = [#tpu.dimension_semantics<core_parallel>, #tpu.dimension_semantics<subcore_parallel>], iteration_bounds = array<i64: 2, 16>, scalar_prefetch = 0 : i64, scratch_operands = 27 : i64, tpu.core_type = #tpu.core_type<sc_vector_subcore>, window_params = [{transform_indices = #map}, {transform_indices = #map1}, {transform_indices = #map1}, {transform_indices = #map}, {transform_indices = #map1}, {transform_indices = #map1}, {transform_indices = #map}, {transform_indices = #map2}]} {
    %mul3A = arith.constant 16 : i32
    %mul3A_0 = arith.muli %arg0, %mul3A : i32
    %add3A = arith.addi %mul3A_0, %arg1 : i32
    %sub3A = arith.constant 1 : i32
    %sub3A_1 = arith.subi %sub3A, %arg0 : i32
    %mul3A_2 = arith.constant 16 : i32
    %mul3A_3 = arith.muli %sub3A_1, %mul3A_2 : i32
    %add3A_4 = arith.addi %mul3A_3, %arg1 : i32
    "tpu.region"() ({
      %run_scoped3A = tpu.sem_alloc : memref<!tpu.dma_semaphore, #tpu.memory_space<semaphore_mem>>
      %dma_start3A_160 = arith.constant 0 : i32
      %dma_start3A_161 = arith.constant 0 : i32
      %dma_start3A_162 = tpu.memref_slice %arg3[%add3A, %dma_start3A_160, %dma_start3A_161] : memref<32x80x128xi32, #tpu.memory_space<hbm>> -> memref<1x80x128xi32, #tpu.memory_space<hbm>>
      %dma_start3A_163 = tpu.memref_squeeze %dma_start3A_162 : memref<1x80x128xi32, #tpu.memory_space<hbm>> -> memref<80x128xi32, #tpu.memory_space<hbm>>
      %dma_start3A_164 = arith.constant 0 : i32
      %dma_start3A_165 = arith.constant 0 : i32
      %dma_start3A_166 = tpu.memref_slice %arg3[%add3A, %dma_start3A_164, %dma_start3A_165] : memref<32x80x128xi32, #tpu.memory_space<hbm>> -> memref<1x80x128xi32, #tpu.memory_space<hbm>>
      %dma_start3A_167 = tpu.memref_squeeze %dma_start3A_166 : memref<1x80x128xi32, #tpu.memory_space<hbm>> -> memref<80x128xi32, #tpu.memory_space<hbm>>
      tpu.enqueue_dma source(%dma_start3A_167 : memref<80x128xi32, #tpu.memory_space<hbm>>) target(%arg10 : memref<80x128xi32, #tpu.memory_space<vmem>>) target_semaphore(%run_scoped3A : memref<!tpu.dma_semaphore, #tpu.memory_space<semaphore_mem>>)
      %dma_wait3A_168 = arith.constant 0 : i32
      %dma_wait3A_169 = arith.constant 0 : i32
      %dma_wait3A_170 = tpu.memref_slice %arg3[%add3A, %dma_wait3A_168, %dma_wait3A_169] : memref<32x80x128xi32, #tpu.memory_space<hbm>> -> memref<1x80x128xi32, #tpu.memory_space<hbm>>
      %dma_wait3A_171 = tpu.memref_squeeze %dma_wait3A_170 : memref<1x80x128xi32, #tpu.memory_space<hbm>> -> memref<80x128xi32, #tpu.memory_space<hbm>>
      %dma_wait3A_172 = arith.constant 0 : i32
      %dma_wait3A_173 = arith.constant 0 : i32
      %dma_wait3A_174 = tpu.memref_slice %arg3[%add3A, %dma_wait3A_172, %dma_wait3A_173] : memref<32x80x128xi32, #tpu.memory_space<hbm>> -> memref<1x80x128xi32, #tpu.memory_space<hbm>>
      %dma_wait3A_175 = tpu.memref_squeeze %dma_wait3A_174 : memref<1x80x128xi32, #tpu.memory_space<hbm>> -> memref<80x128xi32, #tpu.memory_space<hbm>>
      tpu.wait_dma2 semaphore(%run_scoped3A : memref<!tpu.dma_semaphore, #tpu.memory_space<semaphore_mem>>) src(%dma_wait3A_175 : memref<80x128xi32, #tpu.memory_space<hbm>>) dst(%arg10 : memref<80x128xi32, #tpu.memory_space<vmem>>)
      tpu.yield
    }) : () -> ()
    "tpu.region"() ({
      %run_scoped3A = tpu.sem_alloc : memref<!tpu.dma_semaphore, #tpu.memory_space<semaphore_mem>>
      %dma_start3A_160 = arith.constant 0 : i32
      %dma_start3A_161 = arith.constant 0 : i32
      %dma_start3A_162 = tpu.memref_slice %arg4[%add3A, %dma_start3A_160, %dma_start3A_161] : memref<32x80x128xi32, #tpu.memory_space<hbm>> -> memref<1x80x128xi32, #tpu.memory_space<hbm>>
      %dma_start3A_163 = tpu.memref_squeeze %dma_start3A_162 : memref<1x80x128xi32, #tpu.memory_space<hbm>> -> memref<80x128xi32, #tpu.memory_space<hbm>>
      %dma_start3A_164 = arith.constant 0 : i32
      %dma_start3A_165 = arith.constant 0 : i32
      %dma_start3A_166 = tpu.memref_slice %arg4[%add3A, %dma_start3A_164, %dma_start3A_165] : memref<32x80x128xi32, #tpu.memory_space<hbm>> -> memref<1x80x128xi32, #tpu.memory_space<hbm>>
      %dma_start3A_167 = tpu.memref_squeeze %dma_start3A_166 : memref<1x80x128xi32, #tpu.memory_space<hbm>> -> memref<80x128xi32, #tpu.memory_space<hbm>>
      tpu.enqueue_dma source(%dma_start3A_167 : memref<80x128xi32, #tpu.memory_space<hbm>>) target(%arg11 : memref<80x128xi32, #tpu.memory_space<vmem>>) target_semaphore(%run_scoped3A : memref<!tpu.dma_semaphore, #tpu.memory_space<semaphore_mem>>)
      %dma_wait3A_168 = arith.constant 0 : i32
      %dma_wait3A_169 = arith.constant 0 : i32
      %dma_wait3A_170 = tpu.memref_slice %arg4[%add3A, %dma_wait3A_168, %dma_wait3A_169] : memref<32x80x128xi32, #tpu.memory_space<hbm>> -> memref<1x80x128xi32, #tpu.memory_space<hbm>>
      %dma_wait3A_171 = tpu.memref_squeeze %dma_wait3A_170 : memref<1x80x128xi32, #tpu.memory_space<hbm>> -> memref<80x128xi32, #tpu.memory_space<hbm>>
      %dma_wait3A_172 = arith.constant 0 : i32
      %dma_wait3A_173 = arith.constant 0 : i32
      %dma_wait3A_174 = tpu.memref_slice %arg4[%add3A, %dma_wait3A_172, %dma_wait3A_173] : memref<32x80x128xi32, #tpu.memory_space<hbm>> -> memref<1x80x128xi32, #tpu.memory_space<hbm>>
      %dma_wait3A_175 = tpu.memref_squeeze %dma_wait3A_174 : memref<1x80x128xi32, #tpu.memory_space<hbm>> -> memref<80x128xi32, #tpu.memory_space<hbm>>
      tpu.wait_dma2 semaphore(%run_scoped3A : memref<!tpu.dma_semaphore, #tpu.memory_space<semaphore_mem>>) src(%dma_wait3A_175 : memref<80x128xi32, #tpu.memory_space<hbm>>) dst(%arg11 : memref<80x128xi32, #tpu.memory_space<vmem>>)
      tpu.yield
    }) : () -> ()
    "tpu.region"() ({
      %run_scoped3A = tpu.sem_alloc : memref<!tpu.dma_semaphore, #tpu.memory_space<semaphore_mem>>
      %dma_start3A_160 = arith.constant 0 : i32
      %dma_start3A_161 = arith.constant 0 : i32
      %dma_start3A_162 = tpu.memref_slice %arg4[%add3A_4, %dma_start3A_160, %dma_start3A_161] : memref<32x80x128xi32, #tpu.memory_space<hbm>> -> memref<1x80x128xi32, #tpu.memory_space<hbm>>
      %dma_start3A_163 = tpu.memref_squeeze %dma_start3A_162 : memref<1x80x128xi32, #tpu.memory_space<hbm>> -> memref<80x128xi32, #tpu.memory_space<hbm>>
      %dma_start3A_164 = arith.constant 0 : i32
      %dma_start3A_165 = arith.constant 0 : i32
      %dma_start3A_166 = tpu.memref_slice %arg4[%add3A_4, %dma_start3A_164, %dma_start3A_165] : memref<32x80x128xi32, #tpu.memory_space<hbm>> -> memref<1x80x128xi32, #tpu.memory_space<hbm>>
      %dma_start3A_167 = tpu.memref_squeeze %dma_start3A_166 : memref<1x80x128xi32, #tpu.memory_space<hbm>> -> memref<80x128xi32, #tpu.memory_space<hbm>>
      tpu.enqueue_dma source(%dma_start3A_167 : memref<80x128xi32, #tpu.memory_space<hbm>>) target(%arg12 : memref<80x128xi32, #tpu.memory_space<vmem>>) target_semaphore(%run_scoped3A : memref<!tpu.dma_semaphore, #tpu.memory_space<semaphore_mem>>)
      %dma_wait3A_168 = arith.constant 0 : i32
      %dma_wait3A_169 = arith.constant 0 : i32
      %dma_wait3A_170 = tpu.memref_slice %arg4[%add3A_4, %dma_wait3A_168, %dma_wait3A_169] : memref<32x80x128xi32, #tpu.memory_space<hbm>> -> memref<1x80x128xi32, #tpu.memory_space<hbm>>
      %dma_wait3A_171 = tpu.memref_squeeze %dma_wait3A_170 : memref<1x80x128xi32, #tpu.memory_space<hbm>> -> memref<80x128xi32, #tpu.memory_space<hbm>>
      %dma_wait3A_172 = arith.constant 0 : i32
      %dma_wait3A_173 = arith.constant 0 : i32
      %dma_wait3A_174 = tpu.memref_slice %arg4[%add3A_4, %dma_wait3A_172, %dma_wait3A_173] : memref<32x80x128xi32, #tpu.memory_space<hbm>> -> memref<1x80x128xi32, #tpu.memory_space<hbm>>
      %dma_wait3A_175 = tpu.memref_squeeze %dma_wait3A_174 : memref<1x80x128xi32, #tpu.memory_space<hbm>> -> memref<80x128xi32, #tpu.memory_space<hbm>>
      tpu.wait_dma2 semaphore(%run_scoped3A : memref<!tpu.dma_semaphore, #tpu.memory_space<semaphore_mem>>) src(%dma_wait3A_175 : memref<80x128xi32, #tpu.memory_space<hbm>>) dst(%arg12 : memref<80x128xi32, #tpu.memory_space<vmem>>)
      tpu.yield
    }) : () -> ()
    "tpu.region"() ({
      %run_scoped3A = tpu.sem_alloc : memref<!tpu.dma_semaphore, #tpu.memory_space<semaphore_mem>>
      tpu.enqueue_dma source(%arg5 : memref<5x128xi32, #tpu.memory_space<hbm>>) target(%arg14 : memref<5x128xi32, #tpu.memory_space<vmem>>) target_semaphore(%run_scoped3A : memref<!tpu.dma_semaphore, #tpu.memory_space<semaphore_mem>>)
      tpu.wait_dma2 semaphore(%run_scoped3A : memref<!tpu.dma_semaphore, #tpu.memory_space<semaphore_mem>>) src(%arg5 : memref<5x128xi32, #tpu.memory_space<hbm>>) dst(%arg14 : memref<5x128xi32, #tpu.memory_space<vmem>>)
      tpu.yield
    }) : () -> ()
    %scan3A = arith.constant 0 : i32
    %scan3A_5 = arith.constant 640 : i32
    %scan3A_6 = arith.addi %scan3A, %scan3A_5 : i32
    %scan3A_7 = arith.constant 1 : i32
    scf.for %scan3A_160 = %scan3A to %scan3A_6 step %scan3A_7  : i32 {
      %mul3A_161 = arith.constant 1 : i32
      %mul3A_162 = arith.muli %scan3A_160, %mul3A_161 : i32
      %add3A_163 = arith.constant 0 : i32
      %add3A_164 = arith.addi %add3A_163, %mul3A_162 : i32
      %broadcast_in_dim3A_165 = arith.constant 0.000000e+00 : f32
      %broadcast_in_dim3A_166 = vector.broadcast %broadcast_in_dim3A_165 : f32 to vector<16xf32>
      %swap3A = arith.index_cast %add3A_164 : i32 to index
      %swap3A_167 = arith.constant 0 : index
      %swap3A_168 = tpu.vector_load %arg13[%swap3A, %swap3A_167] {strides = array<i32>} : memref<640x16xf32, #tpu.memory_space<vmem>>, vector<16xf32>,
      tpu.vector_store %arg13[%swap3A, %swap3A_167], %broadcast_in_dim3A_166 {strides = array<i32>} : memref<640x16xf32, #tpu.memory_space<vmem>>, vector<16xf32>,
    }
    %scan3A_8 = arith.constant 640 : i32
    %scan3A_9 = arith.constant 0 : i32
    %scan3A_10 = arith.constant 128 : i32
    %scan3A_11 = arith.addi %scan3A_9, %scan3A_10 : i32
    %scan3A_12 = arith.constant 1 : i32
    scf.for %scan3A_160 = %scan3A_9 to %scan3A_11 step %scan3A_12  : i32 {
      %mul3A_161 = arith.constant 1 : i32
      %mul3A_162 = arith.muli %scan3A_160, %mul3A_161 : i32
      %add3A_163 = arith.constant 0 : i32
      %add3A_164 = arith.addi %add3A_163, %mul3A_162 : i32
      %broadcast_in_dim3A_165 = arith.constant 0.000000e+00 : f32
      %broadcast_in_dim3A_166 = vector.broadcast %broadcast_in_dim3A_165 : f32 to vector<16xf32>
      %swap3A = arith.index_cast %add3A_164 : i32 to index
      %swap3A_167 = arith.constant 0 : index
      %swap3A_168 = tpu.vector_load %arg23[%swap3A, %swap3A_167] {strides = array<i32>} : memref<128x16xf32, #tpu.memory_space<vmem>>, vector<16xf32>,
      tpu.vector_store %arg23[%swap3A, %swap3A_167], %broadcast_in_dim3A_166 {strides = array<i32>} : memref<128x16xf32, #tpu.memory_space<vmem>>, vector<16xf32>,
    }
    %scan3A_13 = arith.constant 128 : i32
    %eq3A = arith.constant 0 : i32
    %eq3A_14 = arith.cmpi eq, %arg1, %eq3A : i32
    %convert_element_type3A = arith.extui %eq3A_14 : i1 to i32
    %cond3A = arith.constant 0 : i32
    %cond3A_15 = arith.cmpi ne, %convert_element_type3A, %cond3A : i32
    scf.if %cond3A_15 {
      "tpu.region"() ({
        %run_scoped3A = tpu.sem_alloc : memref<!tpu.dma_semaphore, #tpu.memory_space<semaphore_mem>>
        %dma_start3A_160 = arith.constant 0 : i32
        %dma_start3A_161 = arith.constant 0 : i32
        %dma_start3A_162 = tpu.memref_slice %arg27[%dma_start3A_160, %dma_start3A_161] : memref<640x16xf32, #tpu.memory_space<vmem_shared>> -> memref<128x16xf32, #tpu.memory_space<vmem_shared>>
        %dma_start3A_163 = arith.constant 0 : i32
        %dma_start3A_164 = arith.constant 0 : i32
        %dma_start3A_165 = tpu.memref_slice %arg27[%dma_start3A_163, %dma_start3A_164] : memref<640x16xf32, #tpu.memory_space<vmem_shared>> -> memref<128x16xf32, #tpu.memory_space<vmem_shared>>
        tpu.enqueue_dma source(%arg23 : memref<128x16xf32, #tpu.memory_space<vmem>>) target(%dma_start3A_165 : memref<128x16xf32, #tpu.memory_space<vmem_shared>>) target_semaphore(%run_scoped3A : memref<!tpu.dma_semaphore, #tpu.memory_space<semaphore_mem>>)
        %dma_wait3A_166 = arith.constant 0 : i32
        %dma_wait3A_167 = arith.constant 0 : i32
        %dma_wait3A_168 = tpu.memref_slice %arg27[%dma_wait3A_166, %dma_wait3A_167] : memref<640x16xf32, #tpu.memory_space<vmem_shared>> -> memref<128x16xf32, #tpu.memory_space<vmem_shared>>
        %dma_wait3A_169 = arith.constant 0 : i32
        %dma_wait3A_170 = arith.constant 0 : i32
        %dma_wait3A_171 = tpu.memref_slice %arg27[%dma_wait3A_169, %dma_wait3A_170] : memref<640x16xf32, #tpu.memory_space<vmem_shared>> -> memref<128x16xf32, #tpu.memory_space<vmem_shared>>
        tpu.wait_dma2 semaphore(%run_scoped3A : memref<!tpu.dma_semaphore, #tpu.memory_space<semaphore_mem>>) src(%arg23 : memref<128x16xf32, #tpu.memory_space<vmem>>) dst(%dma_wait3A_171 : memref<128x16xf32, #tpu.memory_space<vmem_shared>>)
        tpu.yield
      }) : () -> ()
      "tpu.region"() ({
        %run_scoped3A = tpu.sem_alloc : memref<!tpu.dma_semaphore, #tpu.memory_space<semaphore_mem>>
        %dma_start3A_160 = arith.constant 128 : i32
        %dma_start3A_161 = arith.constant 0 : i32
        %dma_start3A_162 = tpu.memref_slice %arg27[%dma_start3A_160, %dma_start3A_161] : memref<640x16xf32, #tpu.memory_space<vmem_shared>> -> memref<128x16xf32, #tpu.memory_space<vmem_shared>>
        %dma_start3A_163 = arith.constant 128 : i32
        %dma_start3A_164 = arith.constant 0 : i32
        %dma_start3A_165 = tpu.memref_slice %arg27[%dma_start3A_163, %dma_start3A_164] : memref<640x16xf32, #tpu.memory_space<vmem_shared>> -> memref<128x16xf32, #tpu.memory_space<vmem_shared>>
        tpu.enqueue_dma source(%arg23 : memref<128x16xf32, #tpu.memory_space<vmem>>) target(%dma_start3A_165 : memref<128x16xf32, #tpu.memory_space<vmem_shared>>) target_semaphore(%run_scoped3A : memref<!tpu.dma_semaphore, #tpu.memory_space<semaphore_mem>>)
        %dma_wait3A_166 = arith.constant 128 : i32
        %dma_wait3A_167 = arith.constant 0 : i32
        %dma_wait3A_168 = tpu.memref_slice %arg27[%dma_wait3A_166, %dma_wait3A_167] : memref<640x16xf32, #tpu.memory_space<vmem_shared>> -> memref<128x16xf32, #tpu.memory_space<vmem_shared>>
        %dma_wait3A_169 = arith.constant 128 : i32
        %dma_wait3A_170 = arith.constant 0 : i32
        %dma_wait3A_171 = tpu.memref_slice %arg27[%dma_wait3A_169, %dma_wait3A_170] : memref<640x16xf32, #tpu.memory_space<vmem_shared>> -> memref<128x16xf32, #tpu.memory_space<vmem_shared>>
        tpu.wait_dma2 semaphore(%run_scoped3A : memref<!tpu.dma_semaphore, #tpu.memory_space<semaphore_mem>>) src(%arg23 : memref<128x16xf32, #tpu.memory_space<vmem>>) dst(%dma_wait3A_171 : memref<128x16xf32, #tpu.memory_space<vmem_shared>>)
        tpu.yield
      }) : () -> ()
      "tpu.region"() ({
        %run_scoped3A = tpu.sem_alloc : memref<!tpu.dma_semaphore, #tpu.memory_space<semaphore_mem>>
        %dma_start3A_160 = arith.constant 256 : i32
        %dma_start3A_161 = arith.constant 0 : i32
        %dma_start3A_162 = tpu.memref_slice %arg27[%dma_start3A_160, %dma_start3A_161] : memref<640x16xf32, #tpu.memory_space<vmem_shared>> -> memref<128x16xf32, #tpu.memory_space<vmem_shared>>
        %dma_start3A_163 = arith.constant 256 : i32
        %dma_start3A_164 = arith.constant 0 : i32
        %dma_start3A_165 = tpu.memref_slice %arg27[%dma_start3A_163, %dma_start3A_164] : memref<640x16xf32, #tpu.memory_space<vmem_shared>> -> memref<128x16xf32, #tpu.memory_space<vmem_shared>>
        tpu.enqueue_dma source(%arg23 : memref<128x16xf32, #tpu.memory_space<vmem>>) target(%dma_start3A_165 : memref<128x16xf32, #tpu.memory_space<vmem_shared>>) target_semaphore(%run_scoped3A : memref<!tpu.dma_semaphore, #tpu.memory_space<semaphore_mem>>)
        %dma_wait3A_166 = arith.constant 256 : i32
        %dma_wait3A_167 = arith.constant 0 : i32
        %dma_wait3A_168 = tpu.memref_slice %arg27[%dma_wait3A_166, %dma_wait3A_167] : memref<640x16xf32, #tpu.memory_space<vmem_shared>> -> memref<128x16xf32, #tpu.memory_space<vmem_shared>>
        %dma_wait3A_169 = arith.constant 256 : i32
        %dma_wait3A_170 = arith.constant 0 : i32
        %dma_wait3A_171 = tpu.memref_slice %arg27[%dma_wait3A_169, %dma_wait3A_170] : memref<640x16xf32, #tpu.memory_space<vmem_shared>> -> memref<128x16xf32, #tpu.memory_space<vmem_shared>>
        tpu.wait_dma2 semaphore(%run_scoped3A : memref<!tpu.dma_semaphore, #tpu.memory_space<semaphore_mem>>) src(%arg23 : memref<128x16xf32, #tpu.memory_space<vmem>>) dst(%dma_wait3A_171 : memref<128x16xf32, #tpu.memory_space<vmem_shared>>)
        tpu.yield
      }) : () -> ()
      "tpu.region"() ({
        %run_scoped3A = tpu.sem_alloc : memref<!tpu.dma_semaphore, #tpu.memory_space<semaphore_mem>>
        %dma_start3A_160 = arith.constant 384 : i32
        %dma_start3A_161 = arith.constant 0 : i32
        %dma_start3A_162 = tpu.memref_slice %arg27[%dma_start3A_160, %dma_start3A_161] : memref<640x16xf32, #tpu.memory_space<vmem_shared>> -> memref<128x16xf32, #tpu.memory_space<vmem_shared>>
        %dma_start3A_163 = arith.constant 384 : i32
        %dma_start3A_164 = arith.constant 0 : i32
        %dma_start3A_165 = tpu.memref_slice %arg27[%dma_start3A_163, %dma_start3A_164] : memref<640x16xf32, #tpu.memory_space<vmem_shared>> -> memref<128x16xf32, #tpu.memory_space<vmem_shared>>
        tpu.enqueue_dma source(%arg23 : memref<128x16xf32, #tpu.memory_space<vmem>>) target(%dma_start3A_165 : memref<128x16xf32, #tpu.memory_space<vmem_shared>>) target_semaphore(%run_scoped3A : memref<!tpu.dma_semaphore, #tpu.memory_space<semaphore_mem>>)
        %dma_wait3A_166 = arith.constant 384 : i32
        %dma_wait3A_167 = arith.constant 0 : i32
        %dma_wait3A_168 = tpu.memref_slice %arg27[%dma_wait3A_166, %dma_wait3A_167] : memref<640x16xf32, #tpu.memory_space<vmem_shared>> -> memref<128x16xf32, #tpu.memory_space<vmem_shared>>
        %dma_wait3A_169 = arith.constant 384 : i32
        %dma_wait3A_170 = arith.constant 0 : i32
        %dma_wait3A_171 = tpu.memref_slice %arg27[%dma_wait3A_169, %dma_wait3A_170] : memref<640x16xf32, #tpu.memory_space<vmem_shared>> -> memref<128x16xf32, #tpu.memory_space<vmem_shared>>
        tpu.wait_dma2 semaphore(%run_scoped3A : memref<!tpu.dma_semaphore, #tpu.memory_space<semaphore_mem>>) src(%arg23 : memref<128x16xf32, #tpu.memory_space<vmem>>) dst(%dma_wait3A_171 : memref<128x16xf32, #tpu.memory_space<vmem_shared>>)
        tpu.yield
      }) : () -> ()
      "tpu.region"() ({
        %run_scoped3A = tpu.sem_alloc : memref<!tpu.dma_semaphore, #tpu.memory_space<semaphore_mem>>
        %dma_start3A_160 = arith.constant 512 : i32
        %dma_start3A_161 = arith.constant 0 : i32
        %dma_start3A_162 = tpu.memref_slice %arg27[%dma_start3A_160, %dma_start3A_161] : memref<640x16xf32, #tpu.memory_space<vmem_shared>> -> memref<128x16xf32, #tpu.memory_space<vmem_shared>>
        %dma_start3A_163 = arith.constant 512 : i32
        %dma_start3A_164 = arith.constant 0 : i32
        %dma_start3A_165 = tpu.memref_slice %arg27[%dma_start3A_163, %dma_start3A_164] : memref<640x16xf32, #tpu.memory_space<vmem_shared>> -> memref<128x16xf32, #tpu.memory_space<vmem_shared>>
        tpu.enqueue_dma source(%arg23 : memref<128x16xf32, #tpu.memory_space<vmem>>) target(%dma_start3A_165 : memref<128x16xf32, #tpu.memory_space<vmem_shared>>) target_semaphore(%run_scoped3A : memref<!tpu.dma_semaphore, #tpu.memory_space<semaphore_mem>>)
        %dma_wait3A_166 = arith.constant 512 : i32
        %dma_wait3A_167 = arith.constant 0 : i32
        %dma_wait3A_168 = tpu.memref_slice %arg27[%dma_wait3A_166, %dma_wait3A_167] : memref<640x16xf32, #tpu.memory_space<vmem_shared>> -> memref<128x16xf32, #tpu.memory_space<vmem_shared>>
        %dma_wait3A_169 = arith.constant 512 : i32
        %dma_wait3A_170 = arith.constant 0 : i32
        %dma_wait3A_171 = tpu.memref_slice %arg27[%dma_wait3A_169, %dma_wait3A_170] : memref<640x16xf32, #tpu.memory_space<vmem_shared>> -> memref<128x16xf32, #tpu.memory_space<vmem_shared>>
        tpu.wait_dma2 semaphore(%run_scoped3A : memref<!tpu.dma_semaphore, #tpu.memory_space<semaphore_mem>>) src(%arg23 : memref<128x16xf32, #tpu.memory_space<vmem>>) dst(%dma_wait3A_171 : memref<128x16xf32, #tpu.memory_space<vmem_shared>>)
        tpu.yield
      }) : () -> ()
    } else {
    }
    %eq3A_16 = arith.constant 1 : i32
    %eq3A_17 = arith.cmpi eq, %arg0, %eq3A_16 : i32
    %convert_element_type3A_18 = arith.extui %eq3A_17 : i1 to i32
    %cond3A_19 = arith.constant 0 : i32
    %cond3A_20 = arith.cmpi ne, %convert_element_type3A_18, %cond3A_19 : i32
    scf.if %cond3A_20 {
      %mul3A_160 = arith.constant 624 : i32
      %mul3A_161 = arith.muli %arg1, %mul3A_160 : i32
      %add3A_162 = arith.constant 0 : i32
      %add3A_163 = arith.addi %mul3A_161, %add3A_162 : i32
      "tpu.region"() ({
        %run_scoped3A = tpu.sem_alloc : memref<!tpu.dma_semaphore, #tpu.memory_space<semaphore_mem>>
        %dma_start3A_185 = arith.constant 0 : i32
        %dma_start3A_186 = tpu.memref_slice %arg28[%add3A_163, %dma_start3A_185] : memref<10016x16xf32, #tpu.memory_space<vmem_shared>> -> memref<128x16xf32, #tpu.memory_space<vmem_shared>>
        %dma_start3A_187 = arith.constant 0 : i32
        %dma_start3A_188 = tpu.memref_slice %arg28[%add3A_163, %dma_start3A_187] : memref<10016x16xf32, #tpu.memory_space<vmem_shared>> -> memref<128x16xf32, #tpu.memory_space<vmem_shared>>
        tpu.enqueue_dma source(%arg23 : memref<128x16xf32, #tpu.memory_space<vmem>>) target(%dma_start3A_188 : memref<128x16xf32, #tpu.memory_space<vmem_shared>>) target_semaphore(%run_scoped3A : memref<!tpu.dma_semaphore, #tpu.memory_space<semaphore_mem>>)
        %dma_wait3A_189 = arith.constant 0 : i32
        %dma_wait3A_190 = tpu.memref_slice %arg28[%add3A_163, %dma_wait3A_189] : memref<10016x16xf32, #tpu.memory_space<vmem_shared>> -> memref<128x16xf32, #tpu.memory_space<vmem_shared>>
        %dma_wait3A_191 = arith.constant 0 : i32
        %dma_wait3A_192 = tpu.memref_slice %arg28[%add3A_163, %dma_wait3A_191] : memref<10016x16xf32, #tpu.memory_space<vmem_shared>> -> memref<128x16xf32, #tpu.memory_space<vmem_shared>>
        tpu.wait_dma2 semaphore(%run_scoped3A : memref<!tpu.dma_semaphore, #tpu.memory_space<semaphore_mem>>) src(%arg23 : memref<128x16xf32, #tpu.memory_space<vmem>>) dst(%dma_wait3A_192 : memref<128x16xf32, #tpu.memory_space<vmem_shared>>)
        tpu.yield
      }) : () -> ()
      %mul3A_164 = arith.constant 624 : i32
      %mul3A_165 = arith.muli %arg1, %mul3A_164 : i32
      %add3A_166 = arith.constant 128 : i32
      %add3A_167 = arith.addi %mul3A_165, %add3A_166 : i32
      "tpu.region"() ({
        %run_scoped3A = tpu.sem_alloc : memref<!tpu.dma_semaphore, #tpu.memory_space<semaphore_mem>>
        %dma_start3A_185 = arith.constant 0 : i32
        %dma_start3A_186 = tpu.memref_slice %arg28[%add3A_167, %dma_start3A_185] : memref<10016x16xf32, #tpu.memory_space<vmem_shared>> -> memref<128x16xf32, #tpu.memory_space<vmem_shared>>
        %dma_start3A_187 = arith.constant 0 : i32
        %dma_start3A_188 = tpu.memref_slice %arg28[%add3A_167, %dma_start3A_187] : memref<10016x16xf32, #tpu.memory_space<vmem_shared>> -> memref<128x16xf32, #tpu.memory_space<vmem_shared>>
        tpu.enqueue_dma source(%arg23 : memref<128x16xf32, #tpu.memory_space<vmem>>) target(%dma_start3A_188 : memref<128x16xf32, #tpu.memory_space<vmem_shared>>) target_semaphore(%run_scoped3A : memref<!tpu.dma_semaphore, #tpu.memory_space<semaphore_mem>>)
        %dma_wait3A_189 = arith.constant 0 : i32
        %dma_wait3A_190 = tpu.memref_slice %arg28[%add3A_167, %dma_wait3A_189] : memref<10016x16xf32, #tpu.memory_space<vmem_shared>> -> memref<128x16xf32, #tpu.memory_space<vmem_shared>>
        %dma_wait3A_191 = arith.constant 0 : i32
        %dma_wait3A_192 = tpu.memref_slice %arg28[%add3A_167, %dma_wait3A_191] : memref<10016x16xf32, #tpu.memory_space<vmem_shared>> -> memref<128x16xf32, #tpu.memory_space<vmem_shared>>
        tpu.wait_dma2 semaphore(%run_scoped3A : memref<!tpu.dma_semaphore, #tpu.memory_space<semaphore_mem>>) src(%arg23 : memref<128x16xf32, #tpu.memory_space<vmem>>) dst(%dma_wait3A_192 : memref<128x16xf32, #tpu.memory_space<vmem_shared>>)
        tpu.yield
      }) : () -> ()
      %mul3A_168 = arith.constant 624 : i32
      %mul3A_169 = arith.muli %arg1, %mul3A_168 : i32
      %add3A_170 = arith.constant 256 : i32
      %add3A_171 = arith.addi %mul3A_169, %add3A_170 : i32
      "tpu.region"() ({
        %run_scoped3A = tpu.sem_alloc : memref<!tpu.dma_semaphore, #tpu.memory_space<semaphore_mem>>
        %dma_start3A_185 = arith.constant 0 : i32
        %dma_start3A_186 = tpu.memref_slice %arg28[%add3A_171, %dma_start3A_185] : memref<10016x16xf32, #tpu.memory_space<vmem_shared>> -> memref<128x16xf32, #tpu.memory_space<vmem_shared>>
        %dma_start3A_187 = arith.constant 0 : i32
        %dma_start3A_188 = tpu.memref_slice %arg28[%add3A_171, %dma_start3A_187] : memref<10016x16xf32, #tpu.memory_space<vmem_shared>> -> memref<128x16xf32, #tpu.memory_space<vmem_shared>>
        tpu.enqueue_dma source(%arg23 : memref<128x16xf32, #tpu.memory_space<vmem>>) target(%dma_start3A_188 : memref<128x16xf32, #tpu.memory_space<vmem_shared>>) target_semaphore(%run_scoped3A : memref<!tpu.dma_semaphore, #tpu.memory_space<semaphore_mem>>)
        %dma_wait3A_189 = arith.constant 0 : i32
        %dma_wait3A_190 = tpu.memref_slice %arg28[%add3A_171, %dma_wait3A_189] : memref<10016x16xf32, #tpu.memory_space<vmem_shared>> -> memref<128x16xf32, #tpu.memory_space<vmem_shared>>
        %dma_wait3A_191 = arith.constant 0 : i32
        %dma_wait3A_192 = tpu.memref_slice %arg28[%add3A_171, %dma_wait3A_191] : memref<10016x16xf32, #tpu.memory_space<vmem_shared>> -> memref<128x16xf32, #tpu.memory_space<vmem_shared>>
        tpu.wait_dma2 semaphore(%run_scoped3A : memref<!tpu.dma_semaphore, #tpu.memory_space<semaphore_mem>>) src(%arg23 : memref<128x16xf32, #tpu.memory_space<vmem>>) dst(%dma_wait3A_192 : memref<128x16xf32, #tpu.memory_space<vmem_shared>>)
        tpu.yield
      }) : () -> ()
      %mul3A_172 = arith.constant 624 : i32
      %mul3A_173 = arith.muli %arg1, %mul3A_172 : i32
      %add3A_174 = arith.constant 384 : i32
      %add3A_175 = arith.addi %mul3A_173, %add3A_174 : i32
      "tpu.region"() ({
        %run_scoped3A = tpu.sem_alloc : memref<!tpu.dma_semaphore, #tpu.memory_space<semaphore_mem>>
        %dma_start3A_185 = arith.constant 0 : i32
        %dma_start3A_186 = tpu.memref_slice %arg28[%add3A_175, %dma_start3A_185] : memref<10016x16xf32, #tpu.memory_space<vmem_shared>> -> memref<128x16xf32, #tpu.memory_space<vmem_shared>>
        %dma_start3A_187 = arith.constant 0 : i32
        %dma_start3A_188 = tpu.memref_slice %arg28[%add3A_175, %dma_start3A_187] : memref<10016x16xf32, #tpu.memory_space<vmem_shared>> -> memref<128x16xf32, #tpu.memory_space<vmem_shared>>
        tpu.enqueue_dma source(%arg23 : memref<128x16xf32, #tpu.memory_space<vmem>>) target(%dma_start3A_188 : memref<128x16xf32, #tpu.memory_space<vmem_shared>>) target_semaphore(%run_scoped3A : memref<!tpu.dma_semaphore, #tpu.memory_space<semaphore_mem>>)
        %dma_wait3A_189 = arith.constant 0 : i32
        %dma_wait3A_190 = tpu.memref_slice %arg28[%add3A_175, %dma_wait3A_189] : memref<10016x16xf32, #tpu.memory_space<vmem_shared>> -> memref<128x16xf32, #tpu.memory_space<vmem_shared>>
        %dma_wait3A_191 = arith.constant 0 : i32
        %dma_wait3A_192 = tpu.memref_slice %arg28[%add3A_175, %dma_wait3A_191] : memref<10016x16xf32, #tpu.memory_space<vmem_shared>> -> memref<128x16xf32, #tpu.memory_space<vmem_shared>>
        tpu.wait_dma2 semaphore(%run_scoped3A : memref<!tpu.dma_semaphore, #tpu.memory_space<semaphore_mem>>) src(%arg23 : memref<128x16xf32, #tpu.memory_space<vmem>>) dst(%dma_wait3A_192 : memref<128x16xf32, #tpu.memory_space<vmem_shared>>)
        tpu.yield
      }) : () -> ()
      %mul3A_176 = arith.constant 624 : i32
      %mul3A_177 = arith.muli %arg1, %mul3A_176 : i32
      %add3A_178 = arith.constant 512 : i32
      %add3A_179 = arith.addi %mul3A_177, %add3A_178 : i32
      "tpu.region"() ({
        %run_scoped3A = tpu.sem_alloc : memref<!tpu.dma_semaphore, #tpu.memory_space<semaphore_mem>>
        %dma_start3A_185 = arith.constant 0 : i32
        %dma_start3A_186 = arith.constant 0 : i32
        %dma_start3A_187 = tpu.memref_slice %arg23[%dma_start3A_185, %dma_start3A_186] : memref<128x16xf32, #tpu.memory_space<vmem>> -> memref<112x16xf32, #tpu.memory_space<vmem>>
        %dma_start3A_188 = arith.constant 0 : i32
        %dma_start3A_189 = tpu.memref_slice %arg28[%add3A_179, %dma_start3A_188] : memref<10016x16xf32, #tpu.memory_space<vmem_shared>> -> memref<112x16xf32, #tpu.memory_space<vmem_shared>>
        %dma_start3A_190 = arith.constant 0 : i32
        %dma_start3A_191 = tpu.memref_slice %arg28[%add3A_179, %dma_start3A_190] : memref<10016x16xf32, #tpu.memory_space<vmem_shared>> -> memref<112x16xf32, #tpu.memory_space<vmem_shared>>
        %dma_start3A_192 = arith.constant 0 : i32
        %dma_start3A_193 = arith.constant 0 : i32
        %dma_start3A_194 = tpu.memref_slice %arg23[%dma_start3A_192, %dma_start3A_193] : memref<128x16xf32, #tpu.memory_space<vmem>> -> memref<112x16xf32, #tpu.memory_space<vmem>>
        tpu.enqueue_dma source(%dma_start3A_194 : memref<112x16xf32, #tpu.memory_space<vmem>>) target(%dma_start3A_191 : memref<112x16xf32, #tpu.memory_space<vmem_shared>>) target_semaphore(%run_scoped3A : memref<!tpu.dma_semaphore, #tpu.memory_space<semaphore_mem>>)
        %dma_wait3A_195 = arith.constant 0 : i32
        %dma_wait3A_196 = arith.constant 0 : i32
        %dma_wait3A_197 = tpu.memref_slice %arg23[%dma_wait3A_195, %dma_wait3A_196] : memref<128x16xf32, #tpu.memory_space<vmem>> -> memref<112x16xf32, #tpu.memory_space<vmem>>
        %dma_wait3A_198 = arith.constant 0 : i32
        %dma_wait3A_199 = tpu.memref_slice %arg28[%add3A_179, %dma_wait3A_198] : memref<10016x16xf32, #tpu.memory_space<vmem_shared>> -> memref<112x16xf32, #tpu.memory_space<vmem_shared>>
        %dma_wait3A_200 = arith.constant 0 : i32
        %dma_wait3A_201 = tpu.memref_slice %arg28[%add3A_179, %dma_wait3A_200] : memref<10016x16xf32, #tpu.memory_space<vmem_shared>> -> memref<112x16xf32, #tpu.memory_space<vmem_shared>>
        %dma_wait3A_202 = arith.constant 0 : i32
        %dma_wait3A_203 = arith.constant 0 : i32
        %dma_wait3A_204 = tpu.memref_slice %arg23[%dma_wait3A_202, %dma_wait3A_203] : memref<128x16xf32, #tpu.memory_space<vmem>> -> memref<112x16xf32, #tpu.memory_space<vmem>>
        tpu.wait_dma2 semaphore(%run_scoped3A : memref<!tpu.dma_semaphore, #tpu.memory_space<semaphore_mem>>) src(%dma_wait3A_204 : memref<112x16xf32, #tpu.memory_space<vmem>>) dst(%dma_wait3A_201 : memref<112x16xf32, #tpu.memory_space<vmem_shared>>)
        tpu.yield
      }) : () -> ()
      %eq3A_180 = arith.constant 0 : i32
      %eq3A_181 = arith.cmpi eq, %arg1, %eq3A_180 : i32
      %convert_element_type3A_182 = arith.extui %eq3A_181 : i1 to i32
      %cond3A_183 = arith.constant 0 : i32
      %cond3A_184 = arith.cmpi ne, %convert_element_type3A_182, %cond3A_183 : i32
      scf.if %cond3A_184 {
        "tpu.region"() ({
          %run_scoped3A = tpu.sem_alloc : memref<!tpu.dma_semaphore, #tpu.memory_space<semaphore_mem>>
          %dma_start3A_185 = arith.constant 0 : i32
          %dma_start3A_186 = arith.constant 0 : i32
          %dma_start3A_187 = tpu.memref_slice %arg23[%dma_start3A_185, %dma_start3A_186] : memref<128x16xf32, #tpu.memory_space<vmem>> -> memref<16x16xf32, #tpu.memory_space<vmem>>
          %dma_start3A_188 = arith.constant 9984 : i32
          %dma_start3A_189 = arith.constant 0 : i32
          %dma_start3A_190 = tpu.memref_slice %arg28[%dma_start3A_188, %dma_start3A_189] : memref<10016x16xf32, #tpu.memory_space<vmem_shared>> -> memref<16x16xf32, #tpu.memory_space<vmem_shared>>
          %dma_start3A_191 = arith.constant 9984 : i32
          %dma_start3A_192 = arith.constant 0 : i32
          %dma_start3A_193 = tpu.memref_slice %arg28[%dma_start3A_191, %dma_start3A_192] : memref<10016x16xf32, #tpu.memory_space<vmem_shared>> -> memref<16x16xf32, #tpu.memory_space<vmem_shared>>
          %dma_start3A_194 = arith.constant 0 : i32
          %dma_start3A_195 = arith.constant 0 : i32
          %dma_start3A_196 = tpu.memref_slice %arg23[%dma_start3A_194, %dma_start3A_195] : memref<128x16xf32, #tpu.memory_space<vmem>> -> memref<16x16xf32, #tpu.memory_space<vmem>>
          tpu.enqueue_dma source(%dma_start3A_196 : memref<16x16xf32, #tpu.memory_space<vmem>>) target(%dma_start3A_193 : memref<16x16xf32, #tpu.memory_space<vmem_shared>>) target_semaphore(%run_scoped3A : memref<!tpu.dma_semaphore, #tpu.memory_space<semaphore_mem>>)
          %dma_wait3A_197 = arith.constant 0 : i32
          %dma_wait3A_198 = arith.constant 0 : i32
          %dma_wait3A_199 = tpu.memref_slice %arg23[%dma_wait3A_197, %dma_wait3A_198] : memref<128x16xf32, #tpu.memory_space<vmem>> -> memref<16x16xf32, #tpu.memory_space<vmem>>
          %dma_wait3A_200 = arith.constant 9984 : i32
          %dma_wait3A_201 = arith.constant 0 : i32
          %dma_wait3A_202 = tpu.memref_slice %arg28[%dma_wait3A_200, %dma_wait3A_201] : memref<10016x16xf32, #tpu.memory_space<vmem_shared>> -> memref<16x16xf32, #tpu.memory_space<vmem_shared>>
          %dma_wait3A_203 = arith.constant 9984 : i32
          %dma_wait3A_204 = arith.constant 0 : i32
          %dma_wait3A_205 = tpu.memref_slice %arg28[%dma_wait3A_203, %dma_wait3A_204] : memref<10016x16xf32, #tpu.memory_space<vmem_shared>> -> memref<16x16xf32, #tpu.memory_space<vmem_shared>>
          %dma_wait3A_206 = arith.constant 0 : i32
          %dma_wait3A_207 = arith.constant 0 : i32
          %dma_wait3A_208 = tpu.memref_slice %arg23[%dma_wait3A_206, %dma_wait3A_207] : memref<128x16xf32, #tpu.memory_space<vmem>> -> memref<16x16xf32, #tpu.memory_space<vmem>>
          tpu.wait_dma2 semaphore(%run_scoped3A : memref<!tpu.dma_semaphore, #tpu.memory_space<semaphore_mem>>) src(%dma_wait3A_208 : memref<16x16xf32, #tpu.memory_space<vmem>>) dst(%dma_wait3A_205 : memref<16x16xf32, #tpu.memory_space<vmem_shared>>)
          tpu.yield
        }) : () -> ()
      } else {
      }
    } else {
    }
    %barrier3A = arith.constant 0 : index
    tpu.barrier barrier_id(%barrier3A)
    %broadcast_in_dim3A = arith.constant 1.000000e+00 : f32
    %broadcast_in_dim3A_21 = vector.broadcast %broadcast_in_dim3A : f32 to vector<16xf32>
    %scan3A_22 = arith.constant 0 : i32
    %scan3A_23 = arith.constant 80 : i32
    %scan3A_24 = arith.addi %scan3A_22, %scan3A_23 : i32
    %scan3A_25 = arith.constant 1 : i32
    scf.for %scan3A_160 = %scan3A_22 to %scan3A_24 step %scan3A_25  : i32 {
      %mul3A_161 = arith.constant 1 : i32
      %mul3A_162 = arith.muli %scan3A_160, %mul3A_161 : i32
      %add3A_163 = arith.constant 0 : i32
      %add3A_164 = arith.addi %add3A_163, %mul3A_162 : i32
      %get3A = arith.index_cast %add3A_164 : i32 to index
      %get3A_165 = arith.constant 0 : index
      %get3A_166 = tpu.vector_load %arg11[%get3A, %get3A_165] {strides = array<i32>} : memref<80x128xi32, #tpu.memory_space<vmem>>, vector<16xi32>,
      %shift_right_logical3A = arith.constant 4 : i32
      %shift_right_logical3A_167 = vector.broadcast %shift_right_logical3A : i32 to vector<16xi32>
      %shift_right_logical3A_168 = arith.shrui %get3A_166, %shift_right_logical3A_167 : vector<16xi32>
      %and3A = arith.constant 15 : i32
      %and3A_169 = vector.broadcast %and3A : i32 to vector<16xi32>
      %and3A_170 = arith.andi %get3A_166, %and3A_169 : vector<16xi32>
      tpu.vector_store_idx %arg13[%shift_right_logical3A_168, %and3A_170], %broadcast_in_dim3A_21 {add = true} : memref<640x16xf32, #tpu.memory_space<vmem>>[vector<16xi32>, vector<16xi32>], vector<16xf32>,
      %get3A_171 = arith.index_cast %add3A_164 : i32 to index
      %get3A_172 = arith.constant 16 : index
      %get3A_173 = tpu.vector_load %arg11[%get3A_171, %get3A_172] {strides = array<i32>} : memref<80x128xi32, #tpu.memory_space<vmem>>, vector<16xi32>,
      %shift_right_logical3A_174 = arith.constant 4 : i32
      %shift_right_logical3A_175 = vector.broadcast %shift_right_logical3A_174 : i32 to vector<16xi32>
      %shift_right_logical3A_176 = arith.shrui %get3A_173, %shift_right_logical3A_175 : vector<16xi32>
      %and3A_177 = arith.constant 15 : i32
      %and3A_178 = vector.broadcast %and3A_177 : i32 to vector<16xi32>
      %and3A_179 = arith.andi %get3A_173, %and3A_178 : vector<16xi32>
      tpu.vector_store_idx %arg13[%shift_right_logical3A_176, %and3A_179], %broadcast_in_dim3A_21 {add = true} : memref<640x16xf32, #tpu.memory_space<vmem>>[vector<16xi32>, vector<16xi32>], vector<16xf32>,
      %get3A_180 = arith.index_cast %add3A_164 : i32 to index
      %get3A_181 = arith.constant 32 : index
      %get3A_182 = tpu.vector_load %arg11[%get3A_180, %get3A_181] {strides = array<i32>} : memref<80x128xi32, #tpu.memory_space<vmem>>, vector<16xi32>,
      %shift_right_logical3A_183 = arith.constant 4 : i32
      %shift_right_logical3A_184 = vector.broadcast %shift_right_logical3A_183 : i32 to vector<16xi32>
      %shift_right_logical3A_185 = arith.shrui %get3A_182, %shift_right_logical3A_184 : vector<16xi32>
      %and3A_186 = arith.constant 15 : i32
      %and3A_187 = vector.broadcast %and3A_186 : i32 to vector<16xi32>
      %and3A_188 = arith.andi %get3A_182, %and3A_187 : vector<16xi32>
      tpu.vector_store_idx %arg13[%shift_right_logical3A_185, %and3A_188], %broadcast_in_dim3A_21 {add = true} : memref<640x16xf32, #tpu.memory_space<vmem>>[vector<16xi32>, vector<16xi32>], vector<16xf32>,
      %get3A_189 = arith.index_cast %add3A_164 : i32 to index
      %get3A_190 = arith.constant 48 : index
      %get3A_191 = tpu.vector_load %arg11[%get3A_189, %get3A_190] {strides = array<i32>} : memref<80x128xi32, #tpu.memory_space<vmem>>, vector<16xi32>,
      %shift_right_logical3A_192 = arith.constant 4 : i32
      %shift_right_logical3A_193 = vector.broadcast %shift_right_logical3A_192 : i32 to vector<16xi32>
      %shift_right_logical3A_194 = arith.shrui %get3A_191, %shift_right_logical3A_193 : vector<16xi32>
      %and3A_195 = arith.constant 15 : i32
      %and3A_196 = vector.broadcast %and3A_195 : i32 to vector<16xi32>
      %and3A_197 = arith.andi %get3A_191, %and3A_196 : vector<16xi32>
      tpu.vector_store_idx %arg13[%shift_right_logical3A_194, %and3A_197], %broadcast_in_dim3A_21 {add = true} : memref<640x16xf32, #tpu.memory_space<vmem>>[vector<16xi32>, vector<16xi32>], vector<16xf32>,
      %get3A_198 = arith.index_cast %add3A_164 : i32 to index
      %get3A_199 = arith.constant 64 : index
      %get3A_200 = tpu.vector_load %arg11[%get3A_198, %get3A_199] {strides = array<i32>} : memref<80x128xi32, #tpu.memory_space<vmem>>, vector<16xi32>,
      %shift_right_logical3A_201 = arith.constant 4 : i32
      %shift_right_logical3A_202 = vector.broadcast %shift_right_logical3A_201 : i32 to vector<16xi32>
      %shift_right_logical3A_203 = arith.shrui %get3A_200, %shift_right_logical3A_202 : vector<16xi32>
      %and3A_204 = arith.constant 15 : i32
      %and3A_205 = vector.broadcast %and3A_204 : i32 to vector<16xi32>
      %and3A_206 = arith.andi %get3A_200, %and3A_205 : vector<16xi32>
      tpu.vector_store_idx %arg13[%shift_right_logical3A_203, %and3A_206], %broadcast_in_dim3A_21 {add = true} : memref<640x16xf32, #tpu.memory_space<vmem>>[vector<16xi32>, vector<16xi32>], vector<16xf32>,
      %get3A_207 = arith.index_cast %add3A_164 : i32 to index
      %get3A_208 = arith.constant 80 : index
      %get3A_209 = tpu.vector_load %arg11[%get3A_207, %get3A_208] {strides = array<i32>} : memref<80x128xi32, #tpu.memory_space<vmem>>, vector<16xi32>,
      %shift_right_logical3A_210 = arith.constant 4 : i32
      %shift_right_logical3A_211 = vector.broadcast %shift_right_logical3A_210 : i32 to vector<16xi32>
      %shift_right_logical3A_212 = arith.shrui %get3A_209, %shift_right_logical3A_211 : vector<16xi32>
      %and3A_213 = arith.constant 15 : i32
      %and3A_214 = vector.broadcast %and3A_213 : i32 to vector<16xi32>
      %and3A_215 = arith.andi %get3A_209, %and3A_214 : vector<16xi32>
      tpu.vector_store_idx %arg13[%shift_right_logical3A_212, %and3A_215], %broadcast_in_dim3A_21 {add = true} : memref<640x16xf32, #tpu.memory_space<vmem>>[vector<16xi32>, vector<16xi32>], vector<16xf32>,
      %get3A_216 = arith.index_cast %add3A_164 : i32 to index
      %get3A_217 = arith.constant 96 : index
      %get3A_218 = tpu.vector_load %arg11[%get3A_216, %get3A_217] {strides = array<i32>} : memref<80x128xi32, #tpu.memory_space<vmem>>, vector<16xi32>,
      %shift_right_logical3A_219 = arith.constant 4 : i32
      %shift_right_logical3A_220 = vector.broadcast %shift_right_logical3A_219 : i32 to vector<16xi32>
      %shift_right_logical3A_221 = arith.shrui %get3A_218, %shift_right_logical3A_220 : vector<16xi32>
      %and3A_222 = arith.constant 15 : i32
      %and3A_223 = vector.broadcast %and3A_222 : i32 to vector<16xi32>
      %and3A_224 = arith.andi %get3A_218, %and3A_223 : vector<16xi32>
      tpu.vector_store_idx %arg13[%shift_right_logical3A_221, %and3A_224], %broadcast_in_dim3A_21 {add = true} : memref<640x16xf32, #tpu.memory_space<vmem>>[vector<16xi32>, vector<16xi32>], vector<16xf32>,
      %get3A_225 = arith.index_cast %add3A_164 : i32 to index
      %get3A_226 = arith.constant 112 : index
      %get3A_227 = tpu.vector_load %arg11[%get3A_225, %get3A_226] {strides = array<i32>} : memref<80x128xi32, #tpu.memory_space<vmem>>, vector<16xi32>,
      %shift_right_logical3A_228 = arith.constant 4 : i32
      %shift_right_logical3A_229 = vector.broadcast %shift_right_logical3A_228 : i32 to vector<16xi32>
      %shift_right_logical3A_230 = arith.shrui %get3A_227, %shift_right_logical3A_229 : vector<16xi32>
      %and3A_231 = arith.constant 15 : i32
      %and3A_232 = vector.broadcast %and3A_231 : i32 to vector<16xi32>
      %and3A_233 = arith.andi %get3A_227, %and3A_232 : vector<16xi32>
      tpu.vector_store_idx %arg13[%shift_right_logical3A_230, %and3A_233], %broadcast_in_dim3A_21 {add = true} : memref<640x16xf32, #tpu.memory_space<vmem>>[vector<16xi32>, vector<16xi32>], vector<16xf32>,
      %get3A_234 = arith.index_cast %add3A_164 : i32 to index
      %get3A_235 = arith.constant 0 : index
      %get3A_236 = tpu.vector_load %arg12[%get3A_234, %get3A_235] {strides = array<i32>} : memref<80x128xi32, #tpu.memory_space<vmem>>, vector<16xi32>,
      %shift_right_logical3A_237 = arith.constant 4 : i32
      %shift_right_logical3A_238 = vector.broadcast %shift_right_logical3A_237 : i32 to vector<16xi32>
      %shift_right_logical3A_239 = arith.shrui %get3A_236, %shift_right_logical3A_238 : vector<16xi32>
      %and3A_240 = arith.constant 15 : i32
      %and3A_241 = vector.broadcast %and3A_240 : i32 to vector<16xi32>
      %and3A_242 = arith.andi %get3A_236, %and3A_241 : vector<16xi32>
      tpu.vector_store_idx %arg13[%shift_right_logical3A_239, %and3A_242], %broadcast_in_dim3A_21 {add = true} : memref<640x16xf32, #tpu.memory_space<vmem>>[vector<16xi32>, vector<16xi32>], vector<16xf32>,
      %get3A_243 = arith.index_cast %add3A_164 : i32 to index
      %get3A_244 = arith.constant 16 : index
      %get3A_245 = tpu.vector_load %arg12[%get3A_243, %get3A_244] {strides = array<i32>} : memref<80x128xi32, #tpu.memory_space<vmem>>, vector<16xi32>,
      %shift_right_logical3A_246 = arith.constant 4 : i32
      %shift_right_logical3A_247 = vector.broadcast %shift_right_logical3A_246 : i32 to vector<16xi32>
      %shift_right_logical3A_248 = arith.shrui %get3A_245, %shift_right_logical3A_247 : vector<16xi32>
      %and3A_249 = arith.constant 15 : i32
      %and3A_250 = vector.broadcast %and3A_249 : i32 to vector<16xi32>
      %and3A_251 = arith.andi %get3A_245, %and3A_250 : vector<16xi32>
      tpu.vector_store_idx %arg13[%shift_right_logical3A_248, %and3A_251], %broadcast_in_dim3A_21 {add = true} : memref<640x16xf32, #tpu.memory_space<vmem>>[vector<16xi32>, vector<16xi32>], vector<16xf32>,
      %get3A_252 = arith.index_cast %add3A_164 : i32 to index
      %get3A_253 = arith.constant 32 : index
      %get3A_254 = tpu.vector_load %arg12[%get3A_252, %get3A_253] {strides = array<i32>} : memref<80x128xi32, #tpu.memory_space<vmem>>, vector<16xi32>,
      %shift_right_logical3A_255 = arith.constant 4 : i32
      %shift_right_logical3A_256 = vector.broadcast %shift_right_logical3A_255 : i32 to vector<16xi32>
      %shift_right_logical3A_257 = arith.shrui %get3A_254, %shift_right_logical3A_256 : vector<16xi32>
      %and3A_258 = arith.constant 15 : i32
      %and3A_259 = vector.broadcast %and3A_258 : i32 to vector<16xi32>
      %and3A_260 = arith.andi %get3A_254, %and3A_259 : vector<16xi32>
      tpu.vector_store_idx %arg13[%shift_right_logical3A_257, %and3A_260], %broadcast_in_dim3A_21 {add = true} : memref<640x16xf32, #tpu.memory_space<vmem>>[vector<16xi32>, vector<16xi32>], vector<16xf32>,
      %get3A_261 = arith.index_cast %add3A_164 : i32 to index
      %get3A_262 = arith.constant 48 : index
      %get3A_263 = tpu.vector_load %arg12[%get3A_261, %get3A_262] {strides = array<i32>} : memref<80x128xi32, #tpu.memory_space<vmem>>, vector<16xi32>,
      %shift_right_logical3A_264 = arith.constant 4 : i32
      %shift_right_logical3A_265 = vector.broadcast %shift_right_logical3A_264 : i32 to vector<16xi32>
      %shift_right_logical3A_266 = arith.shrui %get3A_263, %shift_right_logical3A_265 : vector<16xi32>
      %and3A_267 = arith.constant 15 : i32
      %and3A_268 = vector.broadcast %and3A_267 : i32 to vector<16xi32>
      %and3A_269 = arith.andi %get3A_263, %and3A_268 : vector<16xi32>
      tpu.vector_store_idx %arg13[%shift_right_logical3A_266, %and3A_269], %broadcast_in_dim3A_21 {add = true} : memref<640x16xf32, #tpu.memory_space<vmem>>[vector<16xi32>, vector<16xi32>], vector<16xf32>,
      %get3A_270 = arith.index_cast %add3A_164 : i32 to index
      %get3A_271 = arith.constant 64 : index
      %get3A_272 = tpu.vector_load %arg12[%get3A_270, %get3A_271] {strides = array<i32>} : memref<80x128xi32, #tpu.memory_space<vmem>>, vector<16xi32>,
      %shift_right_logical3A_273 = arith.constant 4 : i32
      %shift_right_logical3A_274 = vector.broadcast %shift_right_logical3A_273 : i32 to vector<16xi32>
      %shift_right_logical3A_275 = arith.shrui %get3A_272, %shift_right_logical3A_274 : vector<16xi32>
      %and3A_276 = arith.constant 15 : i32
      %and3A_277 = vector.broadcast %and3A_276 : i32 to vector<16xi32>
      %and3A_278 = arith.andi %get3A_272, %and3A_277 : vector<16xi32>
      tpu.vector_store_idx %arg13[%shift_right_logical3A_275, %and3A_278], %broadcast_in_dim3A_21 {add = true} : memref<640x16xf32, #tpu.memory_space<vmem>>[vector<16xi32>, vector<16xi32>], vector<16xf32>,
      %get3A_279 = arith.index_cast %add3A_164 : i32 to index
      %get3A_280 = arith.constant 80 : index
      %get3A_281 = tpu.vector_load %arg12[%get3A_279, %get3A_280] {strides = array<i32>} : memref<80x128xi32, #tpu.memory_space<vmem>>, vector<16xi32>,
      %shift_right_logical3A_282 = arith.constant 4 : i32
      %shift_right_logical3A_283 = vector.broadcast %shift_right_logical3A_282 : i32 to vector<16xi32>
      %shift_right_logical3A_284 = arith.shrui %get3A_281, %shift_right_logical3A_283 : vector<16xi32>
      %and3A_285 = arith.constant 15 : i32
      %and3A_286 = vector.broadcast %and3A_285 : i32 to vector<16xi32>
      %and3A_287 = arith.andi %get3A_281, %and3A_286 : vector<16xi32>
      tpu.vector_store_idx %arg13[%shift_right_logical3A_284, %and3A_287], %broadcast_in_dim3A_21 {add = true} : memref<640x16xf32, #tpu.memory_space<vmem>>[vector<16xi32>, vector<16xi32>], vector<16xf32>,
      %get3A_288 = arith.index_cast %add3A_164 : i32 to index
      %get3A_289 = arith.constant 96 : index
      %get3A_290 = tpu.vector_load %arg12[%get3A_288, %get3A_289] {strides = array<i32>} : memref<80x128xi32, #tpu.memory_space<vmem>>, vector<16xi32>,
      %shift_right_logical3A_291 = arith.constant 4 : i32
      %shift_right_logical3A_292 = vector.broadcast %shift_right_logical3A_291 : i32 to vector<16xi32>
      %shift_right_logical3A_293 = arith.shrui %get3A_290, %shift_right_logical3A_292 : vector<16xi32>
      %and3A_294 = arith.constant 15 : i32
      %and3A_295 = vector.broadcast %and3A_294 : i32 to vector<16xi32>
      %and3A_296 = arith.andi %get3A_290, %and3A_295 : vector<16xi32>
      tpu.vector_store_idx %arg13[%shift_right_logical3A_293, %and3A_296], %broadcast_in_dim3A_21 {add = true} : memref<640x16xf32, #tpu.memory_space<vmem>>[vector<16xi32>, vector<16xi32>], vector<16xf32>,
      %get3A_297 = arith.index_cast %add3A_164 : i32 to index
      %get3A_298 = arith.constant 112 : index
      %get3A_299 = tpu.vector_load %arg12[%get3A_297, %get3A_298] {strides = array<i32>} : memref<80x128xi32, #tpu.memory_space<vmem>>, vector<16xi32>,
      %shift_right_logical3A_300 = arith.constant 4 : i32
      %shift_right_logical3A_301 = vector.broadcast %shift_right_logical3A_300 : i32 to vector<16xi32>
      %shift_right_logical3A_302 = arith.shrui %get3A_299, %shift_right_logical3A_301 : vector<16xi32>
      %and3A_303 = arith.constant 15 : i32
      %and3A_304 = vector.broadcast %and3A_303 : i32 to vector<16xi32>
      %and3A_305 = arith.andi %get3A_299, %and3A_304 : vector<16xi32>
      tpu.vector_store_idx %arg13[%shift_right_logical3A_302, %and3A_305], %broadcast_in_dim3A_21 {add = true} : memref<640x16xf32, #tpu.memory_space<vmem>>[vector<16xi32>, vector<16xi32>], vector<16xf32>,
    }
    %scan3A_26 = arith.constant 80 : i32
    %scan3A_27 = arith.constant 0 : i32
    %scan3A_28 = arith.constant 5 : i32
    %scan3A_29 = arith.addi %scan3A_27, %scan3A_28 : i32
    %scan3A_30 = arith.constant 1 : i32
    scf.for %scan3A_160 = %scan3A_27 to %scan3A_29 step %scan3A_30  : i32 {
      %mul3A_161 = arith.constant 1 : i32
      %mul3A_162 = arith.muli %scan3A_160, %mul3A_161 : i32
      %add3A_163 = arith.constant 0 : i32
      %add3A_164 = arith.addi %add3A_163, %mul3A_162 : i32
      %mul3A_165 = arith.constant 128 : i32
      %mul3A_166 = arith.muli %add3A_164, %mul3A_165 : i32
      "tpu.region"() ({
        %run_scoped3A = tpu.sem_alloc : memref<!tpu.dma_semaphore, #tpu.memory_space<semaphore_mem>>
        %dma_start3A_167 = arith.constant 0 : i32
        %dma_start3A_168 = tpu.memref_slice %arg13[%mul3A_166, %dma_start3A_167] : memref<640x16xf32, #tpu.memory_space<vmem>> -> memref<128x16xf32, #tpu.memory_space<vmem>>
        %dma_start3A_169 = arith.constant 0 : i32
        %dma_start3A_170 = tpu.memref_slice %arg14[%add3A_164, %dma_start3A_169] : memref<5x128xi32, #tpu.memory_space<vmem>> -> memref<1x128xi32, #tpu.memory_space<vmem>>
        %dma_start3A_171 = tpu.memref_squeeze %dma_start3A_170 : memref<1x128xi32, #tpu.memory_space<vmem>> -> memref<128xi32, #tpu.memory_space<vmem>>
        %dma_start3A_172 = arith.constant 0 : i32
        %dma_start3A_173 = arith.constant 0 : i32
        %dma_start3A_174 = tpu.memref_slice %arg27[%dma_start3A_172, %dma_start3A_173] : memref<640x16xf32, #tpu.memory_space<vmem_shared>> -> memref<640x16xf32, #tpu.memory_space<vmem_shared>>
        tpu.enqueue_indirect_dma source(%dma_start3A_168 : memref<128x16xf32, #tpu.memory_space<vmem>>) target(%dma_start3A_174 : memref<640x16xf32, #tpu.memory_space<vmem_shared>>) offsets(%dma_start3A_171 : memref<128xi32, #tpu.memory_space<vmem>>) semaphore(%run_scoped3A : memref<!tpu.dma_semaphore, #tpu.memory_space<semaphore_mem>>) {add = true}
        %dma_wait3A_175 = arith.constant 0 : i32
        %dma_wait3A_176 = tpu.memref_slice %arg13[%mul3A_166, %dma_wait3A_175] : memref<640x16xf32, #tpu.memory_space<vmem>> -> memref<128x16xf32, #tpu.memory_space<vmem>>
        %dma_wait3A_177 = arith.constant 0 : i32
        %dma_wait3A_178 = tpu.memref_slice %arg14[%add3A_164, %dma_wait3A_177] : memref<5x128xi32, #tpu.memory_space<vmem>> -> memref<1x128xi32, #tpu.memory_space<vmem>>
        %dma_wait3A_179 = tpu.memref_squeeze %dma_wait3A_178 : memref<1x128xi32, #tpu.memory_space<vmem>> -> memref<128xi32, #tpu.memory_space<vmem>>
        %dma_wait3A_180 = arith.constant 0 : i32
        %dma_wait3A_181 = arith.constant 0 : i32
        %dma_wait3A_182 = tpu.memref_slice %arg27[%dma_wait3A_180, %dma_wait3A_181] : memref<640x16xf32, #tpu.memory_space<vmem_shared>> -> memref<640x16xf32, #tpu.memory_space<vmem_shared>>
        tpu.wait_indirect_dma semaphore(%run_scoped3A : memref<!tpu.dma_semaphore, #tpu.memory_space<semaphore_mem>>) src(%dma_wait3A_176 : memref<128x16xf32, #tpu.memory_space<vmem>>) dst(%dma_wait3A_182 : memref<640x16xf32, #tpu.memory_space<vmem_shared>>)
        tpu.yield
      }) : () -> ()
    }
    %scan3A_31 = arith.constant 5 : i32
    %barrier3A_32 = arith.constant 0 : index
    tpu.barrier barrier_id(%barrier3A_32)
    %mul3A_33 = arith.constant 39 : i32
    %mul3A_34 = arith.muli %arg1, %mul3A_33 : i32
    "tpu.region"() ({
      %run_scoped3A = tpu.sem_alloc : memref<!tpu.dma_semaphore, #tpu.memory_space<semaphore_mem>>
      %dma_start3A_160 = arith.constant 0 : i32
      %dma_start3A_161 = arith.constant 0 : i32
      %dma_start3A_162 = tpu.memref_slice %arg15[%dma_start3A_160, %dma_start3A_161] : memref<40x16xf32, #tpu.memory_space<vmem>> -> memref<39x16xf32, #tpu.memory_space<vmem>>
      %dma_start3A_163 = arith.constant 0 : i32
      %dma_start3A_164 = tpu.memref_slice %arg27[%mul3A_34, %dma_start3A_163] : memref<640x16xf32, #tpu.memory_space<vmem_shared>> -> memref<39x16xf32, #tpu.memory_space<vmem_shared>>
      %dma_start3A_165 = arith.constant 0 : i32
      %dma_start3A_166 = arith.constant 0 : i32
      %dma_start3A_167 = tpu.memref_slice %arg15[%dma_start3A_165, %dma_start3A_166] : memref<40x16xf32, #tpu.memory_space<vmem>> -> memref<39x16xf32, #tpu.memory_space<vmem>>
      %dma_start3A_168 = arith.constant 0 : i32
      %dma_start3A_169 = tpu.memref_slice %arg27[%mul3A_34, %dma_start3A_168] : memref<640x16xf32, #tpu.memory_space<vmem_shared>> -> memref<39x16xf32, #tpu.memory_space<vmem_shared>>
      tpu.enqueue_dma source(%dma_start3A_169 : memref<39x16xf32, #tpu.memory_space<vmem_shared>>) target(%dma_start3A_167 : memref<39x16xf32, #tpu.memory_space<vmem>>) target_semaphore(%run_scoped3A : memref<!tpu.dma_semaphore, #tpu.memory_space<semaphore_mem>>)
      %dma_wait3A_170 = arith.constant 0 : i32
      %dma_wait3A_171 = arith.constant 0 : i32
      %dma_wait3A_172 = tpu.memref_slice %arg15[%dma_wait3A_170, %dma_wait3A_171] : memref<40x16xf32, #tpu.memory_space<vmem>> -> memref<39x16xf32, #tpu.memory_space<vmem>>
      %dma_wait3A_173 = arith.constant 0 : i32
      %dma_wait3A_174 = tpu.memref_slice %arg27[%mul3A_34, %dma_wait3A_173] : memref<640x16xf32, #tpu.memory_space<vmem_shared>> -> memref<39x16xf32, #tpu.memory_space<vmem_shared>>
      %dma_wait3A_175 = arith.constant 0 : i32
      %dma_wait3A_176 = arith.constant 0 : i32
      %dma_wait3A_177 = tpu.memref_slice %arg15[%dma_wait3A_175, %dma_wait3A_176] : memref<40x16xf32, #tpu.memory_space<vmem>> -> memref<39x16xf32, #tpu.memory_space<vmem>>
      %dma_wait3A_178 = arith.constant 0 : i32
      %dma_wait3A_179 = tpu.memref_slice %arg27[%mul3A_34, %dma_wait3A_178] : memref<640x16xf32, #tpu.memory_space<vmem_shared>> -> memref<39x16xf32, #tpu.memory_space<vmem_shared>>
      tpu.wait_dma2 semaphore(%run_scoped3A : memref<!tpu.dma_semaphore, #tpu.memory_space<semaphore_mem>>) src(%dma_wait3A_179 : memref<39x16xf32, #tpu.memory_space<vmem_shared>>) dst(%dma_wait3A_177 : memref<39x16xf32, #tpu.memory_space<vmem>>)
      tpu.yield
    }) : () -> ()
    %eq3A_35 = arith.constant 0 : i32
    %eq3A_36 = arith.cmpi eq, %arg1, %eq3A_35 : i32
    %convert_element_type3A_37 = arith.extui %eq3A_36 : i1 to i32
    %cond3A_38 = arith.constant 0 : i32
    %cond3A_39 = arith.cmpi ne, %convert_element_type3A_37, %cond3A_38 : i32
    scf.if %cond3A_39 {
      "tpu.region"() ({
        %run_scoped3A = tpu.sem_alloc : memref<!tpu.dma_semaphore, #tpu.memory_space<semaphore_mem>>
        %dma_start3A_160 = arith.constant 39 : i32
        %dma_start3A_161 = arith.constant 0 : i32
        %dma_start3A_162 = tpu.memref_slice %arg15[%dma_start3A_160, %dma_start3A_161] : memref<40x16xf32, #tpu.memory_space<vmem>> -> memref<1x16xf32, #tpu.memory_space<vmem>>
        %dma_start3A_163 = arith.constant 624 : i32
        %dma_start3A_164 = arith.constant 0 : i32
        %dma_start3A_165 = tpu.memref_slice %arg27[%dma_start3A_163, %dma_start3A_164] : memref<640x16xf32, #tpu.memory_space<vmem_shared>> -> memref<1x16xf32, #tpu.memory_space<vmem_shared>>
        %dma_start3A_166 = arith.constant 39 : i32
        %dma_start3A_167 = arith.constant 0 : i32
        %dma_start3A_168 = tpu.memref_slice %arg15[%dma_start3A_166, %dma_start3A_167] : memref<40x16xf32, #tpu.memory_space<vmem>> -> memref<1x16xf32, #tpu.memory_space<vmem>>
        %dma_start3A_169 = arith.constant 624 : i32
        %dma_start3A_170 = arith.constant 0 : i32
        %dma_start3A_171 = tpu.memref_slice %arg27[%dma_start3A_169, %dma_start3A_170] : memref<640x16xf32, #tpu.memory_space<vmem_shared>> -> memref<1x16xf32, #tpu.memory_space<vmem_shared>>
        tpu.enqueue_dma source(%dma_start3A_171 : memref<1x16xf32, #tpu.memory_space<vmem_shared>>) target(%dma_start3A_168 : memref<1x16xf32, #tpu.memory_space<vmem>>) target_semaphore(%run_scoped3A : memref<!tpu.dma_semaphore, #tpu.memory_space<semaphore_mem>>)
        %dma_wait3A_172 = arith.constant 39 : i32
        %dma_wait3A_173 = arith.constant 0 : i32
        %dma_wait3A_174 = tpu.memref_slice %arg15[%dma_wait3A_172, %dma_wait3A_173] : memref<40x16xf32, #tpu.memory_space<vmem>> -> memref<1x16xf32, #tpu.memory_space<vmem>>
        %dma_wait3A_175 = arith.constant 624 : i32
        %dma_wait3A_176 = arith.constant 0 : i32
        %dma_wait3A_177 = tpu.memref_slice %arg27[%dma_wait3A_175, %dma_wait3A_176] : memref<640x16xf32, #tpu.memory_space<vmem_shared>> -> memref<1x16xf32, #tpu.memory_space<vmem_shared>>
        %dma_wait3A_178 = arith.constant 39 : i32
        %dma_wait3A_179 = arith.constant 0 : i32
        %dma_wait3A_180 = tpu.memref_slice %arg15[%dma_wait3A_178, %dma_wait3A_179] : memref<40x16xf32, #tpu.memory_space<vmem>> -> memref<1x16xf32, #tpu.memory_space<vmem>>
        %dma_wait3A_181 = arith.constant 624 : i32
        %dma_wait3A_182 = arith.constant 0 : i32
        %dma_wait3A_183 = tpu.memref_slice %arg27[%dma_wait3A_181, %dma_wait3A_182] : memref<640x16xf32, #tpu.memory_space<vmem_shared>> -> memref<1x16xf32, #tpu.memory_space<vmem_shared>>
        tpu.wait_dma2 semaphore(%run_scoped3A : memref<!tpu.dma_semaphore, #tpu.memory_space<semaphore_mem>>) src(%dma_wait3A_183 : memref<1x16xf32, #tpu.memory_space<vmem_shared>>) dst(%dma_wait3A_180 : memref<1x16xf32, #tpu.memory_space<vmem>>)
        tpu.yield
      }) : () -> ()
    } else {
    }
    %scan3A_40 = arith.constant 0 : i32
    %scan3A_41 = arith.constant 39 : i32
    %scan3A_42 = arith.addi %scan3A_40, %scan3A_41 : i32
    %scan3A_43 = arith.constant 1 : i32
    scf.for %scan3A_160 = %scan3A_40 to %scan3A_42 step %scan3A_43  : i32 {
      %mul3A_161 = arith.constant 1 : i32
      %mul3A_162 = arith.muli %scan3A_160, %mul3A_161 : i32
      %add3A_163 = arith.constant 0 : i32
      %add3A_164 = arith.addi %add3A_163, %mul3A_162 : i32
      %get3A = arith.index_cast %add3A_164 : i32 to index
      %get3A_165 = arith.constant 0 : index
      %get3A_166 = tpu.vector_load %arg15[%get3A, %get3A_165] {strides = array<i32>} : memref<40x16xf32, #tpu.memory_space<vmem>>, vector<16xf32>,
      %add3A_167 = arith.constant 1.000000e+00 : f32
      %add3A_168 = vector.broadcast %add3A_167 : f32 to vector<16xf32>
      %add3A_169 = arith.addf %add3A_168, %get3A_166 : vector<16xf32>
      %bitcast3A = vector.bitcast %add3A_169 : vector<16xf32> to vector<16xi32>
      %shift_right_logical3A = arith.constant 1 : i32
      %shift_right_logical3A_170 = vector.broadcast %shift_right_logical3A : i32 to vector<16xi32>
      %shift_right_logical3A_171 = arith.shrui %bitcast3A, %shift_right_logical3A_170 : vector<16xi32>
      %sub3A_172 = arith.constant 1597463007 : i32
      %sub3A_173 = vector.broadcast %sub3A_172 : i32 to vector<16xi32>
      %sub3A_174 = arith.subi %sub3A_173, %shift_right_logical3A_171 : vector<16xi32>
      %bitcast3A_175 = vector.bitcast %sub3A_174 : vector<16xi32> to vector<16xf32>
      %mul3A_176 = arith.constant 5.000000e-01 : f32
      %mul3A_177 = vector.broadcast %mul3A_176 : f32 to vector<16xf32>
      %mul3A_178 = arith.mulf %mul3A_177, %add3A_169 : vector<16xf32>
      %mul3A_179 = arith.mulf %mul3A_178, %bitcast3A_175 : vector<16xf32>
      %mul3A_180 = arith.mulf %mul3A_179, %bitcast3A_175 : vector<16xf32>
      %sub3A_181 = arith.constant 1.500000e+00 : f32
      %sub3A_182 = vector.broadcast %sub3A_181 : f32 to vector<16xf32>
      %sub3A_183 = arith.subf %sub3A_182, %mul3A_180 : vector<16xf32>
      %mul3A_184 = arith.mulf %bitcast3A_175, %sub3A_183 : vector<16xf32>
      %mul3A_185 = arith.constant 5.000000e-01 : f32
      %mul3A_186 = vector.broadcast %mul3A_185 : f32 to vector<16xf32>
      %mul3A_187 = arith.mulf %mul3A_186, %add3A_169 : vector<16xf32>
      %mul3A_188 = arith.mulf %mul3A_187, %mul3A_184 : vector<16xf32>
      %mul3A_189 = arith.mulf %mul3A_188, %mul3A_184 : vector<16xf32>
      %sub3A_190 = arith.constant 1.500000e+00 : f32
      %sub3A_191 = vector.broadcast %sub3A_190 : f32 to vector<16xf32>
      %sub3A_192 = arith.subf %sub3A_191, %mul3A_189 : vector<16xf32>
      %mul3A_193 = arith.mulf %mul3A_184, %sub3A_192 : vector<16xf32>
      %mul3A_194 = arith.constant 5.000000e-01 : f32
      %mul3A_195 = vector.broadcast %mul3A_194 : f32 to vector<16xf32>
      %mul3A_196 = arith.mulf %mul3A_195, %add3A_169 : vector<16xf32>
      %mul3A_197 = arith.mulf %mul3A_196, %mul3A_193 : vector<16xf32>
      %mul3A_198 = arith.mulf %mul3A_197, %mul3A_193 : vector<16xf32>
      %sub3A_199 = arith.constant 1.500000e+00 : f32
      %sub3A_200 = vector.broadcast %sub3A_199 : f32 to vector<16xf32>
      %sub3A_201 = arith.subf %sub3A_200, %mul3A_198 : vector<16xf32>
      %mul3A_202 = arith.mulf %mul3A_193, %sub3A_201 : vector<16xf32>
      %mul3A_203 = arith.constant 16 : i32
      %mul3A_204 = arith.muli %add3A_164, %mul3A_203 : i32
      %swap3A = arith.index_cast %mul3A_204 : i32 to index
      %swap3A_205 = tpu.vector_load %arg16[%swap3A] {strides = array<i32>} : memref<640xf32, #tpu.memory_space<vmem>>, vector<16xf32>,
      tpu.vector_store %arg16[%swap3A], %mul3A_202 {strides = array<i32>} : memref<640xf32, #tpu.memory_space<vmem>>, vector<16xf32>,
    }
    %scan3A_44 = arith.constant 39 : i32
    %eq3A_45 = arith.constant 0 : i32
    %eq3A_46 = arith.cmpi eq, %arg1, %eq3A_45 : i32
    %convert_element_type3A_47 = arith.extui %eq3A_46 : i1 to i32
    %cond3A_48 = arith.constant 0 : i32
    %cond3A_49 = arith.cmpi ne, %convert_element_type3A_47, %cond3A_48 : i32
    scf.if %cond3A_49 {
      %get3A = arith.constant 39 : i32
      %get3A_160 = arith.index_cast %get3A : i32 to index
      %get3A_161 = arith.constant 0 : index
      %get3A_162 = tpu.vector_load %arg15[%get3A_160, %get3A_161] {strides = array<i32>} : memref<40x16xf32, #tpu.memory_space<vmem>>, vector<16xf32>,
      %add3A_163 = arith.constant 1.000000e+00 : f32
      %add3A_164 = vector.broadcast %add3A_163 : f32 to vector<16xf32>
      %add3A_165 = arith.addf %add3A_164, %get3A_162 : vector<16xf32>
      %bitcast3A = vector.bitcast %add3A_165 : vector<16xf32> to vector<16xi32>
      %shift_right_logical3A = arith.constant 1 : i32
      %shift_right_logical3A_166 = vector.broadcast %shift_right_logical3A : i32 to vector<16xi32>
      %shift_right_logical3A_167 = arith.shrui %bitcast3A, %shift_right_logical3A_166 : vector<16xi32>
      %sub3A_168 = arith.constant 1597463007 : i32
      %sub3A_169 = vector.broadcast %sub3A_168 : i32 to vector<16xi32>
      %sub3A_170 = arith.subi %sub3A_169, %shift_right_logical3A_167 : vector<16xi32>
      %bitcast3A_171 = vector.bitcast %sub3A_170 : vector<16xi32> to vector<16xf32>
      %mul3A_172 = arith.constant 5.000000e-01 : f32
      %mul3A_173 = vector.broadcast %mul3A_172 : f32 to vector<16xf32>
      %mul3A_174 = arith.mulf %mul3A_173, %add3A_165 : vector<16xf32>
      %mul3A_175 = arith.mulf %mul3A_174, %bitcast3A_171 : vector<16xf32>
      %mul3A_176 = arith.mulf %mul3A_175, %bitcast3A_171 : vector<16xf32>
      %sub3A_177 = arith.constant 1.500000e+00 : f32
      %sub3A_178 = vector.broadcast %sub3A_177 : f32 to vector<16xf32>
      %sub3A_179 = arith.subf %sub3A_178, %mul3A_176 : vector<16xf32>
      %mul3A_180 = arith.mulf %bitcast3A_171, %sub3A_179 : vector<16xf32>
      %mul3A_181 = arith.constant 5.000000e-01 : f32
      %mul3A_182 = vector.broadcast %mul3A_181 : f32 to vector<16xf32>
      %mul3A_183 = arith.mulf %mul3A_182, %add3A_165 : vector<16xf32>
      %mul3A_184 = arith.mulf %mul3A_183, %mul3A_180 : vector<16xf32>
      %mul3A_185 = arith.mulf %mul3A_184, %mul3A_180 : vector<16xf32>
      %sub3A_186 = arith.constant 1.500000e+00 : f32
      %sub3A_187 = vector.broadcast %sub3A_186 : f32 to vector<16xf32>
      %sub3A_188 = arith.subf %sub3A_187, %mul3A_185 : vector<16xf32>
      %mul3A_189 = arith.mulf %mul3A_180, %sub3A_188 : vector<16xf32>
      %mul3A_190 = arith.constant 5.000000e-01 : f32
      %mul3A_191 = vector.broadcast %mul3A_190 : f32 to vector<16xf32>
      %mul3A_192 = arith.mulf %mul3A_191, %add3A_165 : vector<16xf32>
      %mul3A_193 = arith.mulf %mul3A_192, %mul3A_189 : vector<16xf32>
      %mul3A_194 = arith.mulf %mul3A_193, %mul3A_189 : vector<16xf32>
      %sub3A_195 = arith.constant 1.500000e+00 : f32
      %sub3A_196 = vector.broadcast %sub3A_195 : f32 to vector<16xf32>
      %sub3A_197 = arith.subf %sub3A_196, %mul3A_194 : vector<16xf32>
      %mul3A_198 = arith.mulf %mul3A_189, %sub3A_197 : vector<16xf32>
      %swap3A = arith.constant 624 : index
      %swap3A_199 = tpu.vector_load %arg16[%swap3A] {strides = array<i32>} : memref<640xf32, #tpu.memory_space<vmem>>, vector<16xf32>,
      tpu.vector_store %arg16[%swap3A], %mul3A_198 {strides = array<i32>} : memref<640xf32, #tpu.memory_space<vmem>>, vector<16xf32>,
    } else {
    }
    %mul3A_50 = arith.constant 624 : i32
    %mul3A_51 = arith.muli %arg1, %mul3A_50 : i32
    "tpu.region"() ({
      %run_scoped3A = tpu.sem_alloc : memref<!tpu.dma_semaphore, #tpu.memory_space<semaphore_mem>>
      %dma_start3A_160 = arith.constant 0 : i32
      %dma_start3A_161 = tpu.memref_slice %arg2[%mul3A_51, %dma_start3A_160] : memref<10000x16xf32, #tpu.memory_space<hbm>> -> memref<624x16xf32, #tpu.memory_space<hbm>>
      %dma_start3A_162 = arith.constant 0 : i32
      %dma_start3A_163 = tpu.memref_slice %arg2[%mul3A_51, %dma_start3A_162] : memref<10000x16xf32, #tpu.memory_space<hbm>> -> memref<624x16xf32, #tpu.memory_space<hbm>>
      tpu.enqueue_dma source(%dma_start3A_163 : memref<624x16xf32, #tpu.memory_space<hbm>>) target(%arg17 : memref<624x16xf32, #tpu.memory_space<vmem>>) target_semaphore(%run_scoped3A : memref<!tpu.dma_semaphore, #tpu.memory_space<semaphore_mem>>)
      %dma_wait3A_164 = arith.constant 0 : i32
      %dma_wait3A_165 = tpu.memref_slice %arg2[%mul3A_51, %dma_wait3A_164] : memref<10000x16xf32, #tpu.memory_space<hbm>> -> memref<624x16xf32, #tpu.memory_space<hbm>>
      %dma_wait3A_166 = arith.constant 0 : i32
      %dma_wait3A_167 = tpu.memref_slice %arg2[%mul3A_51, %dma_wait3A_166] : memref<10000x16xf32, #tpu.memory_space<hbm>> -> memref<624x16xf32, #tpu.memory_space<hbm>>
      tpu.wait_dma2 semaphore(%run_scoped3A : memref<!tpu.dma_semaphore, #tpu.memory_space<semaphore_mem>>) src(%dma_wait3A_167 : memref<624x16xf32, #tpu.memory_space<hbm>>) dst(%arg17 : memref<624x16xf32, #tpu.memory_space<vmem>>)
      tpu.yield
    }) : () -> ()
    %scan3A_52 = arith.constant 0 : i32
    %scan3A_53 = arith.constant 624 : i32
    %scan3A_54 = arith.addi %scan3A_52, %scan3A_53 : i32
    %scan3A_55 = arith.constant 1 : i32
    scf.for %scan3A_160 = %scan3A_52 to %scan3A_54 step %scan3A_55  : i32 {
      %mul3A_161 = arith.constant 1 : i32
      %mul3A_162 = arith.muli %scan3A_160, %mul3A_161 : i32
      %add3A_163 = arith.constant 0 : i32
      %add3A_164 = arith.addi %add3A_163, %mul3A_162 : i32
      %broadcast_in_dim3A_165 = arith.constant 0 : i32
      %broadcast_in_dim3A_166 = vector.broadcast %broadcast_in_dim3A_165 : i32 to vector<16xi32>
      %add3A_167 = vector.broadcast %add3A_164 : i32 to vector<16xi32>
      %add3A_168 = arith.addi %broadcast_in_dim3A_166, %add3A_167 : vector<16xi32>
      %gather3A = tpu.vector_load_idx %arg16[%add3A_168] : memref<640xf32, #tpu.memory_space<vmem>>[vector<16xi32>], vector<16xf32>,
      %get3A = arith.index_cast %add3A_164 : i32 to index
      %get3A_169 = arith.constant 0 : index
      %get3A_170 = tpu.vector_load %arg17[%get3A, %get3A_169] {strides = array<i32>} : memref<624x16xf32, #tpu.memory_space<vmem>>, vector<16xf32>,
      %mul3A_171 = arith.mulf %get3A_170, %gather3A : vector<16xf32>
      %swap3A = arith.index_cast %add3A_164 : i32 to index
      %swap3A_172 = arith.constant 0 : index
      %swap3A_173 = tpu.vector_load %arg17[%swap3A, %swap3A_172] {strides = array<i32>} : memref<624x16xf32, #tpu.memory_space<vmem>>, vector<16xf32>,
      tpu.vector_store %arg17[%swap3A, %swap3A_172], %mul3A_171 {strides = array<i32>} : memref<624x16xf32, #tpu.memory_space<vmem>>, vector<16xf32>,
      %shift_right_logical3A = arith.constant 3 : i32
      %shift_right_logical3A_174 = arith.shrui %add3A_164, %shift_right_logical3A : i32
      %and3A = arith.constant 7 : i32
      %and3A_175 = arith.andi %add3A_164, %and3A : i32
      %mul3A_176 = arith.constant 48 : i32
      %mul3A_177 = arith.muli %and3A_175, %mul3A_176 : i32
      %add3A_178 = arith.constant 0 : i32
      %add3A_179 = arith.addi %mul3A_177, %add3A_178 : i32
      %swap3A_180 = arith.index_cast %shift_right_logical3A_174 : i32 to index
      %swap3A_181 = arith.index_cast %add3A_179 : i32 to index
      %swap3A_182 = tpu.vector_load %arg20[%swap3A_180, %swap3A_181] {strides = array<i32>} : memref<78x384xf32, #tpu.memory_space<vmem>>, vector<16xf32>,
      tpu.vector_store %arg20[%swap3A_180, %swap3A_181], %gather3A {strides = array<i32>} : memref<78x384xf32, #tpu.memory_space<vmem>>, vector<16xf32>,
      %add3A_183 = arith.constant 16 : i32
      %add3A_184 = arith.addi %mul3A_177, %add3A_183 : i32
      %swap3A_185 = arith.index_cast %shift_right_logical3A_174 : i32 to index
      %swap3A_186 = arith.index_cast %add3A_184 : i32 to index
      %swap3A_187 = tpu.vector_load %arg20[%swap3A_185, %swap3A_186] {strides = array<i32>} : memref<78x384xf32, #tpu.memory_space<vmem>>, vector<16xf32>,
      tpu.vector_store %arg20[%swap3A_185, %swap3A_186], %gather3A {strides = array<i32>} : memref<78x384xf32, #tpu.memory_space<vmem>>, vector<16xf32>,
      %add3A_188 = arith.constant 32 : i32
      %add3A_189 = arith.addi %mul3A_177, %add3A_188 : i32
      %swap3A_190 = arith.index_cast %shift_right_logical3A_174 : i32 to index
      %swap3A_191 = arith.index_cast %add3A_189 : i32 to index
      %swap3A_192 = tpu.vector_load %arg20[%swap3A_190, %swap3A_191] {strides = array<i32>} : memref<78x384xf32, #tpu.memory_space<vmem>>, vector<16xf32>,
      tpu.vector_store %arg20[%swap3A_190, %swap3A_191], %gather3A {strides = array<i32>} : memref<78x384xf32, #tpu.memory_space<vmem>>, vector<16xf32>,
    }
    %scan3A_56 = arith.constant 624 : i32
    %mul3A_57 = arith.constant 624 : i32
    %mul3A_58 = arith.muli %arg1, %mul3A_57 : i32
    "tpu.region"() ({
      %run_scoped3A = tpu.sem_alloc : memref<!tpu.dma_semaphore, #tpu.memory_space<semaphore_mem>>
      %dma_start3A_160 = arith.constant 0 : i32
      %dma_start3A_161 = tpu.memref_slice %arg7[%arg0, %mul3A_58, %dma_start3A_160] : memref<2x10000x16xf32, #tpu.memory_space<hbm>> -> memref<1x624x16xf32, #tpu.memory_space<hbm>>
      %dma_start3A_162 = tpu.memref_squeeze %dma_start3A_161 : memref<1x624x16xf32, #tpu.memory_space<hbm>> -> memref<624x16xf32, #tpu.memory_space<hbm>>
      %dma_start3A_163 = arith.constant 0 : i32
      %dma_start3A_164 = tpu.memref_slice %arg7[%arg0, %mul3A_58, %dma_start3A_163] : memref<2x10000x16xf32, #tpu.memory_space<hbm>> -> memref<1x624x16xf32, #tpu.memory_space<hbm>>
      %dma_start3A_165 = tpu.memref_squeeze %dma_start3A_164 : memref<1x624x16xf32, #tpu.memory_space<hbm>> -> memref<624x16xf32, #tpu.memory_space<hbm>>
      tpu.enqueue_dma source(%arg17 : memref<624x16xf32, #tpu.memory_space<vmem>>) target(%dma_start3A_165 : memref<624x16xf32, #tpu.memory_space<hbm>>) target_semaphore(%run_scoped3A : memref<!tpu.dma_semaphore, #tpu.memory_space<semaphore_mem>>)
      %dma_wait3A_166 = arith.constant 0 : i32
      %dma_wait3A_167 = tpu.memref_slice %arg7[%arg0, %mul3A_58, %dma_wait3A_166] : memref<2x10000x16xf32, #tpu.memory_space<hbm>> -> memref<1x624x16xf32, #tpu.memory_space<hbm>>
      %dma_wait3A_168 = tpu.memref_squeeze %dma_wait3A_167 : memref<1x624x16xf32, #tpu.memory_space<hbm>> -> memref<624x16xf32, #tpu.memory_space<hbm>>
      %dma_wait3A_169 = arith.constant 0 : i32
      %dma_wait3A_170 = tpu.memref_slice %arg7[%arg0, %mul3A_58, %dma_wait3A_169] : memref<2x10000x16xf32, #tpu.memory_space<hbm>> -> memref<1x624x16xf32, #tpu.memory_space<hbm>>
      %dma_wait3A_171 = tpu.memref_squeeze %dma_wait3A_170 : memref<1x624x16xf32, #tpu.memory_space<hbm>> -> memref<624x16xf32, #tpu.memory_space<hbm>>
      tpu.wait_dma2 semaphore(%run_scoped3A : memref<!tpu.dma_semaphore, #tpu.memory_space<semaphore_mem>>) src(%arg17 : memref<624x16xf32, #tpu.memory_space<vmem>>) dst(%dma_wait3A_171 : memref<624x16xf32, #tpu.memory_space<hbm>>)
      tpu.yield
    }) : () -> ()
    %eq3A_59 = arith.constant 0 : i32
    %eq3A_60 = arith.cmpi eq, %arg0, %eq3A_59 : i32
    %convert_element_type3A_61 = arith.extui %eq3A_60 : i1 to i32
    %cond3A_62 = arith.constant 0 : i32
    %cond3A_63 = arith.cmpi ne, %convert_element_type3A_61, %cond3A_62 : i32
    scf.if %cond3A_63 {
      %mul3A_160 = arith.constant 624 : i32
      %mul3A_161 = arith.muli %arg1, %mul3A_160 : i32
      "tpu.region"() ({
        %run_scoped3A = tpu.sem_alloc : memref<!tpu.dma_semaphore, #tpu.memory_space<semaphore_mem>>
        %dma_start3A_166 = arith.constant 0 : i32
        %dma_start3A_167 = tpu.memref_slice %arg28[%mul3A_161, %dma_start3A_166] : memref<10016x16xf32, #tpu.memory_space<vmem_shared>> -> memref<624x16xf32, #tpu.memory_space<vmem_shared>>
        %dma_start3A_168 = arith.constant 0 : i32
        %dma_start3A_169 = tpu.memref_slice %arg28[%mul3A_161, %dma_start3A_168] : memref<10016x16xf32, #tpu.memory_space<vmem_shared>> -> memref<624x16xf32, #tpu.memory_space<vmem_shared>>
        tpu.enqueue_dma source(%arg17 : memref<624x16xf32, #tpu.memory_space<vmem>>) target(%dma_start3A_169 : memref<624x16xf32, #tpu.memory_space<vmem_shared>>) target_semaphore(%run_scoped3A : memref<!tpu.dma_semaphore, #tpu.memory_space<semaphore_mem>>)
        %dma_wait3A_170 = arith.constant 0 : i32
        %dma_wait3A_171 = tpu.memref_slice %arg28[%mul3A_161, %dma_wait3A_170] : memref<10016x16xf32, #tpu.memory_space<vmem_shared>> -> memref<624x16xf32, #tpu.memory_space<vmem_shared>>
        %dma_wait3A_172 = arith.constant 0 : i32
        %dma_wait3A_173 = tpu.memref_slice %arg28[%mul3A_161, %dma_wait3A_172] : memref<10016x16xf32, #tpu.memory_space<vmem_shared>> -> memref<624x16xf32, #tpu.memory_space<vmem_shared>>
        tpu.wait_dma2 semaphore(%run_scoped3A : memref<!tpu.dma_semaphore, #tpu.memory_space<semaphore_mem>>) src(%arg17 : memref<624x16xf32, #tpu.memory_space<vmem>>) dst(%dma_wait3A_173 : memref<624x16xf32, #tpu.memory_space<vmem_shared>>)
        tpu.yield
      }) : () -> ()
      %mul3A_162 = arith.constant 78 : i32
      %mul3A_163 = arith.muli %arg1, %mul3A_162 : i32
      "tpu.region"() ({
        %run_scoped3A = tpu.sem_alloc : memref<!tpu.dma_semaphore, #tpu.memory_space<semaphore_mem>>
        %dma_start3A_166 = arith.constant 0 : i32
        %dma_start3A_167 = tpu.memref_slice %arg8[%mul3A_163, %dma_start3A_166] : memref<1250x384xf32, #tpu.memory_space<hbm>> -> memref<78x384xf32, #tpu.memory_space<hbm>>
        %dma_start3A_168 = arith.constant 0 : i32
        %dma_start3A_169 = tpu.memref_slice %arg8[%mul3A_163, %dma_start3A_168] : memref<1250x384xf32, #tpu.memory_space<hbm>> -> memref<78x384xf32, #tpu.memory_space<hbm>>
        tpu.enqueue_dma source(%arg20 : memref<78x384xf32, #tpu.memory_space<vmem>>) target(%dma_start3A_169 : memref<78x384xf32, #tpu.memory_space<hbm>>) target_semaphore(%run_scoped3A : memref<!tpu.dma_semaphore, #tpu.memory_space<semaphore_mem>>)
        %dma_wait3A_170 = arith.constant 0 : i32
        %dma_wait3A_171 = tpu.memref_slice %arg8[%mul3A_163, %dma_wait3A_170] : memref<1250x384xf32, #tpu.memory_space<hbm>> -> memref<78x384xf32, #tpu.memory_space<hbm>>
        %dma_wait3A_172 = arith.constant 0 : i32
        %dma_wait3A_173 = tpu.memref_slice %arg8[%mul3A_163, %dma_wait3A_172] : memref<1250x384xf32, #tpu.memory_space<hbm>> -> memref<78x384xf32, #tpu.memory_space<hbm>>
        tpu.wait_dma2 semaphore(%run_scoped3A : memref<!tpu.dma_semaphore, #tpu.memory_space<semaphore_mem>>) src(%arg20 : memref<78x384xf32, #tpu.memory_space<vmem>>) dst(%dma_wait3A_173 : memref<78x384xf32, #tpu.memory_space<hbm>>)
        tpu.yield
      }) : () -> ()
      %mul3A_164 = arith.constant 624 : i32
      %mul3A_165 = arith.muli %arg1, %mul3A_164 : i32
      "tpu.region"() ({
        %run_scoped3A = tpu.sem_alloc : memref<!tpu.dma_semaphore, #tpu.memory_space<semaphore_mem>>
        %dma_start3A_166 = arith.constant 0 : i32
        %dma_start3A_167 = tpu.memref_slice %arg16[%dma_start3A_166] : memref<640xf32, #tpu.memory_space<vmem>> -> memref<624xf32, #tpu.memory_space<vmem>>
        %dma_start3A_168 = tpu.memref_slice %arg9[%mul3A_165] : memref<10000xf32, #tpu.memory_space<hbm>> -> memref<624xf32, #tpu.memory_space<hbm>>
        %dma_start3A_169 = tpu.memref_slice %arg9[%mul3A_165] : memref<10000xf32, #tpu.memory_space<hbm>> -> memref<624xf32, #tpu.memory_space<hbm>>
        %dma_start3A_170 = arith.constant 0 : i32
        %dma_start3A_171 = tpu.memref_slice %arg16[%dma_start3A_170] : memref<640xf32, #tpu.memory_space<vmem>> -> memref<624xf32, #tpu.memory_space<vmem>>
        tpu.enqueue_dma source(%dma_start3A_171 : memref<624xf32, #tpu.memory_space<vmem>>) target(%dma_start3A_169 : memref<624xf32, #tpu.memory_space<hbm>>) target_semaphore(%run_scoped3A : memref<!tpu.dma_semaphore, #tpu.memory_space<semaphore_mem>>)
        %dma_wait3A_172 = arith.constant 0 : i32
        %dma_wait3A_173 = tpu.memref_slice %arg16[%dma_wait3A_172] : memref<640xf32, #tpu.memory_space<vmem>> -> memref<624xf32, #tpu.memory_space<vmem>>
        %dma_wait3A_174 = tpu.memref_slice %arg9[%mul3A_165] : memref<10000xf32, #tpu.memory_space<hbm>> -> memref<624xf32, #tpu.memory_space<hbm>>
        %dma_wait3A_175 = tpu.memref_slice %arg9[%mul3A_165] : memref<10000xf32, #tpu.memory_space<hbm>> -> memref<624xf32, #tpu.memory_space<hbm>>
        %dma_wait3A_176 = arith.constant 0 : i32
        %dma_wait3A_177 = tpu.memref_slice %arg16[%dma_wait3A_176] : memref<640xf32, #tpu.memory_space<vmem>> -> memref<624xf32, #tpu.memory_space<vmem>>
        tpu.wait_dma2 semaphore(%run_scoped3A : memref<!tpu.dma_semaphore, #tpu.memory_space<semaphore_mem>>) src(%dma_wait3A_177 : memref<624xf32, #tpu.memory_space<vmem>>) dst(%dma_wait3A_175 : memref<624xf32, #tpu.memory_space<hbm>>)
        tpu.yield
      }) : () -> ()
    } else {
    }
    %eq3A_64 = arith.constant 0 : i32
    %eq3A_65 = arith.cmpi eq, %arg1, %eq3A_64 : i32
    %convert_element_type3A_66 = arith.extui %eq3A_65 : i1 to i32
    %cond3A_67 = arith.constant 0 : i32
    %cond3A_68 = arith.cmpi ne, %convert_element_type3A_66, %cond3A_67 : i32
    scf.if %cond3A_68 {
      "tpu.region"() ({
        %run_scoped3A = tpu.sem_alloc : memref<!tpu.dma_semaphore, #tpu.memory_space<semaphore_mem>>
        %dma_start3A_170 = arith.constant 9984 : i32
        %dma_start3A_171 = arith.constant 0 : i32
        %dma_start3A_172 = tpu.memref_slice %arg2[%dma_start3A_170, %dma_start3A_171] : memref<10000x16xf32, #tpu.memory_space<hbm>> -> memref<16x16xf32, #tpu.memory_space<hbm>>
        %dma_start3A_173 = arith.constant 9984 : i32
        %dma_start3A_174 = arith.constant 0 : i32
        %dma_start3A_175 = tpu.memref_slice %arg2[%dma_start3A_173, %dma_start3A_174] : memref<10000x16xf32, #tpu.memory_space<hbm>> -> memref<16x16xf32, #tpu.memory_space<hbm>>
        tpu.enqueue_dma source(%dma_start3A_175 : memref<16x16xf32, #tpu.memory_space<hbm>>) target(%arg18 : memref<16x16xf32, #tpu.memory_space<vmem>>) target_semaphore(%run_scoped3A : memref<!tpu.dma_semaphore, #tpu.memory_space<semaphore_mem>>)
        %dma_wait3A_176 = arith.constant 9984 : i32
        %dma_wait3A_177 = arith.constant 0 : i32
        %dma_wait3A_178 = tpu.memref_slice %arg2[%dma_wait3A_176, %dma_wait3A_177] : memref<10000x16xf32, #tpu.memory_space<hbm>> -> memref<16x16xf32, #tpu.memory_space<hbm>>
        %dma_wait3A_179 = arith.constant 9984 : i32
        %dma_wait3A_180 = arith.constant 0 : i32
        %dma_wait3A_181 = tpu.memref_slice %arg2[%dma_wait3A_179, %dma_wait3A_180] : memref<10000x16xf32, #tpu.memory_space<hbm>> -> memref<16x16xf32, #tpu.memory_space<hbm>>
        tpu.wait_dma2 semaphore(%run_scoped3A : memref<!tpu.dma_semaphore, #tpu.memory_space<semaphore_mem>>) src(%dma_wait3A_181 : memref<16x16xf32, #tpu.memory_space<hbm>>) dst(%arg18 : memref<16x16xf32, #tpu.memory_space<vmem>>)
        tpu.yield
      }) : () -> ()
      %scan3A_160 = arith.constant 0 : i32
      %scan3A_161 = arith.constant 16 : i32
      %scan3A_162 = arith.addi %scan3A_160, %scan3A_161 : i32
      %scan3A_163 = arith.constant 1 : i32
      scf.for %scan3A_170 = %scan3A_160 to %scan3A_162 step %scan3A_163  : i32 {
        %mul3A_171 = arith.constant 1 : i32
        %mul3A_172 = arith.muli %scan3A_170, %mul3A_171 : i32
        %add3A_173 = arith.constant 0 : i32
        %add3A_174 = arith.addi %add3A_173, %mul3A_172 : i32
        %broadcast_in_dim3A_175 = arith.constant 624 : i32
        %broadcast_in_dim3A_176 = vector.broadcast %broadcast_in_dim3A_175 : i32 to vector<16xi32>
        %add3A_177 = vector.broadcast %add3A_174 : i32 to vector<16xi32>
        %add3A_178 = arith.addi %broadcast_in_dim3A_176, %add3A_177 : vector<16xi32>
        %gather3A = tpu.vector_load_idx %arg16[%add3A_178] : memref<640xf32, #tpu.memory_space<vmem>>[vector<16xi32>], vector<16xf32>,
        %get3A = arith.index_cast %add3A_174 : i32 to index
        %get3A_179 = arith.constant 0 : index
        %get3A_180 = tpu.vector_load %arg18[%get3A, %get3A_179] {strides = array<i32>} : memref<16x16xf32, #tpu.memory_space<vmem>>, vector<16xf32>,
        %mul3A_181 = arith.mulf %get3A_180, %gather3A : vector<16xf32>
        %swap3A = arith.index_cast %add3A_174 : i32 to index
        %swap3A_182 = arith.constant 0 : index
        %swap3A_183 = tpu.vector_load %arg18[%swap3A, %swap3A_182] {strides = array<i32>} : memref<16x16xf32, #tpu.memory_space<vmem>>, vector<16xf32>,
        tpu.vector_store %arg18[%swap3A, %swap3A_182], %mul3A_181 {strides = array<i32>} : memref<16x16xf32, #tpu.memory_space<vmem>>, vector<16xf32>,
        %shift_right_logical3A = arith.constant 3 : i32
        %shift_right_logical3A_184 = arith.shrui %add3A_174, %shift_right_logical3A : i32
        %and3A = arith.constant 7 : i32
        %and3A_185 = arith.andi %add3A_174, %and3A : i32
        %mul3A_186 = arith.constant 48 : i32
        %mul3A_187 = arith.muli %and3A_185, %mul3A_186 : i32
        %add3A_188 = arith.constant 0 : i32
        %add3A_189 = arith.addi %mul3A_187, %add3A_188 : i32
        %swap3A_190 = arith.index_cast %shift_right_logical3A_184 : i32 to index
        %swap3A_191 = arith.index_cast %add3A_189 : i32 to index
        %swap3A_192 = tpu.vector_load %arg22[%swap3A_190, %swap3A_191] {strides = array<i32>} : memref<2x384xf32, #tpu.memory_space<vmem>>, vector<16xf32>,
        tpu.vector_store %arg22[%swap3A_190, %swap3A_191], %gather3A {strides = array<i32>} : memref<2x384xf32, #tpu.memory_space<vmem>>, vector<16xf32>,
        %add3A_193 = arith.constant 16 : i32
        %add3A_194 = arith.addi %mul3A_187, %add3A_193 : i32
        %swap3A_195 = arith.index_cast %shift_right_logical3A_184 : i32 to index
        %swap3A_196 = arith.index_cast %add3A_194 : i32 to index
        %swap3A_197 = tpu.vector_load %arg22[%swap3A_195, %swap3A_196] {strides = array<i32>} : memref<2x384xf32, #tpu.memory_space<vmem>>, vector<16xf32>,
        tpu.vector_store %arg22[%swap3A_195, %swap3A_196], %gather3A {strides = array<i32>} : memref<2x384xf32, #tpu.memory_space<vmem>>, vector<16xf32>,
        %add3A_198 = arith.constant 32 : i32
        %add3A_199 = arith.addi %mul3A_187, %add3A_198 : i32
        %swap3A_200 = arith.index_cast %shift_right_logical3A_184 : i32 to index
        %swap3A_201 = arith.index_cast %add3A_199 : i32 to index
        %swap3A_202 = tpu.vector_load %arg22[%swap3A_200, %swap3A_201] {strides = array<i32>} : memref<2x384xf32, #tpu.memory_space<vmem>>, vector<16xf32>,
        tpu.vector_store %arg22[%swap3A_200, %swap3A_201], %gather3A {strides = array<i32>} : memref<2x384xf32, #tpu.memory_space<vmem>>, vector<16xf32>,
      }
      %scan3A_164 = arith.constant 16 : i32
      "tpu.region"() ({
        %run_scoped3A = tpu.sem_alloc : memref<!tpu.dma_semaphore, #tpu.memory_space<semaphore_mem>>
        %dma_start3A_170 = arith.constant 9984 : i32
        %dma_start3A_171 = arith.constant 0 : i32
        %dma_start3A_172 = tpu.memref_slice %arg7[%arg0, %dma_start3A_170, %dma_start3A_171] : memref<2x10000x16xf32, #tpu.memory_space<hbm>> -> memref<1x16x16xf32, #tpu.memory_space<hbm>>
        %dma_start3A_173 = tpu.memref_squeeze %dma_start3A_172 : memref<1x16x16xf32, #tpu.memory_space<hbm>> -> memref<16x16xf32, #tpu.memory_space<hbm>>
        %dma_start3A_174 = arith.constant 9984 : i32
        %dma_start3A_175 = arith.constant 0 : i32
        %dma_start3A_176 = tpu.memref_slice %arg7[%arg0, %dma_start3A_174, %dma_start3A_175] : memref<2x10000x16xf32, #tpu.memory_space<hbm>> -> memref<1x16x16xf32, #tpu.memory_space<hbm>>
        %dma_start3A_177 = tpu.memref_squeeze %dma_start3A_176 : memref<1x16x16xf32, #tpu.memory_space<hbm>> -> memref<16x16xf32, #tpu.memory_space<hbm>>
        tpu.enqueue_dma source(%arg18 : memref<16x16xf32, #tpu.memory_space<vmem>>) target(%dma_start3A_177 : memref<16x16xf32, #tpu.memory_space<hbm>>) target_semaphore(%run_scoped3A : memref<!tpu.dma_semaphore, #tpu.memory_space<semaphore_mem>>)
        %dma_wait3A_178 = arith.constant 9984 : i32
        %dma_wait3A_179 = arith.constant 0 : i32
        %dma_wait3A_180 = tpu.memref_slice %arg7[%arg0, %dma_wait3A_178, %dma_wait3A_179] : memref<2x10000x16xf32, #tpu.memory_space<hbm>> -> memref<1x16x16xf32, #tpu.memory_space<hbm>>
        %dma_wait3A_181 = tpu.memref_squeeze %dma_wait3A_180 : memref<1x16x16xf32, #tpu.memory_space<hbm>> -> memref<16x16xf32, #tpu.memory_space<hbm>>
        %dma_wait3A_182 = arith.constant 9984 : i32
        %dma_wait3A_183 = arith.constant 0 : i32
        %dma_wait3A_184 = tpu.memref_slice %arg7[%arg0, %dma_wait3A_182, %dma_wait3A_183] : memref<2x10000x16xf32, #tpu.memory_space<hbm>> -> memref<1x16x16xf32, #tpu.memory_space<hbm>>
        %dma_wait3A_185 = tpu.memref_squeeze %dma_wait3A_184 : memref<1x16x16xf32, #tpu.memory_space<hbm>> -> memref<16x16xf32, #tpu.memory_space<hbm>>
        tpu.wait_dma2 semaphore(%run_scoped3A : memref<!tpu.dma_semaphore, #tpu.memory_space<semaphore_mem>>) src(%arg18 : memref<16x16xf32, #tpu.memory_space<vmem>>) dst(%dma_wait3A_185 : memref<16x16xf32, #tpu.memory_space<hbm>>)
        tpu.yield
      }) : () -> ()
      %eq3A_165 = arith.constant 0 : i32
      %eq3A_166 = arith.cmpi eq, %arg0, %eq3A_165 : i32
      %convert_element_type3A_167 = arith.extui %eq3A_166 : i1 to i32
      %cond3A_168 = arith.constant 0 : i32
      %cond3A_169 = arith.cmpi ne, %convert_element_type3A_167, %cond3A_168 : i32
      scf.if %cond3A_169 {
        "tpu.region"() ({
          %run_scoped3A = tpu.sem_alloc : memref<!tpu.dma_semaphore, #tpu.memory_space<semaphore_mem>>
          %dma_start3A_170 = arith.constant 9984 : i32
          %dma_start3A_171 = arith.constant 0 : i32
          %dma_start3A_172 = tpu.memref_slice %arg28[%dma_start3A_170, %dma_start3A_171] : memref<10016x16xf32, #tpu.memory_space<vmem_shared>> -> memref<16x16xf32, #tpu.memory_space<vmem_shared>>
          %dma_start3A_173 = arith.constant 9984 : i32
          %dma_start3A_174 = arith.constant 0 : i32
          %dma_start3A_175 = tpu.memref_slice %arg28[%dma_start3A_173, %dma_start3A_174] : memref<10016x16xf32, #tpu.memory_space<vmem_shared>> -> memref<16x16xf32, #tpu.memory_space<vmem_shared>>
          tpu.enqueue_dma source(%arg18 : memref<16x16xf32, #tpu.memory_space<vmem>>) target(%dma_start3A_175 : memref<16x16xf32, #tpu.memory_space<vmem_shared>>) target_semaphore(%run_scoped3A : memref<!tpu.dma_semaphore, #tpu.memory_space<semaphore_mem>>)
          %dma_wait3A_176 = arith.constant 9984 : i32
          %dma_wait3A_177 = arith.constant 0 : i32
          %dma_wait3A_178 = tpu.memref_slice %arg28[%dma_wait3A_176, %dma_wait3A_177] : memref<10016x16xf32, #tpu.memory_space<vmem_shared>> -> memref<16x16xf32, #tpu.memory_space<vmem_shared>>
          %dma_wait3A_179 = arith.constant 9984 : i32
          %dma_wait3A_180 = arith.constant 0 : i32
          %dma_wait3A_181 = tpu.memref_slice %arg28[%dma_wait3A_179, %dma_wait3A_180] : memref<10016x16xf32, #tpu.memory_space<vmem_shared>> -> memref<16x16xf32, #tpu.memory_space<vmem_shared>>
          tpu.wait_dma2 semaphore(%run_scoped3A : memref<!tpu.dma_semaphore, #tpu.memory_space<semaphore_mem>>) src(%arg18 : memref<16x16xf32, #tpu.memory_space<vmem>>) dst(%dma_wait3A_181 : memref<16x16xf32, #tpu.memory_space<vmem_shared>>)
          tpu.yield
        }) : () -> ()
        "tpu.region"() ({
          %run_scoped3A = tpu.sem_alloc : memref<!tpu.dma_semaphore, #tpu.memory_space<semaphore_mem>>
          %dma_start3A_170 = arith.constant 1248 : i32
          %dma_start3A_171 = arith.constant 0 : i32
          %dma_start3A_172 = tpu.memref_slice %arg8[%dma_start3A_170, %dma_start3A_171] : memref<1250x384xf32, #tpu.memory_space<hbm>> -> memref<2x384xf32, #tpu.memory_space<hbm>>
          %dma_start3A_173 = arith.constant 1248 : i32
          %dma_start3A_174 = arith.constant 0 : i32
          %dma_start3A_175 = tpu.memref_slice %arg8[%dma_start3A_173, %dma_start3A_174] : memref<1250x384xf32, #tpu.memory_space<hbm>> -> memref<2x384xf32, #tpu.memory_space<hbm>>
          tpu.enqueue_dma source(%arg22 : memref<2x384xf32, #tpu.memory_space<vmem>>) target(%dma_start3A_175 : memref<2x384xf32, #tpu.memory_space<hbm>>) target_semaphore(%run_scoped3A : memref<!tpu.dma_semaphore, #tpu.memory_space<semaphore_mem>>)
          %dma_wait3A_176 = arith.constant 1248 : i32
          %dma_wait3A_177 = arith.constant 0 : i32
          %dma_wait3A_178 = tpu.memref_slice %arg8[%dma_wait3A_176, %dma_wait3A_177] : memref<1250x384xf32, #tpu.memory_space<hbm>> -> memref<2x384xf32, #tpu.memory_space<hbm>>
          %dma_wait3A_179 = arith.constant 1248 : i32
          %dma_wait3A_180 = arith.constant 0 : i32
          %dma_wait3A_181 = tpu.memref_slice %arg8[%dma_wait3A_179, %dma_wait3A_180] : memref<1250x384xf32, #tpu.memory_space<hbm>> -> memref<2x384xf32, #tpu.memory_space<hbm>>
          tpu.wait_dma2 semaphore(%run_scoped3A : memref<!tpu.dma_semaphore, #tpu.memory_space<semaphore_mem>>) src(%arg22 : memref<2x384xf32, #tpu.memory_space<vmem>>) dst(%dma_wait3A_181 : memref<2x384xf32, #tpu.memory_space<hbm>>)
          tpu.yield
        }) : () -> ()
        "tpu.region"() ({
          %run_scoped3A = tpu.sem_alloc : memref<!tpu.dma_semaphore, #tpu.memory_space<semaphore_mem>>
          %dma_start3A_170 = arith.constant 624 : i32
          %dma_start3A_171 = tpu.memref_slice %arg16[%dma_start3A_170] : memref<640xf32, #tpu.memory_space<vmem>> -> memref<16xf32, #tpu.memory_space<vmem>>
          %dma_start3A_172 = arith.constant 9984 : i32
          %dma_start3A_173 = tpu.memref_slice %arg9[%dma_start3A_172] : memref<10000xf32, #tpu.memory_space<hbm>> -> memref<16xf32, #tpu.memory_space<hbm>>
          %dma_start3A_174 = arith.constant 9984 : i32
          %dma_start3A_175 = tpu.memref_slice %arg9[%dma_start3A_174] : memref<10000xf32, #tpu.memory_space<hbm>> -> memref<16xf32, #tpu.memory_space<hbm>>
          %dma_start3A_176 = arith.constant 624 : i32
          %dma_start3A_177 = tpu.memref_slice %arg16[%dma_start3A_176] : memref<640xf32, #tpu.memory_space<vmem>> -> memref<16xf32, #tpu.memory_space<vmem>>
          tpu.enqueue_dma source(%dma_start3A_177 : memref<16xf32, #tpu.memory_space<vmem>>) target(%dma_start3A_175 : memref<16xf32, #tpu.memory_space<hbm>>) target_semaphore(%run_scoped3A : memref<!tpu.dma_semaphore, #tpu.memory_space<semaphore_mem>>)
          %dma_wait3A_178 = arith.constant 624 : i32
          %dma_wait3A_179 = tpu.memref_slice %arg16[%dma_wait3A_178] : memref<640xf32, #tpu.memory_space<vmem>> -> memref<16xf32, #tpu.memory_space<vmem>>
          %dma_wait3A_180 = arith.constant 9984 : i32
          %dma_wait3A_181 = tpu.memref_slice %arg9[%dma_wait3A_180] : memref<10000xf32, #tpu.memory_space<hbm>> -> memref<16xf32, #tpu.memory_space<hbm>>
          %dma_wait3A_182 = arith.constant 9984 : i32
          %dma_wait3A_183 = tpu.memref_slice %arg9[%dma_wait3A_182] : memref<10000xf32, #tpu.memory_space<hbm>> -> memref<16xf32, #tpu.memory_space<hbm>>
          %dma_wait3A_184 = arith.constant 624 : i32
          %dma_wait3A_185 = tpu.memref_slice %arg16[%dma_wait3A_184] : memref<640xf32, #tpu.memory_space<vmem>> -> memref<16xf32, #tpu.memory_space<vmem>>
          tpu.wait_dma2 semaphore(%run_scoped3A : memref<!tpu.dma_semaphore, #tpu.memory_space<semaphore_mem>>) src(%dma_wait3A_185 : memref<16xf32, #tpu.memory_space<vmem>>) dst(%dma_wait3A_183 : memref<16xf32, #tpu.memory_space<hbm>>)
          tpu.yield
        }) : () -> ()
      } else {
      }
    } else {
    }
    %barrier3A_69 = arith.constant 0 : index
    tpu.barrier barrier_id(%barrier3A_69)
    %dma_start3A = arith.constant 0 : i32
    %dma_start3A_70 = arith.constant 0 : i32
    %dma_start3A_71 = tpu.memref_slice %arg10[%dma_start3A, %dma_start3A_70] : memref<80x128xi32, #tpu.memory_space<vmem>> -> memref<1x128xi32, #tpu.memory_space<vmem>>
    %dma_start3A_72 = tpu.memref_squeeze %dma_start3A_71 : memref<1x128xi32, #tpu.memory_space<vmem>> -> memref<128xi32, #tpu.memory_space<vmem>>
    %dma_start3A_73 = arith.constant 0 : i32
    %dma_start3A_74 = arith.constant 0 : i32
    %dma_start3A_75 = tpu.memref_slice %arg7[%arg0, %dma_start3A_73, %dma_start3A_74] : memref<2x10000x16xf32, #tpu.memory_space<hbm>> -> memref<1x10000x16xf32, #tpu.memory_space<hbm>>
    %dma_start3A_76 = tpu.memref_squeeze %dma_start3A_75 : memref<1x10000x16xf32, #tpu.memory_space<hbm>> -> memref<10000x16xf32, #tpu.memory_space<hbm>>
    %dma_start3A_77 = arith.constant 0 : i32
    %dma_start3A_78 = arith.constant 0 : i32
    %dma_start3A_79 = tpu.memref_slice %dma_start3A_76[%dma_start3A_77, %dma_start3A_78] : memref<10000x16xf32, #tpu.memory_space<hbm>> -> memref<10000x16xf32, #tpu.memory_space<hbm>>
    tpu.enqueue_indirect_dma source(%dma_start3A_79 : memref<10000x16xf32, #tpu.memory_space<hbm>>) target(%arg23 : memref<128x16xf32, #tpu.memory_space<vmem>>) offsets(%dma_start3A_72 : memref<128xi32, #tpu.memory_space<vmem>>) semaphore(%arg29 : memref<!tpu.dma_semaphore, #tpu.memory_space<semaphore_mem>>)
    %dma_start3A_80 = arith.constant 1 : i32
    %dma_start3A_81 = arith.constant 0 : i32
    %dma_start3A_82 = tpu.memref_slice %arg10[%dma_start3A_80, %dma_start3A_81] : memref<80x128xi32, #tpu.memory_space<vmem>> -> memref<1x128xi32, #tpu.memory_space<vmem>>
    %dma_start3A_83 = tpu.memref_squeeze %dma_start3A_82 : memref<1x128xi32, #tpu.memory_space<vmem>> -> memref<128xi32, #tpu.memory_space<vmem>>
    %dma_start3A_84 = arith.constant 0 : i32
    %dma_start3A_85 = arith.constant 0 : i32
    %dma_start3A_86 = tpu.memref_slice %arg7[%arg0, %dma_start3A_84, %dma_start3A_85] : memref<2x10000x16xf32, #tpu.memory_space<hbm>> -> memref<1x10000x16xf32, #tpu.memory_space<hbm>>
    %dma_start3A_87 = tpu.memref_squeeze %dma_start3A_86 : memref<1x10000x16xf32, #tpu.memory_space<hbm>> -> memref<10000x16xf32, #tpu.memory_space<hbm>>
    %dma_start3A_88 = arith.constant 0 : i32
    %dma_start3A_89 = arith.constant 0 : i32
    %dma_start3A_90 = tpu.memref_slice %dma_start3A_87[%dma_start3A_88, %dma_start3A_89] : memref<10000x16xf32, #tpu.memory_space<hbm>> -> memref<10000x16xf32, #tpu.memory_space<hbm>>
    tpu.enqueue_indirect_dma source(%dma_start3A_90 : memref<10000x16xf32, #tpu.memory_space<hbm>>) target(%arg24 : memref<128x16xf32, #tpu.memory_space<vmem>>) offsets(%dma_start3A_83 : memref<128xi32, #tpu.memory_space<vmem>>) semaphore(%arg30 : memref<!tpu.dma_semaphore, #tpu.memory_space<semaphore_mem>>)
    %dma_start3A_91 = arith.constant 2 : i32
    %dma_start3A_92 = arith.constant 0 : i32
    %dma_start3A_93 = tpu.memref_slice %arg10[%dma_start3A_91, %dma_start3A_92] : memref<80x128xi32, #tpu.memory_space<vmem>> -> memref<1x128xi32, #tpu.memory_space<vmem>>
    %dma_start3A_94 = tpu.memref_squeeze %dma_start3A_93 : memref<1x128xi32, #tpu.memory_space<vmem>> -> memref<128xi32, #tpu.memory_space<vmem>>
    %dma_start3A_95 = arith.constant 0 : i32
    %dma_start3A_96 = arith.constant 0 : i32
    %dma_start3A_97 = tpu.memref_slice %arg7[%arg0, %dma_start3A_95, %dma_start3A_96] : memref<2x10000x16xf32, #tpu.memory_space<hbm>> -> memref<1x10000x16xf32, #tpu.memory_space<hbm>>
    %dma_start3A_98 = tpu.memref_squeeze %dma_start3A_97 : memref<1x10000x16xf32, #tpu.memory_space<hbm>> -> memref<10000x16xf32, #tpu.memory_space<hbm>>
    %dma_start3A_99 = arith.constant 0 : i32
    %dma_start3A_100 = arith.constant 0 : i32
    %dma_start3A_101 = tpu.memref_slice %dma_start3A_98[%dma_start3A_99, %dma_start3A_100] : memref<10000x16xf32, #tpu.memory_space<hbm>> -> memref<10000x16xf32, #tpu.memory_space<hbm>>
    tpu.enqueue_indirect_dma source(%dma_start3A_101 : memref<10000x16xf32, #tpu.memory_space<hbm>>) target(%arg25 : memref<128x16xf32, #tpu.memory_space<vmem>>) offsets(%dma_start3A_94 : memref<128xi32, #tpu.memory_space<vmem>>) semaphore(%arg31 : memref<!tpu.dma_semaphore, #tpu.memory_space<semaphore_mem>>)
    %dma_start3A_102 = arith.constant 3 : i32
    %dma_start3A_103 = arith.constant 0 : i32
    %dma_start3A_104 = tpu.memref_slice %arg10[%dma_start3A_102, %dma_start3A_103] : memref<80x128xi32, #tpu.memory_space<vmem>> -> memref<1x128xi32, #tpu.memory_space<vmem>>
    %dma_start3A_105 = tpu.memref_squeeze %dma_start3A_104 : memref<1x128xi32, #tpu.memory_space<vmem>> -> memref<128xi32, #tpu.memory_space<vmem>>
    %dma_start3A_106 = arith.constant 0 : i32
    %dma_start3A_107 = arith.constant 0 : i32
    %dma_start3A_108 = tpu.memref_slice %arg7[%arg0, %dma_start3A_106, %dma_start3A_107] : memref<2x10000x16xf32, #tpu.memory_space<hbm>> -> memref<1x10000x16xf32, #tpu.memory_space<hbm>>
    %dma_start3A_109 = tpu.memref_squeeze %dma_start3A_108 : memref<1x10000x16xf32, #tpu.memory_space<hbm>> -> memref<10000x16xf32, #tpu.memory_space<hbm>>
    %dma_start3A_110 = arith.constant 0 : i32
    %dma_start3A_111 = arith.constant 0 : i32
    %dma_start3A_112 = tpu.memref_slice %dma_start3A_109[%dma_start3A_110, %dma_start3A_111] : memref<10000x16xf32, #tpu.memory_space<hbm>> -> memref<10000x16xf32, #tpu.memory_space<hbm>>
    tpu.enqueue_indirect_dma source(%dma_start3A_112 : memref<10000x16xf32, #tpu.memory_space<hbm>>) target(%arg26 : memref<128x16xf32, #tpu.memory_space<vmem>>) offsets(%dma_start3A_105 : memref<128xi32, #tpu.memory_space<vmem>>) semaphore(%arg32 : memref<!tpu.dma_semaphore, #tpu.memory_space<semaphore_mem>>)
    %scan3A_113 = arith.constant 0 : i32
    %scan3A_114 = arith.constant 20 : i32
    %scan3A_115 = arith.addi %scan3A_113, %scan3A_114 : i32
    %scan3A_116 = arith.constant 1 : i32
    scf.for %scan3A_160 = %scan3A_113 to %scan3A_115 step %scan3A_116  : i32 {
      %mul3A_161 = arith.constant 4 : i32
      %mul3A_162 = arith.muli %scan3A_160, %mul3A_161 : i32
      %add3A_163 = arith.constant 0 : i32
      %add3A_164 = arith.addi %add3A_163, %mul3A_162 : i32
      %add3A_165 = arith.constant 0 : i32
      %add3A_166 = arith.addi %add3A_164, %add3A_165 : i32
      %dma_wait3A_167 = arith.constant 0 : i32
      %dma_wait3A_168 = tpu.memref_slice %arg10[%add3A_166, %dma_wait3A_167] : memref<80x128xi32, #tpu.memory_space<vmem>> -> memref<1x128xi32, #tpu.memory_space<vmem>>
      %dma_wait3A_169 = tpu.memref_squeeze %dma_wait3A_168 : memref<1x128xi32, #tpu.memory_space<vmem>> -> memref<128xi32, #tpu.memory_space<vmem>>
      %dma_wait3A_170 = arith.constant 0 : i32
      %dma_wait3A_171 = arith.constant 0 : i32
      %dma_wait3A_172 = tpu.memref_slice %arg7[%arg0, %dma_wait3A_170, %dma_wait3A_171] : memref<2x10000x16xf32, #tpu.memory_space<hbm>> -> memref<1x10000x16xf32, #tpu.memory_space<hbm>>
      %dma_wait3A_173 = tpu.memref_squeeze %dma_wait3A_172 : memref<1x10000x16xf32, #tpu.memory_space<hbm>> -> memref<10000x16xf32, #tpu.memory_space<hbm>>
      %dma_wait3A_174 = arith.constant 0 : i32
      %dma_wait3A_175 = arith.constant 0 : i32
      %dma_wait3A_176 = tpu.memref_slice %dma_wait3A_173[%dma_wait3A_174, %dma_wait3A_175] : memref<10000x16xf32, #tpu.memory_space<hbm>> -> memref<10000x16xf32, #tpu.memory_space<hbm>>
      tpu.wait_indirect_dma semaphore(%arg29 : memref<!tpu.dma_semaphore, #tpu.memory_space<semaphore_mem>>) src(%dma_wait3A_176 : memref<10000x16xf32, #tpu.memory_space<hbm>>) dst(%arg23 : memref<128x16xf32, #tpu.memory_space<vmem>>)
      %add3A_177 = arith.constant 0 : i32
      %add3A_178 = arith.addi %add3A_164, %add3A_177 : i32
      %dma_start3A_179 = arith.constant 0 : i32
      %dma_start3A_180 = tpu.memref_slice %arg11[%add3A_178, %dma_start3A_179] : memref<80x128xi32, #tpu.memory_space<vmem>> -> memref<1x128xi32, #tpu.memory_space<vmem>>
      %dma_start3A_181 = tpu.memref_squeeze %dma_start3A_180 : memref<1x128xi32, #tpu.memory_space<vmem>> -> memref<128xi32, #tpu.memory_space<vmem>>
      %dma_start3A_182 = arith.constant 0 : i32
      %dma_start3A_183 = arith.constant 0 : i32
      %dma_start3A_184 = tpu.memref_slice %arg28[%dma_start3A_182, %dma_start3A_183] : memref<10016x16xf32, #tpu.memory_space<vmem_shared>> -> memref<10016x16xf32, #tpu.memory_space<vmem_shared>>
      tpu.enqueue_indirect_dma source(%arg23 : memref<128x16xf32, #tpu.memory_space<vmem>>) target(%dma_start3A_184 : memref<10016x16xf32, #tpu.memory_space<vmem_shared>>) offsets(%dma_start3A_181 : memref<128xi32, #tpu.memory_space<vmem>>) semaphore(%arg33 : memref<!tpu.dma_semaphore, #tpu.memory_space<semaphore_mem>>) {add = true}
      %add3A_185 = arith.constant 1 : i32
      %add3A_186 = arith.addi %add3A_164, %add3A_185 : i32
      %dma_wait3A_187 = arith.constant 0 : i32
      %dma_wait3A_188 = tpu.memref_slice %arg10[%add3A_186, %dma_wait3A_187] : memref<80x128xi32, #tpu.memory_space<vmem>> -> memref<1x128xi32, #tpu.memory_space<vmem>>
      %dma_wait3A_189 = tpu.memref_squeeze %dma_wait3A_188 : memref<1x128xi32, #tpu.memory_space<vmem>> -> memref<128xi32, #tpu.memory_space<vmem>>
      %dma_wait3A_190 = arith.constant 0 : i32
      %dma_wait3A_191 = arith.constant 0 : i32
      %dma_wait3A_192 = tpu.memref_slice %arg7[%arg0, %dma_wait3A_190, %dma_wait3A_191] : memref<2x10000x16xf32, #tpu.memory_space<hbm>> -> memref<1x10000x16xf32, #tpu.memory_space<hbm>>
      %dma_wait3A_193 = tpu.memref_squeeze %dma_wait3A_192 : memref<1x10000x16xf32, #tpu.memory_space<hbm>> -> memref<10000x16xf32, #tpu.memory_space<hbm>>
      %dma_wait3A_194 = arith.constant 0 : i32
      %dma_wait3A_195 = arith.constant 0 : i32
      %dma_wait3A_196 = tpu.memref_slice %dma_wait3A_193[%dma_wait3A_194, %dma_wait3A_195] : memref<10000x16xf32, #tpu.memory_space<hbm>> -> memref<10000x16xf32, #tpu.memory_space<hbm>>
      tpu.wait_indirect_dma semaphore(%arg30 : memref<!tpu.dma_semaphore, #tpu.memory_space<semaphore_mem>>) src(%dma_wait3A_196 : memref<10000x16xf32, #tpu.memory_space<hbm>>) dst(%arg24 : memref<128x16xf32, #tpu.memory_space<vmem>>)
      %add3A_197 = arith.constant 1 : i32
      %add3A_198 = arith.addi %add3A_164, %add3A_197 : i32
      %dma_start3A_199 = arith.constant 0 : i32
      %dma_start3A_200 = tpu.memref_slice %arg11[%add3A_198, %dma_start3A_199] : memref<80x128xi32, #tpu.memory_space<vmem>> -> memref<1x128xi32, #tpu.memory_space<vmem>>
      %dma_start3A_201 = tpu.memref_squeeze %dma_start3A_200 : memref<1x128xi32, #tpu.memory_space<vmem>> -> memref<128xi32, #tpu.memory_space<vmem>>
      %dma_start3A_202 = arith.constant 0 : i32
      %dma_start3A_203 = arith.constant 0 : i32
      %dma_start3A_204 = tpu.memref_slice %arg28[%dma_start3A_202, %dma_start3A_203] : memref<10016x16xf32, #tpu.memory_space<vmem_shared>> -> memref<10016x16xf32, #tpu.memory_space<vmem_shared>>
      tpu.enqueue_indirect_dma source(%arg24 : memref<128x16xf32, #tpu.memory_space<vmem>>) target(%dma_start3A_204 : memref<10016x16xf32, #tpu.memory_space<vmem_shared>>) offsets(%dma_start3A_201 : memref<128xi32, #tpu.memory_space<vmem>>) semaphore(%arg34 : memref<!tpu.dma_semaphore, #tpu.memory_space<semaphore_mem>>) {add = true}
      %add3A_205 = arith.constant 2 : i32
      %add3A_206 = arith.addi %add3A_164, %add3A_205 : i32
      %dma_wait3A_207 = arith.constant 0 : i32
      %dma_wait3A_208 = tpu.memref_slice %arg10[%add3A_206, %dma_wait3A_207] : memref<80x128xi32, #tpu.memory_space<vmem>> -> memref<1x128xi32, #tpu.memory_space<vmem>>
      %dma_wait3A_209 = tpu.memref_squeeze %dma_wait3A_208 : memref<1x128xi32, #tpu.memory_space<vmem>> -> memref<128xi32, #tpu.memory_space<vmem>>
      %dma_wait3A_210 = arith.constant 0 : i32
      %dma_wait3A_211 = arith.constant 0 : i32
      %dma_wait3A_212 = tpu.memref_slice %arg7[%arg0, %dma_wait3A_210, %dma_wait3A_211] : memref<2x10000x16xf32, #tpu.memory_space<hbm>> -> memref<1x10000x16xf32, #tpu.memory_space<hbm>>
      %dma_wait3A_213 = tpu.memref_squeeze %dma_wait3A_212 : memref<1x10000x16xf32, #tpu.memory_space<hbm>> -> memref<10000x16xf32, #tpu.memory_space<hbm>>
      %dma_wait3A_214 = arith.constant 0 : i32
      %dma_wait3A_215 = arith.constant 0 : i32
      %dma_wait3A_216 = tpu.memref_slice %dma_wait3A_213[%dma_wait3A_214, %dma_wait3A_215] : memref<10000x16xf32, #tpu.memory_space<hbm>> -> memref<10000x16xf32, #tpu.memory_space<hbm>>
      tpu.wait_indirect_dma semaphore(%arg31 : memref<!tpu.dma_semaphore, #tpu.memory_space<semaphore_mem>>) src(%dma_wait3A_216 : memref<10000x16xf32, #tpu.memory_space<hbm>>) dst(%arg25 : memref<128x16xf32, #tpu.memory_space<vmem>>)
      %add3A_217 = arith.constant 2 : i32
      %add3A_218 = arith.addi %add3A_164, %add3A_217 : i32
      %dma_start3A_219 = arith.constant 0 : i32
      %dma_start3A_220 = tpu.memref_slice %arg11[%add3A_218, %dma_start3A_219] : memref<80x128xi32, #tpu.memory_space<vmem>> -> memref<1x128xi32, #tpu.memory_space<vmem>>
      %dma_start3A_221 = tpu.memref_squeeze %dma_start3A_220 : memref<1x128xi32, #tpu.memory_space<vmem>> -> memref<128xi32, #tpu.memory_space<vmem>>
      %dma_start3A_222 = arith.constant 0 : i32
      %dma_start3A_223 = arith.constant 0 : i32
      %dma_start3A_224 = tpu.memref_slice %arg28[%dma_start3A_222, %dma_start3A_223] : memref<10016x16xf32, #tpu.memory_space<vmem_shared>> -> memref<10016x16xf32, #tpu.memory_space<vmem_shared>>
      tpu.enqueue_indirect_dma source(%arg25 : memref<128x16xf32, #tpu.memory_space<vmem>>) target(%dma_start3A_224 : memref<10016x16xf32, #tpu.memory_space<vmem_shared>>) offsets(%dma_start3A_221 : memref<128xi32, #tpu.memory_space<vmem>>) semaphore(%arg35 : memref<!tpu.dma_semaphore, #tpu.memory_space<semaphore_mem>>) {add = true}
      %add3A_225 = arith.constant 3 : i32
      %add3A_226 = arith.addi %add3A_164, %add3A_225 : i32
      %dma_wait3A_227 = arith.constant 0 : i32
      %dma_wait3A_228 = tpu.memref_slice %arg10[%add3A_226, %dma_wait3A_227] : memref<80x128xi32, #tpu.memory_space<vmem>> -> memref<1x128xi32, #tpu.memory_space<vmem>>
      %dma_wait3A_229 = tpu.memref_squeeze %dma_wait3A_228 : memref<1x128xi32, #tpu.memory_space<vmem>> -> memref<128xi32, #tpu.memory_space<vmem>>
      %dma_wait3A_230 = arith.constant 0 : i32
      %dma_wait3A_231 = arith.constant 0 : i32
      %dma_wait3A_232 = tpu.memref_slice %arg7[%arg0, %dma_wait3A_230, %dma_wait3A_231] : memref<2x10000x16xf32, #tpu.memory_space<hbm>> -> memref<1x10000x16xf32, #tpu.memory_space<hbm>>
      %dma_wait3A_233 = tpu.memref_squeeze %dma_wait3A_232 : memref<1x10000x16xf32, #tpu.memory_space<hbm>> -> memref<10000x16xf32, #tpu.memory_space<hbm>>
      %dma_wait3A_234 = arith.constant 0 : i32
      %dma_wait3A_235 = arith.constant 0 : i32
      %dma_wait3A_236 = tpu.memref_slice %dma_wait3A_233[%dma_wait3A_234, %dma_wait3A_235] : memref<10000x16xf32, #tpu.memory_space<hbm>> -> memref<10000x16xf32, #tpu.memory_space<hbm>>
      tpu.wait_indirect_dma semaphore(%arg32 : memref<!tpu.dma_semaphore, #tpu.memory_space<semaphore_mem>>) src(%dma_wait3A_236 : memref<10000x16xf32, #tpu.memory_space<hbm>>) dst(%arg26 : memref<128x16xf32, #tpu.memory_space<vmem>>)
      %add3A_237 = arith.constant 3 : i32
      %add3A_238 = arith.addi %add3A_164, %add3A_237 : i32
      %dma_start3A_239 = arith.constant 0 : i32
      %dma_start3A_240 = tpu.memref_slice %arg11[%add3A_238, %dma_start3A_239] : memref<80x128xi32, #tpu.memory_space<vmem>> -> memref<1x128xi32, #tpu.memory_space<vmem>>
      %dma_start3A_241 = tpu.memref_squeeze %dma_start3A_240 : memref<1x128xi32, #tpu.memory_space<vmem>> -> memref<128xi32, #tpu.memory_space<vmem>>
      %dma_start3A_242 = arith.constant 0 : i32
      %dma_start3A_243 = arith.constant 0 : i32
      %dma_start3A_244 = tpu.memref_slice %arg28[%dma_start3A_242, %dma_start3A_243] : memref<10016x16xf32, #tpu.memory_space<vmem_shared>> -> memref<10016x16xf32, #tpu.memory_space<vmem_shared>>
      tpu.enqueue_indirect_dma source(%arg26 : memref<128x16xf32, #tpu.memory_space<vmem>>) target(%dma_start3A_244 : memref<10016x16xf32, #tpu.memory_space<vmem_shared>>) offsets(%dma_start3A_241 : memref<128xi32, #tpu.memory_space<vmem>>) semaphore(%arg36 : memref<!tpu.dma_semaphore, #tpu.memory_space<semaphore_mem>>) {add = true}
      %add3A_245 = arith.constant 4 : i32
      %add3A_246 = arith.addi %add3A_164, %add3A_245 : i32
      %add3A_247 = arith.constant 0 : i32
      %add3A_248 = arith.addi %add3A_246, %add3A_247 : i32
      %lt3A = arith.constant 80 : i32
      %lt3A_249 = arith.cmpi slt, %add3A_248, %lt3A : i32
      %convert_element_type3A_250 = arith.extui %lt3A_249 : i1 to i32
      %cond3A_251 = arith.constant 0 : i32
      %cond3A_252 = arith.cmpi ne, %convert_element_type3A_250, %cond3A_251 : i32
      scf.if %cond3A_252 {
        %add3A_280 = arith.constant 0 : i32
        %add3A_281 = arith.addi %add3A_164, %add3A_280 : i32
        %dma_wait3A_282 = arith.constant 0 : i32
        %dma_wait3A_283 = tpu.memref_slice %arg11[%add3A_281, %dma_wait3A_282] : memref<80x128xi32, #tpu.memory_space<vmem>> -> memref<1x128xi32, #tpu.memory_space<vmem>>
        %dma_wait3A_284 = tpu.memref_squeeze %dma_wait3A_283 : memref<1x128xi32, #tpu.memory_space<vmem>> -> memref<128xi32, #tpu.memory_space<vmem>>
        %dma_wait3A_285 = arith.constant 0 : i32
        %dma_wait3A_286 = arith.constant 0 : i32
        %dma_wait3A_287 = tpu.memref_slice %arg28[%dma_wait3A_285, %dma_wait3A_286] : memref<10016x16xf32, #tpu.memory_space<vmem_shared>> -> memref<10016x16xf32, #tpu.memory_space<vmem_shared>>
        tpu.wait_indirect_dma semaphore(%arg33 : memref<!tpu.dma_semaphore, #tpu.memory_space<semaphore_mem>>) src(%arg23 : memref<128x16xf32, #tpu.memory_space<vmem>>) dst(%dma_wait3A_287 : memref<10016x16xf32, #tpu.memory_space<vmem_shared>>)
        %add3A_288 = arith.constant 4 : i32
        %add3A_289 = arith.addi %add3A_164, %add3A_288 : i32
        %add3A_290 = arith.constant 0 : i32
        %add3A_291 = arith.addi %add3A_289, %add3A_290 : i32
        %dma_start3A_292 = arith.constant 0 : i32
        %dma_start3A_293 = tpu.memref_slice %arg10[%add3A_291, %dma_start3A_292] : memref<80x128xi32, #tpu.memory_space<vmem>> -> memref<1x128xi32, #tpu.memory_space<vmem>>
        %dma_start3A_294 = tpu.memref_squeeze %dma_start3A_293 : memref<1x128xi32, #tpu.memory_space<vmem>> -> memref<128xi32, #tpu.memory_space<vmem>>
        %dma_start3A_295 = arith.constant 0 : i32
        %dma_start3A_296 = arith.constant 0 : i32
        %dma_start3A_297 = tpu.memref_slice %arg7[%arg0, %dma_start3A_295, %dma_start3A_296] : memref<2x10000x16xf32, #tpu.memory_space<hbm>> -> memref<1x10000x16xf32, #tpu.memory_space<hbm>>
        %dma_start3A_298 = tpu.memref_squeeze %dma_start3A_297 : memref<1x10000x16xf32, #tpu.memory_space<hbm>> -> memref<10000x16xf32, #tpu.memory_space<hbm>>
        %dma_start3A_299 = arith.constant 0 : i32
        %dma_start3A_300 = arith.constant 0 : i32
        %dma_start3A_301 = tpu.memref_slice %dma_start3A_298[%dma_start3A_299, %dma_start3A_300] : memref<10000x16xf32, #tpu.memory_space<hbm>> -> memref<10000x16xf32, #tpu.memory_space<hbm>>
        tpu.enqueue_indirect_dma source(%dma_start3A_301 : memref<10000x16xf32, #tpu.memory_space<hbm>>) target(%arg23 : memref<128x16xf32, #tpu.memory_space<vmem>>) offsets(%dma_start3A_294 : memref<128xi32, #tpu.memory_space<vmem>>) semaphore(%arg29 : memref<!tpu.dma_semaphore, #tpu.memory_space<semaphore_mem>>)
      } else {
      }
      %add3A_253 = arith.constant 4 : i32
      %add3A_254 = arith.addi %add3A_164, %add3A_253 : i32
      %add3A_255 = arith.constant 1 : i32
      %add3A_256 = arith.addi %add3A_254, %add3A_255 : i32
      %lt3A_257 = arith.constant 80 : i32
      %lt3A_258 = arith.cmpi slt, %add3A_256, %lt3A_257 : i32
      %convert_element_type3A_259 = arith.extui %lt3A_258 : i1 to i32
      %cond3A_260 = arith.constant 0 : i32
      %cond3A_261 = arith.cmpi ne, %convert_element_type3A_259, %cond3A_260 : i32
      scf.if %cond3A_261 {
        %add3A_280 = arith.constant 1 : i32
        %add3A_281 = arith.addi %add3A_164, %add3A_280 : i32
        %dma_wait3A_282 = arith.constant 0 : i32
        %dma_wait3A_283 = tpu.memref_slice %arg11[%add3A_281, %dma_wait3A_282] : memref<80x128xi32, #tpu.memory_space<vmem>> -> memref<1x128xi32, #tpu.memory_space<vmem>>
        %dma_wait3A_284 = tpu.memref_squeeze %dma_wait3A_283 : memref<1x128xi32, #tpu.memory_space<vmem>> -> memref<128xi32, #tpu.memory_space<vmem>>
        %dma_wait3A_285 = arith.constant 0 : i32
        %dma_wait3A_286 = arith.constant 0 : i32
        %dma_wait3A_287 = tpu.memref_slice %arg28[%dma_wait3A_285, %dma_wait3A_286] : memref<10016x16xf32, #tpu.memory_space<vmem_shared>> -> memref<10016x16xf32, #tpu.memory_space<vmem_shared>>
        tpu.wait_indirect_dma semaphore(%arg34 : memref<!tpu.dma_semaphore, #tpu.memory_space<semaphore_mem>>) src(%arg24 : memref<128x16xf32, #tpu.memory_space<vmem>>) dst(%dma_wait3A_287 : memref<10016x16xf32, #tpu.memory_space<vmem_shared>>)
        %add3A_288 = arith.constant 4 : i32
        %add3A_289 = arith.addi %add3A_164, %add3A_288 : i32
        %add3A_290 = arith.constant 1 : i32
        %add3A_291 = arith.addi %add3A_289, %add3A_290 : i32
        %dma_start3A_292 = arith.constant 0 : i32
        %dma_start3A_293 = tpu.memref_slice %arg10[%add3A_291, %dma_start3A_292] : memref<80x128xi32, #tpu.memory_space<vmem>> -> memref<1x128xi32, #tpu.memory_space<vmem>>
        %dma_start3A_294 = tpu.memref_squeeze %dma_start3A_293 : memref<1x128xi32, #tpu.memory_space<vmem>> -> memref<128xi32, #tpu.memory_space<vmem>>
        %dma_start3A_295 = arith.constant 0 : i32
        %dma_start3A_296 = arith.constant 0 : i32
        %dma_start3A_297 = tpu.memref_slice %arg7[%arg0, %dma_start3A_295, %dma_start3A_296] : memref<2x10000x16xf32, #tpu.memory_space<hbm>> -> memref<1x10000x16xf32, #tpu.memory_space<hbm>>
        %dma_start3A_298 = tpu.memref_squeeze %dma_start3A_297 : memref<1x10000x16xf32, #tpu.memory_space<hbm>> -> memref<10000x16xf32, #tpu.memory_space<hbm>>
        %dma_start3A_299 = arith.constant 0 : i32
        %dma_start3A_300 = arith.constant 0 : i32
        %dma_start3A_301 = tpu.memref_slice %dma_start3A_298[%dma_start3A_299, %dma_start3A_300] : memref<10000x16xf32, #tpu.memory_space<hbm>> -> memref<10000x16xf32, #tpu.memory_space<hbm>>
        tpu.enqueue_indirect_dma source(%dma_start3A_301 : memref<10000x16xf32, #tpu.memory_space<hbm>>) target(%arg24 : memref<128x16xf32, #tpu.memory_space<vmem>>) offsets(%dma_start3A_294 : memref<128xi32, #tpu.memory_space<vmem>>) semaphore(%arg30 : memref<!tpu.dma_semaphore, #tpu.memory_space<semaphore_mem>>)
      } else {
      }
      %add3A_262 = arith.constant 4 : i32
      %add3A_263 = arith.addi %add3A_164, %add3A_262 : i32
      %add3A_264 = arith.constant 2 : i32
      %add3A_265 = arith.addi %add3A_263, %add3A_264 : i32
      %lt3A_266 = arith.constant 80 : i32
      %lt3A_267 = arith.cmpi slt, %add3A_265, %lt3A_266 : i32
      %convert_element_type3A_268 = arith.extui %lt3A_267 : i1 to i32
      %cond3A_269 = arith.constant 0 : i32
      %cond3A_270 = arith.cmpi ne, %convert_element_type3A_268, %cond3A_269 : i32
      scf.if %cond3A_270 {
        %add3A_280 = arith.constant 2 : i32
        %add3A_281 = arith.addi %add3A_164, %add3A_280 : i32
        %dma_wait3A_282 = arith.constant 0 : i32
        %dma_wait3A_283 = tpu.memref_slice %arg11[%add3A_281, %dma_wait3A_282] : memref<80x128xi32, #tpu.memory_space<vmem>> -> memref<1x128xi32, #tpu.memory_space<vmem>>
        %dma_wait3A_284 = tpu.memref_squeeze %dma_wait3A_283 : memref<1x128xi32, #tpu.memory_space<vmem>> -> memref<128xi32, #tpu.memory_space<vmem>>
        %dma_wait3A_285 = arith.constant 0 : i32
        %dma_wait3A_286 = arith.constant 0 : i32
        %dma_wait3A_287 = tpu.memref_slice %arg28[%dma_wait3A_285, %dma_wait3A_286] : memref<10016x16xf32, #tpu.memory_space<vmem_shared>> -> memref<10016x16xf32, #tpu.memory_space<vmem_shared>>
        tpu.wait_indirect_dma semaphore(%arg35 : memref<!tpu.dma_semaphore, #tpu.memory_space<semaphore_mem>>) src(%arg25 : memref<128x16xf32, #tpu.memory_space<vmem>>) dst(%dma_wait3A_287 : memref<10016x16xf32, #tpu.memory_space<vmem_shared>>)
        %add3A_288 = arith.constant 4 : i32
        %add3A_289 = arith.addi %add3A_164, %add3A_288 : i32
        %add3A_290 = arith.constant 2 : i32
        %add3A_291 = arith.addi %add3A_289, %add3A_290 : i32
        %dma_start3A_292 = arith.constant 0 : i32
        %dma_start3A_293 = tpu.memref_slice %arg10[%add3A_291, %dma_start3A_292] : memref<80x128xi32, #tpu.memory_space<vmem>> -> memref<1x128xi32, #tpu.memory_space<vmem>>
        %dma_start3A_294 = tpu.memref_squeeze %dma_start3A_293 : memref<1x128xi32, #tpu.memory_space<vmem>> -> memref<128xi32, #tpu.memory_space<vmem>>
        %dma_start3A_295 = arith.constant 0 : i32
        %dma_start3A_296 = arith.constant 0 : i32
        %dma_start3A_297 = tpu.memref_slice %arg7[%arg0, %dma_start3A_295, %dma_start3A_296] : memref<2x10000x16xf32, #tpu.memory_space<hbm>> -> memref<1x10000x16xf32, #tpu.memory_space<hbm>>
        %dma_start3A_298 = tpu.memref_squeeze %dma_start3A_297 : memref<1x10000x16xf32, #tpu.memory_space<hbm>> -> memref<10000x16xf32, #tpu.memory_space<hbm>>
        %dma_start3A_299 = arith.constant 0 : i32
        %dma_start3A_300 = arith.constant 0 : i32
        %dma_start3A_301 = tpu.memref_slice %dma_start3A_298[%dma_start3A_299, %dma_start3A_300] : memref<10000x16xf32, #tpu.memory_space<hbm>> -> memref<10000x16xf32, #tpu.memory_space<hbm>>
        tpu.enqueue_indirect_dma source(%dma_start3A_301 : memref<10000x16xf32, #tpu.memory_space<hbm>>) target(%arg25 : memref<128x16xf32, #tpu.memory_space<vmem>>) offsets(%dma_start3A_294 : memref<128xi32, #tpu.memory_space<vmem>>) semaphore(%arg31 : memref<!tpu.dma_semaphore, #tpu.memory_space<semaphore_mem>>)
      } else {
      }
      %add3A_271 = arith.constant 4 : i32
      %add3A_272 = arith.addi %add3A_164, %add3A_271 : i32
      %add3A_273 = arith.constant 3 : i32
      %add3A_274 = arith.addi %add3A_272, %add3A_273 : i32
      %lt3A_275 = arith.constant 80 : i32
      %lt3A_276 = arith.cmpi slt, %add3A_274, %lt3A_275 : i32
      %convert_element_type3A_277 = arith.extui %lt3A_276 : i1 to i32
      %cond3A_278 = arith.constant 0 : i32
      %cond3A_279 = arith.cmpi ne, %convert_element_type3A_277, %cond3A_278 : i32
      scf.if %cond3A_279 {
        %add3A_280 = arith.constant 3 : i32
        %add3A_281 = arith.addi %add3A_164, %add3A_280 : i32
        %dma_wait3A_282 = arith.constant 0 : i32
        %dma_wait3A_283 = tpu.memref_slice %arg11[%add3A_281, %dma_wait3A_282] : memref<80x128xi32, #tpu.memory_space<vmem>> -> memref<1x128xi32, #tpu.memory_space<vmem>>
        %dma_wait3A_284 = tpu.memref_squeeze %dma_wait3A_283 : memref<1x128xi32, #tpu.memory_space<vmem>> -> memref<128xi32, #tpu.memory_space<vmem>>
        %dma_wait3A_285 = arith.constant 0 : i32
        %dma_wait3A_286 = arith.constant 0 : i32
        %dma_wait3A_287 = tpu.memref_slice %arg28[%dma_wait3A_285, %dma_wait3A_286] : memref<10016x16xf32, #tpu.memory_space<vmem_shared>> -> memref<10016x16xf32, #tpu.memory_space<vmem_shared>>
        tpu.wait_indirect_dma semaphore(%arg36 : memref<!tpu.dma_semaphore, #tpu.memory_space<semaphore_mem>>) src(%arg26 : memref<128x16xf32, #tpu.memory_space<vmem>>) dst(%dma_wait3A_287 : memref<10016x16xf32, #tpu.memory_space<vmem_shared>>)
        %add3A_288 = arith.constant 4 : i32
        %add3A_289 = arith.addi %add3A_164, %add3A_288 : i32
        %add3A_290 = arith.constant 3 : i32
        %add3A_291 = arith.addi %add3A_289, %add3A_290 : i32
        %dma_start3A_292 = arith.constant 0 : i32
        %dma_start3A_293 = tpu.memref_slice %arg10[%add3A_291, %dma_start3A_292] : memref<80x128xi32, #tpu.memory_space<vmem>> -> memref<1x128xi32, #tpu.memory_space<vmem>>
        %dma_start3A_294 = tpu.memref_squeeze %dma_start3A_293 : memref<1x128xi32, #tpu.memory_space<vmem>> -> memref<128xi32, #tpu.memory_space<vmem>>
        %dma_start3A_295 = arith.constant 0 : i32
        %dma_start3A_296 = arith.constant 0 : i32
        %dma_start3A_297 = tpu.memref_slice %arg7[%arg0, %dma_start3A_295, %dma_start3A_296] : memref<2x10000x16xf32, #tpu.memory_space<hbm>> -> memref<1x10000x16xf32, #tpu.memory_space<hbm>>
        %dma_start3A_298 = tpu.memref_squeeze %dma_start3A_297 : memref<1x10000x16xf32, #tpu.memory_space<hbm>> -> memref<10000x16xf32, #tpu.memory_space<hbm>>
        %dma_start3A_299 = arith.constant 0 : i32
        %dma_start3A_300 = arith.constant 0 : i32
        %dma_start3A_301 = tpu.memref_slice %dma_start3A_298[%dma_start3A_299, %dma_start3A_300] : memref<10000x16xf32, #tpu.memory_space<hbm>> -> memref<10000x16xf32, #tpu.memory_space<hbm>>
        tpu.enqueue_indirect_dma source(%dma_start3A_301 : memref<10000x16xf32, #tpu.memory_space<hbm>>) target(%arg26 : memref<128x16xf32, #tpu.memory_space<vmem>>) offsets(%dma_start3A_294 : memref<128xi32, #tpu.memory_space<vmem>>) semaphore(%arg32 : memref<!tpu.dma_semaphore, #tpu.memory_space<semaphore_mem>>)
      } else {
      }
    }
    %scan3A_117 = arith.constant 20 : i32
    %dma_wait3A = arith.constant 0 : i32
    %dma_wait3A_118 = arith.constant 0 : i32
    %dma_wait3A_119 = tpu.memref_slice %arg11[%dma_wait3A, %dma_wait3A_118] : memref<80x128xi32, #tpu.memory_space<vmem>> -> memref<1x128xi32, #tpu.memory_space<vmem>>
    %dma_wait3A_120 = tpu.memref_squeeze %dma_wait3A_119 : memref<1x128xi32, #tpu.memory_space<vmem>> -> memref<128xi32, #tpu.memory_space<vmem>>
    %dma_wait3A_121 = arith.constant 0 : i32
    %dma_wait3A_122 = arith.constant 0 : i32
    %dma_wait3A_123 = tpu.memref_slice %arg28[%dma_wait3A_121, %dma_wait3A_122] : memref<10016x16xf32, #tpu.memory_space<vmem_shared>> -> memref<10016x16xf32, #tpu.memory_space<vmem_shared>>
    tpu.wait_indirect_dma semaphore(%arg33 : memref<!tpu.dma_semaphore, #tpu.memory_space<semaphore_mem>>) src(%arg23 : memref<128x16xf32, #tpu.memory_space<vmem>>) dst(%dma_wait3A_123 : memref<10016x16xf32, #tpu.memory_space<vmem_shared>>)
    %dma_wait3A_124 = arith.constant 0 : i32
    %dma_wait3A_125 = arith.constant 0 : i32
    %dma_wait3A_126 = tpu.memref_slice %arg11[%dma_wait3A_124, %dma_wait3A_125] : memref<80x128xi32, #tpu.memory_space<vmem>> -> memref<1x128xi32, #tpu.memory_space<vmem>>
    %dma_wait3A_127 = tpu.memref_squeeze %dma_wait3A_126 : memref<1x128xi32, #tpu.memory_space<vmem>> -> memref<128xi32, #tpu.memory_space<vmem>>
    %dma_wait3A_128 = arith.constant 0 : i32
    %dma_wait3A_129 = arith.constant 0 : i32
    %dma_wait3A_130 = tpu.memref_slice %arg28[%dma_wait3A_128, %dma_wait3A_129] : memref<10016x16xf32, #tpu.memory_space<vmem_shared>> -> memref<10016x16xf32, #tpu.memory_space<vmem_shared>>
    tpu.wait_indirect_dma semaphore(%arg34 : memref<!tpu.dma_semaphore, #tpu.memory_space<semaphore_mem>>) src(%arg24 : memref<128x16xf32, #tpu.memory_space<vmem>>) dst(%dma_wait3A_130 : memref<10016x16xf32, #tpu.memory_space<vmem_shared>>)
    %dma_wait3A_131 = arith.constant 0 : i32
    %dma_wait3A_132 = arith.constant 0 : i32
    %dma_wait3A_133 = tpu.memref_slice %arg11[%dma_wait3A_131, %dma_wait3A_132] : memref<80x128xi32, #tpu.memory_space<vmem>> -> memref<1x128xi32, #tpu.memory_space<vmem>>
    %dma_wait3A_134 = tpu.memref_squeeze %dma_wait3A_133 : memref<1x128xi32, #tpu.memory_space<vmem>> -> memref<128xi32, #tpu.memory_space<vmem>>
    %dma_wait3A_135 = arith.constant 0 : i32
    %dma_wait3A_136 = arith.constant 0 : i32
    %dma_wait3A_137 = tpu.memref_slice %arg28[%dma_wait3A_135, %dma_wait3A_136] : memref<10016x16xf32, #tpu.memory_space<vmem_shared>> -> memref<10016x16xf32, #tpu.memory_space<vmem_shared>>
    tpu.wait_indirect_dma semaphore(%arg35 : memref<!tpu.dma_semaphore, #tpu.memory_space<semaphore_mem>>) src(%arg25 : memref<128x16xf32, #tpu.memory_space<vmem>>) dst(%dma_wait3A_137 : memref<10016x16xf32, #tpu.memory_space<vmem_shared>>)
    %dma_wait3A_138 = arith.constant 0 : i32
    %dma_wait3A_139 = arith.constant 0 : i32
    %dma_wait3A_140 = tpu.memref_slice %arg11[%dma_wait3A_138, %dma_wait3A_139] : memref<80x128xi32, #tpu.memory_space<vmem>> -> memref<1x128xi32, #tpu.memory_space<vmem>>
    %dma_wait3A_141 = tpu.memref_squeeze %dma_wait3A_140 : memref<1x128xi32, #tpu.memory_space<vmem>> -> memref<128xi32, #tpu.memory_space<vmem>>
    %dma_wait3A_142 = arith.constant 0 : i32
    %dma_wait3A_143 = arith.constant 0 : i32
    %dma_wait3A_144 = tpu.memref_slice %arg28[%dma_wait3A_142, %dma_wait3A_143] : memref<10016x16xf32, #tpu.memory_space<vmem_shared>> -> memref<10016x16xf32, #tpu.memory_space<vmem_shared>>
    tpu.wait_indirect_dma semaphore(%arg36 : memref<!tpu.dma_semaphore, #tpu.memory_space<semaphore_mem>>) src(%arg26 : memref<128x16xf32, #tpu.memory_space<vmem>>) dst(%dma_wait3A_144 : memref<10016x16xf32, #tpu.memory_space<vmem_shared>>)
    %barrier3A_145 = arith.constant 0 : index
    tpu.barrier barrier_id(%barrier3A_145)
    %mul3A_146 = arith.constant 624 : i32
    %mul3A_147 = arith.muli %arg1, %mul3A_146 : i32
    "tpu.region"() ({
      %run_scoped3A = tpu.sem_alloc : memref<!tpu.dma_semaphore, #tpu.memory_space<semaphore_mem>>
      %dma_start3A_160 = arith.constant 0 : i32
      %dma_start3A_161 = tpu.memref_slice %arg28[%mul3A_147, %dma_start3A_160] : memref<10016x16xf32, #tpu.memory_space<vmem_shared>> -> memref<624x16xf32, #tpu.memory_space<vmem_shared>>
      %dma_start3A_162 = arith.constant 0 : i32
      %dma_start3A_163 = tpu.memref_slice %arg28[%mul3A_147, %dma_start3A_162] : memref<10016x16xf32, #tpu.memory_space<vmem_shared>> -> memref<624x16xf32, #tpu.memory_space<vmem_shared>>
      tpu.enqueue_dma source(%dma_start3A_163 : memref<624x16xf32, #tpu.memory_space<vmem_shared>>) target(%arg17 : memref<624x16xf32, #tpu.memory_space<vmem>>) target_semaphore(%run_scoped3A : memref<!tpu.dma_semaphore, #tpu.memory_space<semaphore_mem>>)
      %dma_wait3A_164 = arith.constant 0 : i32
      %dma_wait3A_165 = tpu.memref_slice %arg28[%mul3A_147, %dma_wait3A_164] : memref<10016x16xf32, #tpu.memory_space<vmem_shared>> -> memref<624x16xf32, #tpu.memory_space<vmem_shared>>
      %dma_wait3A_166 = arith.constant 0 : i32
      %dma_wait3A_167 = tpu.memref_slice %arg28[%mul3A_147, %dma_wait3A_166] : memref<10016x16xf32, #tpu.memory_space<vmem_shared>> -> memref<624x16xf32, #tpu.memory_space<vmem_shared>>
      tpu.wait_dma2 semaphore(%run_scoped3A : memref<!tpu.dma_semaphore, #tpu.memory_space<semaphore_mem>>) src(%dma_wait3A_167 : memref<624x16xf32, #tpu.memory_space<vmem_shared>>) dst(%arg17 : memref<624x16xf32, #tpu.memory_space<vmem>>)
      tpu.yield
    }) : () -> ()
    %scan3A_148 = arith.constant 0 : i32
    %scan3A_149 = arith.constant 624 : i32
    %scan3A_150 = arith.addi %scan3A_148, %scan3A_149 : i32
    %scan3A_151 = arith.constant 1 : i32
    scf.for %scan3A_160 = %scan3A_148 to %scan3A_150 step %scan3A_151  : i32 {
      %mul3A_161 = arith.constant 1 : i32
      %mul3A_162 = arith.muli %scan3A_160, %mul3A_161 : i32
      %add3A_163 = arith.constant 0 : i32
      %add3A_164 = arith.addi %add3A_163, %mul3A_162 : i32
      %broadcast_in_dim3A_165 = arith.constant 0 : i32
      %broadcast_in_dim3A_166 = vector.broadcast %broadcast_in_dim3A_165 : i32 to vector<16xi32>
      %add3A_167 = vector.broadcast %add3A_164 : i32 to vector<16xi32>
      %add3A_168 = arith.addi %broadcast_in_dim3A_166, %add3A_167 : vector<16xi32>
      %gather3A = tpu.vector_load_idx %arg16[%add3A_168] : memref<640xf32, #tpu.memory_space<vmem>>[vector<16xi32>], vector<16xf32>,
      %get3A = arith.index_cast %add3A_164 : i32 to index
      %get3A_169 = arith.constant 0 : index
      %get3A_170 = tpu.vector_load %arg17[%get3A, %get3A_169] {strides = array<i32>} : memref<624x16xf32, #tpu.memory_space<vmem>>, vector<16xf32>,
      %mul3A_171 = arith.mulf %get3A_170, %gather3A : vector<16xf32>
      %shift_right_logical3A = arith.constant 3 : i32
      %shift_right_logical3A_172 = arith.shrui %add3A_164, %shift_right_logical3A : i32
      %and3A = arith.constant 7 : i32
      %and3A_173 = arith.andi %add3A_164, %and3A : i32
      %mul3A_174 = arith.constant 16 : i32
      %mul3A_175 = arith.muli %and3A_173, %mul3A_174 : i32
      %swap3A = arith.index_cast %shift_right_logical3A_172 : i32 to index
      %swap3A_176 = arith.index_cast %mul3A_175 : i32 to index
      %swap3A_177 = tpu.vector_load %arg19[%swap3A, %swap3A_176] {strides = array<i32>} : memref<78x128xf32, #tpu.memory_space<vmem>>, vector<16xf32>,
      tpu.vector_store %arg19[%swap3A, %swap3A_176], %mul3A_171 {strides = array<i32>} : memref<78x128xf32, #tpu.memory_space<vmem>>, vector<16xf32>,
    }
    %scan3A_152 = arith.constant 624 : i32
    %mul3A_153 = arith.constant 78 : i32
    %mul3A_154 = arith.muli %arg1, %mul3A_153 : i32
    "tpu.region"() ({
      %run_scoped3A = tpu.sem_alloc : memref<!tpu.dma_semaphore, #tpu.memory_space<semaphore_mem>>
      %dma_start3A_160 = arith.constant 0 : i32
      %dma_start3A_161 = tpu.memref_slice %arg6[%arg0, %mul3A_154, %dma_start3A_160] : memref<2x1250x128xf32, #tpu.memory_space<hbm>> -> memref<1x78x128xf32, #tpu.memory_space<hbm>>
      %dma_start3A_162 = tpu.memref_squeeze %dma_start3A_161 : memref<1x78x128xf32, #tpu.memory_space<hbm>> -> memref<78x128xf32, #tpu.memory_space<hbm>>
      %dma_start3A_163 = arith.constant 0 : i32
      %dma_start3A_164 = tpu.memref_slice %arg6[%arg0, %mul3A_154, %dma_start3A_163] : memref<2x1250x128xf32, #tpu.memory_space<hbm>> -> memref<1x78x128xf32, #tpu.memory_space<hbm>>
      %dma_start3A_165 = tpu.memref_squeeze %dma_start3A_164 : memref<1x78x128xf32, #tpu.memory_space<hbm>> -> memref<78x128xf32, #tpu.memory_space<hbm>>
      tpu.enqueue_dma source(%arg19 : memref<78x128xf32, #tpu.memory_space<vmem>>) target(%dma_start3A_165 : memref<78x128xf32, #tpu.memory_space<hbm>>) target_semaphore(%run_scoped3A : memref<!tpu.dma_semaphore, #tpu.memory_space<semaphore_mem>>)
      %dma_wait3A_166 = arith.constant 0 : i32
      %dma_wait3A_167 = tpu.memref_slice %arg6[%arg0, %mul3A_154, %dma_wait3A_166] : memref<2x1250x128xf32, #tpu.memory_space<hbm>> -> memref<1x78x128xf32, #tpu.memory_space<hbm>>
      %dma_wait3A_168 = tpu.memref_squeeze %dma_wait3A_167 : memref<1x78x128xf32, #tpu.memory_space<hbm>> -> memref<78x128xf32, #tpu.memory_space<hbm>>
      %dma_wait3A_169 = arith.constant 0 : i32
      %dma_wait3A_170 = tpu.memref_slice %arg6[%arg0, %mul3A_154, %dma_wait3A_169] : memref<2x1250x128xf32, #tpu.memory_space<hbm>> -> memref<1x78x128xf32, #tpu.memory_space<hbm>>
      %dma_wait3A_171 = tpu.memref_squeeze %dma_wait3A_170 : memref<1x78x128xf32, #tpu.memory_space<hbm>> -> memref<78x128xf32, #tpu.memory_space<hbm>>
      tpu.wait_dma2 semaphore(%run_scoped3A : memref<!tpu.dma_semaphore, #tpu.memory_space<semaphore_mem>>) src(%arg19 : memref<78x128xf32, #tpu.memory_space<vmem>>) dst(%dma_wait3A_171 : memref<78x128xf32, #tpu.memory_space<hbm>>)
      tpu.yield
    }) : () -> ()
    %eq3A_155 = arith.constant 0 : i32
    %eq3A_156 = arith.cmpi eq, %arg1, %eq3A_155 : i32
    %convert_element_type3A_157 = arith.extui %eq3A_156 : i1 to i32
    %cond3A_158 = arith.constant 0 : i32
    %cond3A_159 = arith.cmpi ne, %convert_element_type3A_157, %cond3A_158 : i32
    scf.if %cond3A_159 {
      "tpu.region"() ({
        %run_scoped3A = tpu.sem_alloc : memref<!tpu.dma_semaphore, #tpu.memory_space<semaphore_mem>>
        %dma_start3A_165 = arith.constant 9984 : i32
        %dma_start3A_166 = arith.constant 0 : i32
        %dma_start3A_167 = tpu.memref_slice %arg28[%dma_start3A_165, %dma_start3A_166] : memref<10016x16xf32, #tpu.memory_space<vmem_shared>> -> memref<16x16xf32, #tpu.memory_space<vmem_shared>>
        %dma_start3A_168 = arith.constant 9984 : i32
        %dma_start3A_169 = arith.constant 0 : i32
        %dma_start3A_170 = tpu.memref_slice %arg28[%dma_start3A_168, %dma_start3A_169] : memref<10016x16xf32, #tpu.memory_space<vmem_shared>> -> memref<16x16xf32, #tpu.memory_space<vmem_shared>>
        tpu.enqueue_dma source(%dma_start3A_170 : memref<16x16xf32, #tpu.memory_space<vmem_shared>>) target(%arg18 : memref<16x16xf32, #tpu.memory_space<vmem>>) target_semaphore(%run_scoped3A : memref<!tpu.dma_semaphore, #tpu.memory_space<semaphore_mem>>)
        %dma_wait3A_171 = arith.constant 9984 : i32
        %dma_wait3A_172 = arith.constant 0 : i32
        %dma_wait3A_173 = tpu.memref_slice %arg28[%dma_wait3A_171, %dma_wait3A_172] : memref<10016x16xf32, #tpu.memory_space<vmem_shared>> -> memref<16x16xf32, #tpu.memory_space<vmem_shared>>
        %dma_wait3A_174 = arith.constant 9984 : i32
        %dma_wait3A_175 = arith.constant 0 : i32
        %dma_wait3A_176 = tpu.memref_slice %arg28[%dma_wait3A_174, %dma_wait3A_175] : memref<10016x16xf32, #tpu.memory_space<vmem_shared>> -> memref<16x16xf32, #tpu.memory_space<vmem_shared>>
        tpu.wait_dma2 semaphore(%run_scoped3A : memref<!tpu.dma_semaphore, #tpu.memory_space<semaphore_mem>>) src(%dma_wait3A_176 : memref<16x16xf32, #tpu.memory_space<vmem_shared>>) dst(%arg18 : memref<16x16xf32, #tpu.memory_space<vmem>>)
        tpu.yield
      }) : () -> ()
      %scan3A_160 = arith.constant 0 : i32
      %scan3A_161 = arith.constant 16 : i32
      %scan3A_162 = arith.addi %scan3A_160, %scan3A_161 : i32
      %scan3A_163 = arith.constant 1 : i32
      scf.for %scan3A_165 = %scan3A_160 to %scan3A_162 step %scan3A_163  : i32 {
        %mul3A_166 = arith.constant 1 : i32
        %mul3A_167 = arith.muli %scan3A_165, %mul3A_166 : i32
        %add3A_168 = arith.constant 0 : i32
        %add3A_169 = arith.addi %add3A_168, %mul3A_167 : i32
        %broadcast_in_dim3A_170 = arith.constant 624 : i32
        %broadcast_in_dim3A_171 = vector.broadcast %broadcast_in_dim3A_170 : i32 to vector<16xi32>
        %add3A_172 = vector.broadcast %add3A_169 : i32 to vector<16xi32>
        %add3A_173 = arith.addi %broadcast_in_dim3A_171, %add3A_172 : vector<16xi32>
        %gather3A = tpu.vector_load_idx %arg16[%add3A_173] : memref<640xf32, #tpu.memory_space<vmem>>[vector<16xi32>], vector<16xf32>,
        %get3A = arith.index_cast %add3A_169 : i32 to index
        %get3A_174 = arith.constant 0 : index
        %get3A_175 = tpu.vector_load %arg18[%get3A, %get3A_174] {strides = array<i32>} : memref<16x16xf32, #tpu.memory_space<vmem>>, vector<16xf32>,
        %mul3A_176 = arith.mulf %get3A_175, %gather3A : vector<16xf32>
        %shift_right_logical3A = arith.constant 3 : i32
        %shift_right_logical3A_177 = arith.shrui %add3A_169, %shift_right_logical3A : i32
        %and3A = arith.constant 7 : i32
        %and3A_178 = arith.andi %add3A_169, %and3A : i32
        %mul3A_179 = arith.constant 16 : i32
        %mul3A_180 = arith.muli %and3A_178, %mul3A_179 : i32
        %swap3A = arith.index_cast %shift_right_logical3A_177 : i32 to index
        %swap3A_181 = arith.index_cast %mul3A_180 : i32 to index
        %swap3A_182 = tpu.vector_load %arg21[%swap3A, %swap3A_181] {strides = array<i32>} : memref<2x128xf32, #tpu.memory_space<vmem>>, vector<16xf32>,
        tpu.vector_store %arg21[%swap3A, %swap3A_181], %mul3A_176 {strides = array<i32>} : memref<2x128xf32, #tpu.memory_space<vmem>>, vector<16xf32>,
      }
      %scan3A_164 = arith.constant 16 : i32
      "tpu.region"() ({
        %run_scoped3A = tpu.sem_alloc : memref<!tpu.dma_semaphore, #tpu.memory_space<semaphore_mem>>
        %dma_start3A_165 = arith.constant 1248 : i32
        %dma_start3A_166 = arith.constant 0 : i32
        %dma_start3A_167 = tpu.memref_slice %arg6[%arg0, %dma_start3A_165, %dma_start3A_166] : memref<2x1250x128xf32, #tpu.memory_space<hbm>> -> memref<1x2x128xf32, #tpu.memory_space<hbm>>
        %dma_start3A_168 = tpu.memref_squeeze %dma_start3A_167 : memref<1x2x128xf32, #tpu.memory_space<hbm>> -> memref<2x128xf32, #tpu.memory_space<hbm>>
        %dma_start3A_169 = arith.constant 1248 : i32
        %dma_start3A_170 = arith.constant 0 : i32
        %dma_start3A_171 = tpu.memref_slice %arg6[%arg0, %dma_start3A_169, %dma_start3A_170] : memref<2x1250x128xf32, #tpu.memory_space<hbm>> -> memref<1x2x128xf32, #tpu.memory_space<hbm>>
        %dma_start3A_172 = tpu.memref_squeeze %dma_start3A_171 : memref<1x2x128xf32, #tpu.memory_space<hbm>> -> memref<2x128xf32, #tpu.memory_space<hbm>>
        tpu.enqueue_dma source(%arg21 : memref<2x128xf32, #tpu.memory_space<vmem>>) target(%dma_start3A_172 : memref<2x128xf32, #tpu.memory_space<hbm>>) target_semaphore(%run_scoped3A : memref<!tpu.dma_semaphore, #tpu.memory_space<semaphore_mem>>)
        %dma_wait3A_173 = arith.constant 1248 : i32
        %dma_wait3A_174 = arith.constant 0 : i32
        %dma_wait3A_175 = tpu.memref_slice %arg6[%arg0, %dma_wait3A_173, %dma_wait3A_174] : memref<2x1250x128xf32, #tpu.memory_space<hbm>> -> memref<1x2x128xf32, #tpu.memory_space<hbm>>
        %dma_wait3A_176 = tpu.memref_squeeze %dma_wait3A_175 : memref<1x2x128xf32, #tpu.memory_space<hbm>> -> memref<2x128xf32, #tpu.memory_space<hbm>>
        %dma_wait3A_177 = arith.constant 1248 : i32
        %dma_wait3A_178 = arith.constant 0 : i32
        %dma_wait3A_179 = tpu.memref_slice %arg6[%arg0, %dma_wait3A_177, %dma_wait3A_178] : memref<2x1250x128xf32, #tpu.memory_space<hbm>> -> memref<1x2x128xf32, #tpu.memory_space<hbm>>
        %dma_wait3A_180 = tpu.memref_squeeze %dma_wait3A_179 : memref<1x2x128xf32, #tpu.memory_space<hbm>> -> memref<2x128xf32, #tpu.memory_space<hbm>>
        tpu.wait_dma2 semaphore(%run_scoped3A : memref<!tpu.dma_semaphore, #tpu.memory_space<semaphore_mem>>) src(%arg21 : memref<2x128xf32, #tpu.memory_space<vmem>>) dst(%dma_wait3A_180 : memref<2x128xf32, #tpu.memory_space<hbm>>)
        tpu.yield
      }) : () -> ()
    } else {
    }
    return
  }
}

#map = affine_map<(d0, d1) -> (0, 0)>
#map1 = affine_map<(d0, d1) -> (0, 0, 0)>
module attributes {stable_mosaic.version = 14 : i64} {
  func.func @_sc_k2(%arg0: i32, %arg1: i32, %arg2: memref<10000x48xf32, #tpu.memory_space<hbm>>, %arg3: memref<32x80x128xi32, #tpu.memory_space<hbm>>, %arg4: memref<32x80x128xi32, #tpu.memory_space<hbm>>, %arg5: memref<10000x48xf32, #tpu.memory_space<hbm>>, %arg6: memref<2x10000x48xf32, #tpu.memory_space<hbm>>, %arg7: memref<80x128xi32, #tpu.memory_space<vmem>>, %arg8: memref<80x128xi32, #tpu.memory_space<vmem>>, %arg9: memref<128x48xf32, #tpu.memory_space<vmem>>, %arg10: memref<128x48xf32, #tpu.memory_space<vmem>>, %arg11: memref<128x48xf32, #tpu.memory_space<vmem>>, %arg12: memref<128x48xf32, #tpu.memory_space<vmem>>, %arg13: memref<10016x48xf32, #tpu.memory_space<vmem_shared>>, %arg14: memref<!tpu.dma_semaphore, #tpu.memory_space<semaphore_mem>>, %arg15: memref<!tpu.dma_semaphore, #tpu.memory_space<semaphore_mem>>, %arg16: memref<!tpu.dma_semaphore, #tpu.memory_space<semaphore_mem>>, %arg17: memref<!tpu.dma_semaphore, #tpu.memory_space<semaphore_mem>>, %arg18: memref<!tpu.dma_semaphore, #tpu.memory_space<semaphore_mem>>, %arg19: memref<!tpu.dma_semaphore, #tpu.memory_space<semaphore_mem>>, %arg20: memref<!tpu.dma_semaphore, #tpu.memory_space<semaphore_mem>>, %arg21: memref<!tpu.dma_semaphore, #tpu.memory_space<semaphore_mem>>) attributes {dimension_semantics = [#tpu.dimension_semantics<core_parallel>, #tpu.dimension_semantics<subcore_parallel>], iteration_bounds = array<i64: 2, 16>, scalar_prefetch = 0 : i64, scratch_operands = 15 : i64, tpu.core_type = #tpu.core_type<sc_vector_subcore>, window_params = [{transform_indices = #map}, {transform_indices = #map1}, {transform_indices = #map1}, {transform_indices = #map}, {transform_indices = #map1}]} {
    %mul3A = arith.constant 16 : i32
    %mul3A_0 = arith.muli %arg0, %mul3A : i32
    %add3A = arith.addi %mul3A_0, %arg1 : i32
    "tpu.region"() ({
      %run_scoped3A = tpu.sem_alloc : memref<!tpu.dma_semaphore, #tpu.memory_space<semaphore_mem>>
      %dma_start3A_76 = arith.constant 0 : i32
      %dma_start3A_77 = arith.constant 0 : i32
      %dma_start3A_78 = tpu.memref_slice %arg3[%add3A, %dma_start3A_76, %dma_start3A_77] : memref<32x80x128xi32, #tpu.memory_space<hbm>> -> memref<1x80x128xi32, #tpu.memory_space<hbm>>
      %dma_start3A_79 = tpu.memref_squeeze %dma_start3A_78 : memref<1x80x128xi32, #tpu.memory_space<hbm>> -> memref<80x128xi32, #tpu.memory_space<hbm>>
      %dma_start3A_80 = arith.constant 0 : i32
      %dma_start3A_81 = arith.constant 0 : i32
      %dma_start3A_82 = tpu.memref_slice %arg3[%add3A, %dma_start3A_80, %dma_start3A_81] : memref<32x80x128xi32, #tpu.memory_space<hbm>> -> memref<1x80x128xi32, #tpu.memory_space<hbm>>
      %dma_start3A_83 = tpu.memref_squeeze %dma_start3A_82 : memref<1x80x128xi32, #tpu.memory_space<hbm>> -> memref<80x128xi32, #tpu.memory_space<hbm>>
      tpu.enqueue_dma source(%dma_start3A_83 : memref<80x128xi32, #tpu.memory_space<hbm>>) target(%arg7 : memref<80x128xi32, #tpu.memory_space<vmem>>) target_semaphore(%run_scoped3A : memref<!tpu.dma_semaphore, #tpu.memory_space<semaphore_mem>>)
      %dma_wait3A_84 = arith.constant 0 : i32
      %dma_wait3A_85 = arith.constant 0 : i32
      %dma_wait3A_86 = tpu.memref_slice %arg3[%add3A, %dma_wait3A_84, %dma_wait3A_85] : memref<32x80x128xi32, #tpu.memory_space<hbm>> -> memref<1x80x128xi32, #tpu.memory_space<hbm>>
      %dma_wait3A_87 = tpu.memref_squeeze %dma_wait3A_86 : memref<1x80x128xi32, #tpu.memory_space<hbm>> -> memref<80x128xi32, #tpu.memory_space<hbm>>
      %dma_wait3A_88 = arith.constant 0 : i32
      %dma_wait3A_89 = arith.constant 0 : i32
      %dma_wait3A_90 = tpu.memref_slice %arg3[%add3A, %dma_wait3A_88, %dma_wait3A_89] : memref<32x80x128xi32, #tpu.memory_space<hbm>> -> memref<1x80x128xi32, #tpu.memory_space<hbm>>
      %dma_wait3A_91 = tpu.memref_squeeze %dma_wait3A_90 : memref<1x80x128xi32, #tpu.memory_space<hbm>> -> memref<80x128xi32, #tpu.memory_space<hbm>>
      tpu.wait_dma2 semaphore(%run_scoped3A : memref<!tpu.dma_semaphore, #tpu.memory_space<semaphore_mem>>) src(%dma_wait3A_91 : memref<80x128xi32, #tpu.memory_space<hbm>>) dst(%arg7 : memref<80x128xi32, #tpu.memory_space<vmem>>)
      tpu.yield
    }) : () -> ()
    "tpu.region"() ({
      %run_scoped3A = tpu.sem_alloc : memref<!tpu.dma_semaphore, #tpu.memory_space<semaphore_mem>>
      %dma_start3A_76 = arith.constant 0 : i32
      %dma_start3A_77 = arith.constant 0 : i32
      %dma_start3A_78 = tpu.memref_slice %arg4[%add3A, %dma_start3A_76, %dma_start3A_77] : memref<32x80x128xi32, #tpu.memory_space<hbm>> -> memref<1x80x128xi32, #tpu.memory_space<hbm>>
      %dma_start3A_79 = tpu.memref_squeeze %dma_start3A_78 : memref<1x80x128xi32, #tpu.memory_space<hbm>> -> memref<80x128xi32, #tpu.memory_space<hbm>>
      %dma_start3A_80 = arith.constant 0 : i32
      %dma_start3A_81 = arith.constant 0 : i32
      %dma_start3A_82 = tpu.memref_slice %arg4[%add3A, %dma_start3A_80, %dma_start3A_81] : memref<32x80x128xi32, #tpu.memory_space<hbm>> -> memref<1x80x128xi32, #tpu.memory_space<hbm>>
      %dma_start3A_83 = tpu.memref_squeeze %dma_start3A_82 : memref<1x80x128xi32, #tpu.memory_space<hbm>> -> memref<80x128xi32, #tpu.memory_space<hbm>>
      tpu.enqueue_dma source(%dma_start3A_83 : memref<80x128xi32, #tpu.memory_space<hbm>>) target(%arg8 : memref<80x128xi32, #tpu.memory_space<vmem>>) target_semaphore(%run_scoped3A : memref<!tpu.dma_semaphore, #tpu.memory_space<semaphore_mem>>)
      %dma_wait3A_84 = arith.constant 0 : i32
      %dma_wait3A_85 = arith.constant 0 : i32
      %dma_wait3A_86 = tpu.memref_slice %arg4[%add3A, %dma_wait3A_84, %dma_wait3A_85] : memref<32x80x128xi32, #tpu.memory_space<hbm>> -> memref<1x80x128xi32, #tpu.memory_space<hbm>>
      %dma_wait3A_87 = tpu.memref_squeeze %dma_wait3A_86 : memref<1x80x128xi32, #tpu.memory_space<hbm>> -> memref<80x128xi32, #tpu.memory_space<hbm>>
      %dma_wait3A_88 = arith.constant 0 : i32
      %dma_wait3A_89 = arith.constant 0 : i32
      %dma_wait3A_90 = tpu.memref_slice %arg4[%add3A, %dma_wait3A_88, %dma_wait3A_89] : memref<32x80x128xi32, #tpu.memory_space<hbm>> -> memref<1x80x128xi32, #tpu.memory_space<hbm>>
      %dma_wait3A_91 = tpu.memref_squeeze %dma_wait3A_90 : memref<1x80x128xi32, #tpu.memory_space<hbm>> -> memref<80x128xi32, #tpu.memory_space<hbm>>
      tpu.wait_dma2 semaphore(%run_scoped3A : memref<!tpu.dma_semaphore, #tpu.memory_space<semaphore_mem>>) src(%dma_wait3A_91 : memref<80x128xi32, #tpu.memory_space<hbm>>) dst(%arg8 : memref<80x128xi32, #tpu.memory_space<vmem>>)
      tpu.yield
    }) : () -> ()
    %eq3A = arith.constant 0 : i32
    %eq3A_1 = arith.cmpi eq, %arg0, %eq3A : i32
    %convert_element_type3A = arith.extui %eq3A_1 : i1 to i32
    %cond3A = arith.constant 0 : i32
    %cond3A_2 = arith.cmpi ne, %convert_element_type3A, %cond3A : i32
    scf.if %cond3A_2 {
      %mul3A_76 = arith.constant 624 : i32
      %mul3A_77 = arith.muli %arg1, %mul3A_76 : i32
      %mul3A_78 = arith.constant 624 : i32
      %mul3A_79 = arith.muli %arg1, %mul3A_78 : i32
      "tpu.region"() ({
        %run_scoped3A = tpu.sem_alloc : memref<!tpu.dma_semaphore, #tpu.memory_space<semaphore_mem>>
        %dma_start3A_85 = arith.constant 0 : i32
        %dma_start3A_86 = tpu.memref_slice %arg13[%mul3A_79, %dma_start3A_85] : memref<10016x48xf32, #tpu.memory_space<vmem_shared>> -> memref<624x48xf32, #tpu.memory_space<vmem_shared>>
        %dma_start3A_87 = arith.constant 0 : i32
        %dma_start3A_88 = tpu.memref_slice %arg2[%mul3A_77, %dma_start3A_87] : memref<10000x48xf32, #tpu.memory_space<hbm>> -> memref<624x48xf32, #tpu.memory_space<hbm>>
        tpu.enqueue_dma source(%dma_start3A_88 : memref<624x48xf32, #tpu.memory_space<hbm>>) target(%dma_start3A_86 : memref<624x48xf32, #tpu.memory_space<vmem_shared>>) target_semaphore(%run_scoped3A : memref<!tpu.dma_semaphore, #tpu.memory_space<semaphore_mem>>)
        %dma_wait3A_89 = arith.constant 0 : i32
        %dma_wait3A_90 = tpu.memref_slice %arg13[%mul3A_79, %dma_wait3A_89] : memref<10016x48xf32, #tpu.memory_space<vmem_shared>> -> memref<624x48xf32, #tpu.memory_space<vmem_shared>>
        %dma_wait3A_91 = arith.constant 0 : i32
        %dma_wait3A_92 = tpu.memref_slice %arg2[%mul3A_77, %dma_wait3A_91] : memref<10000x48xf32, #tpu.memory_space<hbm>> -> memref<624x48xf32, #tpu.memory_space<hbm>>
        tpu.wait_dma2 semaphore(%run_scoped3A : memref<!tpu.dma_semaphore, #tpu.memory_space<semaphore_mem>>) src(%dma_wait3A_92 : memref<624x48xf32, #tpu.memory_space<hbm>>) dst(%dma_wait3A_90 : memref<624x48xf32, #tpu.memory_space<vmem_shared>>)
        tpu.yield
      }) : () -> ()
      %eq3A_80 = arith.constant 0 : i32
      %eq3A_81 = arith.cmpi eq, %arg1, %eq3A_80 : i32
      %convert_element_type3A_82 = arith.extui %eq3A_81 : i1 to i32
      %cond3A_83 = arith.constant 0 : i32
      %cond3A_84 = arith.cmpi ne, %convert_element_type3A_82, %cond3A_83 : i32
      scf.if %cond3A_84 {
        "tpu.region"() ({
          %run_scoped3A = tpu.sem_alloc : memref<!tpu.dma_semaphore, #tpu.memory_space<semaphore_mem>>
          %dma_start3A_85 = arith.constant 9984 : i32
          %dma_start3A_86 = arith.constant 0 : i32
          %dma_start3A_87 = tpu.memref_slice %arg13[%dma_start3A_85, %dma_start3A_86] : memref<10016x48xf32, #tpu.memory_space<vmem_shared>> -> memref<16x48xf32, #tpu.memory_space<vmem_shared>>
          %dma_start3A_88 = arith.constant 9984 : i32
          %dma_start3A_89 = arith.constant 0 : i32
          %dma_start3A_90 = tpu.memref_slice %arg2[%dma_start3A_88, %dma_start3A_89] : memref<10000x48xf32, #tpu.memory_space<hbm>> -> memref<16x48xf32, #tpu.memory_space<hbm>>
          tpu.enqueue_dma source(%dma_start3A_90 : memref<16x48xf32, #tpu.memory_space<hbm>>) target(%dma_start3A_87 : memref<16x48xf32, #tpu.memory_space<vmem_shared>>) target_semaphore(%run_scoped3A : memref<!tpu.dma_semaphore, #tpu.memory_space<semaphore_mem>>)
          %dma_wait3A_91 = arith.constant 9984 : i32
          %dma_wait3A_92 = arith.constant 0 : i32
          %dma_wait3A_93 = tpu.memref_slice %arg13[%dma_wait3A_91, %dma_wait3A_92] : memref<10016x48xf32, #tpu.memory_space<vmem_shared>> -> memref<16x48xf32, #tpu.memory_space<vmem_shared>>
          %dma_wait3A_94 = arith.constant 9984 : i32
          %dma_wait3A_95 = arith.constant 0 : i32
          %dma_wait3A_96 = tpu.memref_slice %arg2[%dma_wait3A_94, %dma_wait3A_95] : memref<10000x48xf32, #tpu.memory_space<hbm>> -> memref<16x48xf32, #tpu.memory_space<hbm>>
          tpu.wait_dma2 semaphore(%run_scoped3A : memref<!tpu.dma_semaphore, #tpu.memory_space<semaphore_mem>>) src(%dma_wait3A_96 : memref<16x48xf32, #tpu.memory_space<hbm>>) dst(%dma_wait3A_93 : memref<16x48xf32, #tpu.memory_space<vmem_shared>>)
          tpu.yield
        }) : () -> ()
      } else {
      }
    } else {
    }
    %eq3A_3 = arith.constant 1 : i32
    %eq3A_4 = arith.cmpi eq, %arg0, %eq3A_3 : i32
    %convert_element_type3A_5 = arith.extui %eq3A_4 : i1 to i32
    %cond3A_6 = arith.constant 0 : i32
    %cond3A_7 = arith.cmpi ne, %convert_element_type3A_5, %cond3A_6 : i32
    scf.if %cond3A_7 {
      %mul3A_76 = arith.constant 624 : i32
      %mul3A_77 = arith.muli %arg1, %mul3A_76 : i32
      %mul3A_78 = arith.constant 624 : i32
      %mul3A_79 = arith.muli %arg1, %mul3A_78 : i32
      "tpu.region"() ({
        %run_scoped3A = tpu.sem_alloc : memref<!tpu.dma_semaphore, #tpu.memory_space<semaphore_mem>>
        %dma_start3A_85 = arith.constant 0 : i32
        %dma_start3A_86 = tpu.memref_slice %arg13[%mul3A_79, %dma_start3A_85] : memref<10016x48xf32, #tpu.memory_space<vmem_shared>> -> memref<624x48xf32, #tpu.memory_space<vmem_shared>>
        %dma_start3A_87 = arith.constant 0 : i32
        %dma_start3A_88 = tpu.memref_slice %arg5[%mul3A_77, %dma_start3A_87] : memref<10000x48xf32, #tpu.memory_space<hbm>> -> memref<624x48xf32, #tpu.memory_space<hbm>>
        tpu.enqueue_dma source(%dma_start3A_88 : memref<624x48xf32, #tpu.memory_space<hbm>>) target(%dma_start3A_86 : memref<624x48xf32, #tpu.memory_space<vmem_shared>>) target_semaphore(%run_scoped3A : memref<!tpu.dma_semaphore, #tpu.memory_space<semaphore_mem>>)
        %dma_wait3A_89 = arith.constant 0 : i32
        %dma_wait3A_90 = tpu.memref_slice %arg13[%mul3A_79, %dma_wait3A_89] : memref<10016x48xf32, #tpu.memory_space<vmem_shared>> -> memref<624x48xf32, #tpu.memory_space<vmem_shared>>
        %dma_wait3A_91 = arith.constant 0 : i32
        %dma_wait3A_92 = tpu.memref_slice %arg5[%mul3A_77, %dma_wait3A_91] : memref<10000x48xf32, #tpu.memory_space<hbm>> -> memref<624x48xf32, #tpu.memory_space<hbm>>
        tpu.wait_dma2 semaphore(%run_scoped3A : memref<!tpu.dma_semaphore, #tpu.memory_space<semaphore_mem>>) src(%dma_wait3A_92 : memref<624x48xf32, #tpu.memory_space<hbm>>) dst(%dma_wait3A_90 : memref<624x48xf32, #tpu.memory_space<vmem_shared>>)
        tpu.yield
      }) : () -> ()
      %eq3A_80 = arith.constant 0 : i32
      %eq3A_81 = arith.cmpi eq, %arg1, %eq3A_80 : i32
      %convert_element_type3A_82 = arith.extui %eq3A_81 : i1 to i32
      %cond3A_83 = arith.constant 0 : i32
      %cond3A_84 = arith.cmpi ne, %convert_element_type3A_82, %cond3A_83 : i32
      scf.if %cond3A_84 {
        "tpu.region"() ({
          %run_scoped3A = tpu.sem_alloc : memref<!tpu.dma_semaphore, #tpu.memory_space<semaphore_mem>>
          %dma_start3A_85 = arith.constant 9984 : i32
          %dma_start3A_86 = arith.constant 0 : i32
          %dma_start3A_87 = tpu.memref_slice %arg13[%dma_start3A_85, %dma_start3A_86] : memref<10016x48xf32, #tpu.memory_space<vmem_shared>> -> memref<16x48xf32, #tpu.memory_space<vmem_shared>>
          %dma_start3A_88 = arith.constant 9984 : i32
          %dma_start3A_89 = arith.constant 0 : i32
          %dma_start3A_90 = tpu.memref_slice %arg5[%dma_start3A_88, %dma_start3A_89] : memref<10000x48xf32, #tpu.memory_space<hbm>> -> memref<16x48xf32, #tpu.memory_space<hbm>>
          tpu.enqueue_dma source(%dma_start3A_90 : memref<16x48xf32, #tpu.memory_space<hbm>>) target(%dma_start3A_87 : memref<16x48xf32, #tpu.memory_space<vmem_shared>>) target_semaphore(%run_scoped3A : memref<!tpu.dma_semaphore, #tpu.memory_space<semaphore_mem>>)
          %dma_wait3A_91 = arith.constant 9984 : i32
          %dma_wait3A_92 = arith.constant 0 : i32
          %dma_wait3A_93 = tpu.memref_slice %arg13[%dma_wait3A_91, %dma_wait3A_92] : memref<10016x48xf32, #tpu.memory_space<vmem_shared>> -> memref<16x48xf32, #tpu.memory_space<vmem_shared>>
          %dma_wait3A_94 = arith.constant 9984 : i32
          %dma_wait3A_95 = arith.constant 0 : i32
          %dma_wait3A_96 = tpu.memref_slice %arg5[%dma_wait3A_94, %dma_wait3A_95] : memref<10000x48xf32, #tpu.memory_space<hbm>> -> memref<16x48xf32, #tpu.memory_space<hbm>>
          tpu.wait_dma2 semaphore(%run_scoped3A : memref<!tpu.dma_semaphore, #tpu.memory_space<semaphore_mem>>) src(%dma_wait3A_96 : memref<16x48xf32, #tpu.memory_space<hbm>>) dst(%dma_wait3A_93 : memref<16x48xf32, #tpu.memory_space<vmem_shared>>)
          tpu.yield
        }) : () -> ()
      } else {
      }
    } else {
    }
    %barrier3A = arith.constant 0 : index
    tpu.barrier barrier_id(%barrier3A)
    %dma_start3A = arith.constant 0 : i32
    %dma_start3A_8 = arith.constant 0 : i32
    %dma_start3A_9 = tpu.memref_slice %arg7[%dma_start3A, %dma_start3A_8] : memref<80x128xi32, #tpu.memory_space<vmem>> -> memref<1x128xi32, #tpu.memory_space<vmem>>
    %dma_start3A_10 = tpu.memref_squeeze %dma_start3A_9 : memref<1x128xi32, #tpu.memory_space<vmem>> -> memref<128xi32, #tpu.memory_space<vmem>>
    %dma_start3A_11 = arith.constant 0 : i32
    %dma_start3A_12 = arith.constant 0 : i32
    %dma_start3A_13 = tpu.memref_slice %arg2[%dma_start3A_11, %dma_start3A_12] : memref<10000x48xf32, #tpu.memory_space<hbm>> -> memref<10000x48xf32, #tpu.memory_space<hbm>>
    tpu.enqueue_indirect_dma source(%dma_start3A_13 : memref<10000x48xf32, #tpu.memory_space<hbm>>) target(%arg9 : memref<128x48xf32, #tpu.memory_space<vmem>>) offsets(%dma_start3A_10 : memref<128xi32, #tpu.memory_space<vmem>>) semaphore(%arg14 : memref<!tpu.dma_semaphore, #tpu.memory_space<semaphore_mem>>)
    %dma_start3A_14 = arith.constant 1 : i32
    %dma_start3A_15 = arith.constant 0 : i32
    %dma_start3A_16 = tpu.memref_slice %arg7[%dma_start3A_14, %dma_start3A_15] : memref<80x128xi32, #tpu.memory_space<vmem>> -> memref<1x128xi32, #tpu.memory_space<vmem>>
    %dma_start3A_17 = tpu.memref_squeeze %dma_start3A_16 : memref<1x128xi32, #tpu.memory_space<vmem>> -> memref<128xi32, #tpu.memory_space<vmem>>
    %dma_start3A_18 = arith.constant 0 : i32
    %dma_start3A_19 = arith.constant 0 : i32
    %dma_start3A_20 = tpu.memref_slice %arg2[%dma_start3A_18, %dma_start3A_19] : memref<10000x48xf32, #tpu.memory_space<hbm>> -> memref<10000x48xf32, #tpu.memory_space<hbm>>
    tpu.enqueue_indirect_dma source(%dma_start3A_20 : memref<10000x48xf32, #tpu.memory_space<hbm>>) target(%arg10 : memref<128x48xf32, #tpu.memory_space<vmem>>) offsets(%dma_start3A_17 : memref<128xi32, #tpu.memory_space<vmem>>) semaphore(%arg15 : memref<!tpu.dma_semaphore, #tpu.memory_space<semaphore_mem>>)
    %dma_start3A_21 = arith.constant 2 : i32
    %dma_start3A_22 = arith.constant 0 : i32
    %dma_start3A_23 = tpu.memref_slice %arg7[%dma_start3A_21, %dma_start3A_22] : memref<80x128xi32, #tpu.memory_space<vmem>> -> memref<1x128xi32, #tpu.memory_space<vmem>>
    %dma_start3A_24 = tpu.memref_squeeze %dma_start3A_23 : memref<1x128xi32, #tpu.memory_space<vmem>> -> memref<128xi32, #tpu.memory_space<vmem>>
    %dma_start3A_25 = arith.constant 0 : i32
    %dma_start3A_26 = arith.constant 0 : i32
    %dma_start3A_27 = tpu.memref_slice %arg2[%dma_start3A_25, %dma_start3A_26] : memref<10000x48xf32, #tpu.memory_space<hbm>> -> memref<10000x48xf32, #tpu.memory_space<hbm>>
    tpu.enqueue_indirect_dma source(%dma_start3A_27 : memref<10000x48xf32, #tpu.memory_space<hbm>>) target(%arg11 : memref<128x48xf32, #tpu.memory_space<vmem>>) offsets(%dma_start3A_24 : memref<128xi32, #tpu.memory_space<vmem>>) semaphore(%arg16 : memref<!tpu.dma_semaphore, #tpu.memory_space<semaphore_mem>>)
    %dma_start3A_28 = arith.constant 3 : i32
    %dma_start3A_29 = arith.constant 0 : i32
    %dma_start3A_30 = tpu.memref_slice %arg7[%dma_start3A_28, %dma_start3A_29] : memref<80x128xi32, #tpu.memory_space<vmem>> -> memref<1x128xi32, #tpu.memory_space<vmem>>
    %dma_start3A_31 = tpu.memref_squeeze %dma_start3A_30 : memref<1x128xi32, #tpu.memory_space<vmem>> -> memref<128xi32, #tpu.memory_space<vmem>>
    %dma_start3A_32 = arith.constant 0 : i32
    %dma_start3A_33 = arith.constant 0 : i32
    %dma_start3A_34 = tpu.memref_slice %arg2[%dma_start3A_32, %dma_start3A_33] : memref<10000x48xf32, #tpu.memory_space<hbm>> -> memref<10000x48xf32, #tpu.memory_space<hbm>>
    tpu.enqueue_indirect_dma source(%dma_start3A_34 : memref<10000x48xf32, #tpu.memory_space<hbm>>) target(%arg12 : memref<128x48xf32, #tpu.memory_space<vmem>>) offsets(%dma_start3A_31 : memref<128xi32, #tpu.memory_space<vmem>>) semaphore(%arg17 : memref<!tpu.dma_semaphore, #tpu.memory_space<semaphore_mem>>)
    %scan3A = arith.constant 0 : i32
    %scan3A_35 = arith.constant 20 : i32
    %scan3A_36 = arith.addi %scan3A, %scan3A_35 : i32
    %scan3A_37 = arith.constant 1 : i32
    scf.for %scan3A_76 = %scan3A to %scan3A_36 step %scan3A_37  : i32 {
      %mul3A_77 = arith.constant 4 : i32
      %mul3A_78 = arith.muli %scan3A_76, %mul3A_77 : i32
      %add3A_79 = arith.constant 0 : i32
      %add3A_80 = arith.addi %add3A_79, %mul3A_78 : i32
      %add3A_81 = arith.constant 0 : i32
      %add3A_82 = arith.addi %add3A_80, %add3A_81 : i32
      %dma_wait3A_83 = arith.constant 0 : i32
      %dma_wait3A_84 = tpu.memref_slice %arg7[%add3A_82, %dma_wait3A_83] : memref<80x128xi32, #tpu.memory_space<vmem>> -> memref<1x128xi32, #tpu.memory_space<vmem>>
      %dma_wait3A_85 = tpu.memref_squeeze %dma_wait3A_84 : memref<1x128xi32, #tpu.memory_space<vmem>> -> memref<128xi32, #tpu.memory_space<vmem>>
      %dma_wait3A_86 = arith.constant 0 : i32
      %dma_wait3A_87 = arith.constant 0 : i32
      %dma_wait3A_88 = tpu.memref_slice %arg2[%dma_wait3A_86, %dma_wait3A_87] : memref<10000x48xf32, #tpu.memory_space<hbm>> -> memref<10000x48xf32, #tpu.memory_space<hbm>>
      tpu.wait_indirect_dma semaphore(%arg14 : memref<!tpu.dma_semaphore, #tpu.memory_space<semaphore_mem>>) src(%dma_wait3A_88 : memref<10000x48xf32, #tpu.memory_space<hbm>>) dst(%arg9 : memref<128x48xf32, #tpu.memory_space<vmem>>)
      %add3A_89 = arith.constant 0 : i32
      %add3A_90 = arith.addi %add3A_80, %add3A_89 : i32
      %dma_start3A_91 = arith.constant 0 : i32
      %dma_start3A_92 = tpu.memref_slice %arg8[%add3A_90, %dma_start3A_91] : memref<80x128xi32, #tpu.memory_space<vmem>> -> memref<1x128xi32, #tpu.memory_space<vmem>>
      %dma_start3A_93 = tpu.memref_squeeze %dma_start3A_92 : memref<1x128xi32, #tpu.memory_space<vmem>> -> memref<128xi32, #tpu.memory_space<vmem>>
      %dma_start3A_94 = arith.constant 0 : i32
      %dma_start3A_95 = arith.constant 0 : i32
      %dma_start3A_96 = tpu.memref_slice %arg13[%dma_start3A_94, %dma_start3A_95] : memref<10016x48xf32, #tpu.memory_space<vmem_shared>> -> memref<10016x48xf32, #tpu.memory_space<vmem_shared>>
      tpu.enqueue_indirect_dma source(%arg9 : memref<128x48xf32, #tpu.memory_space<vmem>>) target(%dma_start3A_96 : memref<10016x48xf32, #tpu.memory_space<vmem_shared>>) offsets(%dma_start3A_93 : memref<128xi32, #tpu.memory_space<vmem>>) semaphore(%arg18 : memref<!tpu.dma_semaphore, #tpu.memory_space<semaphore_mem>>) {add = true}
      %add3A_97 = arith.constant 1 : i32
      %add3A_98 = arith.addi %add3A_80, %add3A_97 : i32
      %dma_wait3A_99 = arith.constant 0 : i32
      %dma_wait3A_100 = tpu.memref_slice %arg7[%add3A_98, %dma_wait3A_99] : memref<80x128xi32, #tpu.memory_space<vmem>> -> memref<1x128xi32, #tpu.memory_space<vmem>>
      %dma_wait3A_101 = tpu.memref_squeeze %dma_wait3A_100 : memref<1x128xi32, #tpu.memory_space<vmem>> -> memref<128xi32, #tpu.memory_space<vmem>>
      %dma_wait3A_102 = arith.constant 0 : i32
      %dma_wait3A_103 = arith.constant 0 : i32
      %dma_wait3A_104 = tpu.memref_slice %arg2[%dma_wait3A_102, %dma_wait3A_103] : memref<10000x48xf32, #tpu.memory_space<hbm>> -> memref<10000x48xf32, #tpu.memory_space<hbm>>
      tpu.wait_indirect_dma semaphore(%arg15 : memref<!tpu.dma_semaphore, #tpu.memory_space<semaphore_mem>>) src(%dma_wait3A_104 : memref<10000x48xf32, #tpu.memory_space<hbm>>) dst(%arg10 : memref<128x48xf32, #tpu.memory_space<vmem>>)
      %add3A_105 = arith.constant 1 : i32
      %add3A_106 = arith.addi %add3A_80, %add3A_105 : i32
      %dma_start3A_107 = arith.constant 0 : i32
      %dma_start3A_108 = tpu.memref_slice %arg8[%add3A_106, %dma_start3A_107] : memref<80x128xi32, #tpu.memory_space<vmem>> -> memref<1x128xi32, #tpu.memory_space<vmem>>
      %dma_start3A_109 = tpu.memref_squeeze %dma_start3A_108 : memref<1x128xi32, #tpu.memory_space<vmem>> -> memref<128xi32, #tpu.memory_space<vmem>>
      %dma_start3A_110 = arith.constant 0 : i32
      %dma_start3A_111 = arith.constant 0 : i32
      %dma_start3A_112 = tpu.memref_slice %arg13[%dma_start3A_110, %dma_start3A_111] : memref<10016x48xf32, #tpu.memory_space<vmem_shared>> -> memref<10016x48xf32, #tpu.memory_space<vmem_shared>>
      tpu.enqueue_indirect_dma source(%arg10 : memref<128x48xf32, #tpu.memory_space<vmem>>) target(%dma_start3A_112 : memref<10016x48xf32, #tpu.memory_space<vmem_shared>>) offsets(%dma_start3A_109 : memref<128xi32, #tpu.memory_space<vmem>>) semaphore(%arg19 : memref<!tpu.dma_semaphore, #tpu.memory_space<semaphore_mem>>) {add = true}
      %add3A_113 = arith.constant 2 : i32
      %add3A_114 = arith.addi %add3A_80, %add3A_113 : i32
      %dma_wait3A_115 = arith.constant 0 : i32
      %dma_wait3A_116 = tpu.memref_slice %arg7[%add3A_114, %dma_wait3A_115] : memref<80x128xi32, #tpu.memory_space<vmem>> -> memref<1x128xi32, #tpu.memory_space<vmem>>
      %dma_wait3A_117 = tpu.memref_squeeze %dma_wait3A_116 : memref<1x128xi32, #tpu.memory_space<vmem>> -> memref<128xi32, #tpu.memory_space<vmem>>
      %dma_wait3A_118 = arith.constant 0 : i32
      %dma_wait3A_119 = arith.constant 0 : i32
      %dma_wait3A_120 = tpu.memref_slice %arg2[%dma_wait3A_118, %dma_wait3A_119] : memref<10000x48xf32, #tpu.memory_space<hbm>> -> memref<10000x48xf32, #tpu.memory_space<hbm>>
      tpu.wait_indirect_dma semaphore(%arg16 : memref<!tpu.dma_semaphore, #tpu.memory_space<semaphore_mem>>) src(%dma_wait3A_120 : memref<10000x48xf32, #tpu.memory_space<hbm>>) dst(%arg11 : memref<128x48xf32, #tpu.memory_space<vmem>>)
      %add3A_121 = arith.constant 2 : i32
      %add3A_122 = arith.addi %add3A_80, %add3A_121 : i32
      %dma_start3A_123 = arith.constant 0 : i32
      %dma_start3A_124 = tpu.memref_slice %arg8[%add3A_122, %dma_start3A_123] : memref<80x128xi32, #tpu.memory_space<vmem>> -> memref<1x128xi32, #tpu.memory_space<vmem>>
      %dma_start3A_125 = tpu.memref_squeeze %dma_start3A_124 : memref<1x128xi32, #tpu.memory_space<vmem>> -> memref<128xi32, #tpu.memory_space<vmem>>
      %dma_start3A_126 = arith.constant 0 : i32
      %dma_start3A_127 = arith.constant 0 : i32
      %dma_start3A_128 = tpu.memref_slice %arg13[%dma_start3A_126, %dma_start3A_127] : memref<10016x48xf32, #tpu.memory_space<vmem_shared>> -> memref<10016x48xf32, #tpu.memory_space<vmem_shared>>
      tpu.enqueue_indirect_dma source(%arg11 : memref<128x48xf32, #tpu.memory_space<vmem>>) target(%dma_start3A_128 : memref<10016x48xf32, #tpu.memory_space<vmem_shared>>) offsets(%dma_start3A_125 : memref<128xi32, #tpu.memory_space<vmem>>) semaphore(%arg20 : memref<!tpu.dma_semaphore, #tpu.memory_space<semaphore_mem>>) {add = true}
      %add3A_129 = arith.constant 3 : i32
      %add3A_130 = arith.addi %add3A_80, %add3A_129 : i32
      %dma_wait3A_131 = arith.constant 0 : i32
      %dma_wait3A_132 = tpu.memref_slice %arg7[%add3A_130, %dma_wait3A_131] : memref<80x128xi32, #tpu.memory_space<vmem>> -> memref<1x128xi32, #tpu.memory_space<vmem>>
      %dma_wait3A_133 = tpu.memref_squeeze %dma_wait3A_132 : memref<1x128xi32, #tpu.memory_space<vmem>> -> memref<128xi32, #tpu.memory_space<vmem>>
      %dma_wait3A_134 = arith.constant 0 : i32
      %dma_wait3A_135 = arith.constant 0 : i32
      %dma_wait3A_136 = tpu.memref_slice %arg2[%dma_wait3A_134, %dma_wait3A_135] : memref<10000x48xf32, #tpu.memory_space<hbm>> -> memref<10000x48xf32, #tpu.memory_space<hbm>>
      tpu.wait_indirect_dma semaphore(%arg17 : memref<!tpu.dma_semaphore, #tpu.memory_space<semaphore_mem>>) src(%dma_wait3A_136 : memref<10000x48xf32, #tpu.memory_space<hbm>>) dst(%arg12 : memref<128x48xf32, #tpu.memory_space<vmem>>)
      %add3A_137 = arith.constant 3 : i32
      %add3A_138 = arith.addi %add3A_80, %add3A_137 : i32
      %dma_start3A_139 = arith.constant 0 : i32
      %dma_start3A_140 = tpu.memref_slice %arg8[%add3A_138, %dma_start3A_139] : memref<80x128xi32, #tpu.memory_space<vmem>> -> memref<1x128xi32, #tpu.memory_space<vmem>>
      %dma_start3A_141 = tpu.memref_squeeze %dma_start3A_140 : memref<1x128xi32, #tpu.memory_space<vmem>> -> memref<128xi32, #tpu.memory_space<vmem>>
      %dma_start3A_142 = arith.constant 0 : i32
      %dma_start3A_143 = arith.constant 0 : i32
      %dma_start3A_144 = tpu.memref_slice %arg13[%dma_start3A_142, %dma_start3A_143] : memref<10016x48xf32, #tpu.memory_space<vmem_shared>> -> memref<10016x48xf32, #tpu.memory_space<vmem_shared>>
      tpu.enqueue_indirect_dma source(%arg12 : memref<128x48xf32, #tpu.memory_space<vmem>>) target(%dma_start3A_144 : memref<10016x48xf32, #tpu.memory_space<vmem_shared>>) offsets(%dma_start3A_141 : memref<128xi32, #tpu.memory_space<vmem>>) semaphore(%arg21 : memref<!tpu.dma_semaphore, #tpu.memory_space<semaphore_mem>>) {add = true}
      %add3A_145 = arith.constant 4 : i32
      %add3A_146 = arith.addi %add3A_80, %add3A_145 : i32
      %add3A_147 = arith.constant 0 : i32
      %add3A_148 = arith.addi %add3A_146, %add3A_147 : i32
      %lt3A = arith.constant 80 : i32
      %lt3A_149 = arith.cmpi slt, %add3A_148, %lt3A : i32
      %convert_element_type3A_150 = arith.extui %lt3A_149 : i1 to i32
      %cond3A_151 = arith.constant 0 : i32
      %cond3A_152 = arith.cmpi ne, %convert_element_type3A_150, %cond3A_151 : i32
      scf.if %cond3A_152 {
        %add3A_180 = arith.constant 0 : i32
        %add3A_181 = arith.addi %add3A_80, %add3A_180 : i32
        %dma_wait3A_182 = arith.constant 0 : i32
        %dma_wait3A_183 = tpu.memref_slice %arg8[%add3A_181, %dma_wait3A_182] : memref<80x128xi32, #tpu.memory_space<vmem>> -> memref<1x128xi32, #tpu.memory_space<vmem>>
        %dma_wait3A_184 = tpu.memref_squeeze %dma_wait3A_183 : memref<1x128xi32, #tpu.memory_space<vmem>> -> memref<128xi32, #tpu.memory_space<vmem>>
        %dma_wait3A_185 = arith.constant 0 : i32
        %dma_wait3A_186 = arith.constant 0 : i32
        %dma_wait3A_187 = tpu.memref_slice %arg13[%dma_wait3A_185, %dma_wait3A_186] : memref<10016x48xf32, #tpu.memory_space<vmem_shared>> -> memref<10016x48xf32, #tpu.memory_space<vmem_shared>>
        tpu.wait_indirect_dma semaphore(%arg18 : memref<!tpu.dma_semaphore, #tpu.memory_space<semaphore_mem>>) src(%arg9 : memref<128x48xf32, #tpu.memory_space<vmem>>) dst(%dma_wait3A_187 : memref<10016x48xf32, #tpu.memory_space<vmem_shared>>)
        %add3A_188 = arith.constant 4 : i32
        %add3A_189 = arith.addi %add3A_80, %add3A_188 : i32
        %add3A_190 = arith.constant 0 : i32
        %add3A_191 = arith.addi %add3A_189, %add3A_190 : i32
        %dma_start3A_192 = arith.constant 0 : i32
        %dma_start3A_193 = tpu.memref_slice %arg7[%add3A_191, %dma_start3A_192] : memref<80x128xi32, #tpu.memory_space<vmem>> -> memref<1x128xi32, #tpu.memory_space<vmem>>
        %dma_start3A_194 = tpu.memref_squeeze %dma_start3A_193 : memref<1x128xi32, #tpu.memory_space<vmem>> -> memref<128xi32, #tpu.memory_space<vmem>>
        %dma_start3A_195 = arith.constant 0 : i32
        %dma_start3A_196 = arith.constant 0 : i32
        %dma_start3A_197 = tpu.memref_slice %arg2[%dma_start3A_195, %dma_start3A_196] : memref<10000x48xf32, #tpu.memory_space<hbm>> -> memref<10000x48xf32, #tpu.memory_space<hbm>>
        tpu.enqueue_indirect_dma source(%dma_start3A_197 : memref<10000x48xf32, #tpu.memory_space<hbm>>) target(%arg9 : memref<128x48xf32, #tpu.memory_space<vmem>>) offsets(%dma_start3A_194 : memref<128xi32, #tpu.memory_space<vmem>>) semaphore(%arg14 : memref<!tpu.dma_semaphore, #tpu.memory_space<semaphore_mem>>)
      } else {
      }
      %add3A_153 = arith.constant 4 : i32
      %add3A_154 = arith.addi %add3A_80, %add3A_153 : i32
      %add3A_155 = arith.constant 1 : i32
      %add3A_156 = arith.addi %add3A_154, %add3A_155 : i32
      %lt3A_157 = arith.constant 80 : i32
      %lt3A_158 = arith.cmpi slt, %add3A_156, %lt3A_157 : i32
      %convert_element_type3A_159 = arith.extui %lt3A_158 : i1 to i32
      %cond3A_160 = arith.constant 0 : i32
      %cond3A_161 = arith.cmpi ne, %convert_element_type3A_159, %cond3A_160 : i32
      scf.if %cond3A_161 {
        %add3A_180 = arith.constant 1 : i32
        %add3A_181 = arith.addi %add3A_80, %add3A_180 : i32
        %dma_wait3A_182 = arith.constant 0 : i32
        %dma_wait3A_183 = tpu.memref_slice %arg8[%add3A_181, %dma_wait3A_182] : memref<80x128xi32, #tpu.memory_space<vmem>> -> memref<1x128xi32, #tpu.memory_space<vmem>>
        %dma_wait3A_184 = tpu.memref_squeeze %dma_wait3A_183 : memref<1x128xi32, #tpu.memory_space<vmem>> -> memref<128xi32, #tpu.memory_space<vmem>>
        %dma_wait3A_185 = arith.constant 0 : i32
        %dma_wait3A_186 = arith.constant 0 : i32
        %dma_wait3A_187 = tpu.memref_slice %arg13[%dma_wait3A_185, %dma_wait3A_186] : memref<10016x48xf32, #tpu.memory_space<vmem_shared>> -> memref<10016x48xf32, #tpu.memory_space<vmem_shared>>
        tpu.wait_indirect_dma semaphore(%arg19 : memref<!tpu.dma_semaphore, #tpu.memory_space<semaphore_mem>>) src(%arg10 : memref<128x48xf32, #tpu.memory_space<vmem>>) dst(%dma_wait3A_187 : memref<10016x48xf32, #tpu.memory_space<vmem_shared>>)
        %add3A_188 = arith.constant 4 : i32
        %add3A_189 = arith.addi %add3A_80, %add3A_188 : i32
        %add3A_190 = arith.constant 1 : i32
        %add3A_191 = arith.addi %add3A_189, %add3A_190 : i32
        %dma_start3A_192 = arith.constant 0 : i32
        %dma_start3A_193 = tpu.memref_slice %arg7[%add3A_191, %dma_start3A_192] : memref<80x128xi32, #tpu.memory_space<vmem>> -> memref<1x128xi32, #tpu.memory_space<vmem>>
        %dma_start3A_194 = tpu.memref_squeeze %dma_start3A_193 : memref<1x128xi32, #tpu.memory_space<vmem>> -> memref<128xi32, #tpu.memory_space<vmem>>
        %dma_start3A_195 = arith.constant 0 : i32
        %dma_start3A_196 = arith.constant 0 : i32
        %dma_start3A_197 = tpu.memref_slice %arg2[%dma_start3A_195, %dma_start3A_196] : memref<10000x48xf32, #tpu.memory_space<hbm>> -> memref<10000x48xf32, #tpu.memory_space<hbm>>
        tpu.enqueue_indirect_dma source(%dma_start3A_197 : memref<10000x48xf32, #tpu.memory_space<hbm>>) target(%arg10 : memref<128x48xf32, #tpu.memory_space<vmem>>) offsets(%dma_start3A_194 : memref<128xi32, #tpu.memory_space<vmem>>) semaphore(%arg15 : memref<!tpu.dma_semaphore, #tpu.memory_space<semaphore_mem>>)
      } else {
      }
      %add3A_162 = arith.constant 4 : i32
      %add3A_163 = arith.addi %add3A_80, %add3A_162 : i32
      %add3A_164 = arith.constant 2 : i32
      %add3A_165 = arith.addi %add3A_163, %add3A_164 : i32
      %lt3A_166 = arith.constant 80 : i32
      %lt3A_167 = arith.cmpi slt, %add3A_165, %lt3A_166 : i32
      %convert_element_type3A_168 = arith.extui %lt3A_167 : i1 to i32
      %cond3A_169 = arith.constant 0 : i32
      %cond3A_170 = arith.cmpi ne, %convert_element_type3A_168, %cond3A_169 : i32
      scf.if %cond3A_170 {
        %add3A_180 = arith.constant 2 : i32
        %add3A_181 = arith.addi %add3A_80, %add3A_180 : i32
        %dma_wait3A_182 = arith.constant 0 : i32
        %dma_wait3A_183 = tpu.memref_slice %arg8[%add3A_181, %dma_wait3A_182] : memref<80x128xi32, #tpu.memory_space<vmem>> -> memref<1x128xi32, #tpu.memory_space<vmem>>
        %dma_wait3A_184 = tpu.memref_squeeze %dma_wait3A_183 : memref<1x128xi32, #tpu.memory_space<vmem>> -> memref<128xi32, #tpu.memory_space<vmem>>
        %dma_wait3A_185 = arith.constant 0 : i32
        %dma_wait3A_186 = arith.constant 0 : i32
        %dma_wait3A_187 = tpu.memref_slice %arg13[%dma_wait3A_185, %dma_wait3A_186] : memref<10016x48xf32, #tpu.memory_space<vmem_shared>> -> memref<10016x48xf32, #tpu.memory_space<vmem_shared>>
        tpu.wait_indirect_dma semaphore(%arg20 : memref<!tpu.dma_semaphore, #tpu.memory_space<semaphore_mem>>) src(%arg11 : memref<128x48xf32, #tpu.memory_space<vmem>>) dst(%dma_wait3A_187 : memref<10016x48xf32, #tpu.memory_space<vmem_shared>>)
        %add3A_188 = arith.constant 4 : i32
        %add3A_189 = arith.addi %add3A_80, %add3A_188 : i32
        %add3A_190 = arith.constant 2 : i32
        %add3A_191 = arith.addi %add3A_189, %add3A_190 : i32
        %dma_start3A_192 = arith.constant 0 : i32
        %dma_start3A_193 = tpu.memref_slice %arg7[%add3A_191, %dma_start3A_192] : memref<80x128xi32, #tpu.memory_space<vmem>> -> memref<1x128xi32, #tpu.memory_space<vmem>>
        %dma_start3A_194 = tpu.memref_squeeze %dma_start3A_193 : memref<1x128xi32, #tpu.memory_space<vmem>> -> memref<128xi32, #tpu.memory_space<vmem>>
        %dma_start3A_195 = arith.constant 0 : i32
        %dma_start3A_196 = arith.constant 0 : i32
        %dma_start3A_197 = tpu.memref_slice %arg2[%dma_start3A_195, %dma_start3A_196] : memref<10000x48xf32, #tpu.memory_space<hbm>> -> memref<10000x48xf32, #tpu.memory_space<hbm>>
        tpu.enqueue_indirect_dma source(%dma_start3A_197 : memref<10000x48xf32, #tpu.memory_space<hbm>>) target(%arg11 : memref<128x48xf32, #tpu.memory_space<vmem>>) offsets(%dma_start3A_194 : memref<128xi32, #tpu.memory_space<vmem>>) semaphore(%arg16 : memref<!tpu.dma_semaphore, #tpu.memory_space<semaphore_mem>>)
      } else {
      }
      %add3A_171 = arith.constant 4 : i32
      %add3A_172 = arith.addi %add3A_80, %add3A_171 : i32
      %add3A_173 = arith.constant 3 : i32
      %add3A_174 = arith.addi %add3A_172, %add3A_173 : i32
      %lt3A_175 = arith.constant 80 : i32
      %lt3A_176 = arith.cmpi slt, %add3A_174, %lt3A_175 : i32
      %convert_element_type3A_177 = arith.extui %lt3A_176 : i1 to i32
      %cond3A_178 = arith.constant 0 : i32
      %cond3A_179 = arith.cmpi ne, %convert_element_type3A_177, %cond3A_178 : i32
      scf.if %cond3A_179 {
        %add3A_180 = arith.constant 3 : i32
        %add3A_181 = arith.addi %add3A_80, %add3A_180 : i32
        %dma_wait3A_182 = arith.constant 0 : i32
        %dma_wait3A_183 = tpu.memref_slice %arg8[%add3A_181, %dma_wait3A_182] : memref<80x128xi32, #tpu.memory_space<vmem>> -> memref<1x128xi32, #tpu.memory_space<vmem>>
        %dma_wait3A_184 = tpu.memref_squeeze %dma_wait3A_183 : memref<1x128xi32, #tpu.memory_space<vmem>> -> memref<128xi32, #tpu.memory_space<vmem>>
        %dma_wait3A_185 = arith.constant 0 : i32
        %dma_wait3A_186 = arith.constant 0 : i32
        %dma_wait3A_187 = tpu.memref_slice %arg13[%dma_wait3A_185, %dma_wait3A_186] : memref<10016x48xf32, #tpu.memory_space<vmem_shared>> -> memref<10016x48xf32, #tpu.memory_space<vmem_shared>>
        tpu.wait_indirect_dma semaphore(%arg21 : memref<!tpu.dma_semaphore, #tpu.memory_space<semaphore_mem>>) src(%arg12 : memref<128x48xf32, #tpu.memory_space<vmem>>) dst(%dma_wait3A_187 : memref<10016x48xf32, #tpu.memory_space<vmem_shared>>)
        %add3A_188 = arith.constant 4 : i32
        %add3A_189 = arith.addi %add3A_80, %add3A_188 : i32
        %add3A_190 = arith.constant 3 : i32
        %add3A_191 = arith.addi %add3A_189, %add3A_190 : i32
        %dma_start3A_192 = arith.constant 0 : i32
        %dma_start3A_193 = tpu.memref_slice %arg7[%add3A_191, %dma_start3A_192] : memref<80x128xi32, #tpu.memory_space<vmem>> -> memref<1x128xi32, #tpu.memory_space<vmem>>
        %dma_start3A_194 = tpu.memref_squeeze %dma_start3A_193 : memref<1x128xi32, #tpu.memory_space<vmem>> -> memref<128xi32, #tpu.memory_space<vmem>>
        %dma_start3A_195 = arith.constant 0 : i32
        %dma_start3A_196 = arith.constant 0 : i32
        %dma_start3A_197 = tpu.memref_slice %arg2[%dma_start3A_195, %dma_start3A_196] : memref<10000x48xf32, #tpu.memory_space<hbm>> -> memref<10000x48xf32, #tpu.memory_space<hbm>>
        tpu.enqueue_indirect_dma source(%dma_start3A_197 : memref<10000x48xf32, #tpu.memory_space<hbm>>) target(%arg12 : memref<128x48xf32, #tpu.memory_space<vmem>>) offsets(%dma_start3A_194 : memref<128xi32, #tpu.memory_space<vmem>>) semaphore(%arg17 : memref<!tpu.dma_semaphore, #tpu.memory_space<semaphore_mem>>)
      } else {
      }
    }
    %scan3A_38 = arith.constant 20 : i32
    %dma_wait3A = arith.constant 0 : i32
    %dma_wait3A_39 = arith.constant 0 : i32
    %dma_wait3A_40 = tpu.memref_slice %arg8[%dma_wait3A, %dma_wait3A_39] : memref<80x128xi32, #tpu.memory_space<vmem>> -> memref<1x128xi32, #tpu.memory_space<vmem>>
    %dma_wait3A_41 = tpu.memref_squeeze %dma_wait3A_40 : memref<1x128xi32, #tpu.memory_space<vmem>> -> memref<128xi32, #tpu.memory_space<vmem>>
    %dma_wait3A_42 = arith.constant 0 : i32
    %dma_wait3A_43 = arith.constant 0 : i32
    %dma_wait3A_44 = tpu.memref_slice %arg13[%dma_wait3A_42, %dma_wait3A_43] : memref<10016x48xf32, #tpu.memory_space<vmem_shared>> -> memref<10016x48xf32, #tpu.memory_space<vmem_shared>>
    tpu.wait_indirect_dma semaphore(%arg18 : memref<!tpu.dma_semaphore, #tpu.memory_space<semaphore_mem>>) src(%arg9 : memref<128x48xf32, #tpu.memory_space<vmem>>) dst(%dma_wait3A_44 : memref<10016x48xf32, #tpu.memory_space<vmem_shared>>)
    %dma_wait3A_45 = arith.constant 0 : i32
    %dma_wait3A_46 = arith.constant 0 : i32
    %dma_wait3A_47 = tpu.memref_slice %arg8[%dma_wait3A_45, %dma_wait3A_46] : memref<80x128xi32, #tpu.memory_space<vmem>> -> memref<1x128xi32, #tpu.memory_space<vmem>>
    %dma_wait3A_48 = tpu.memref_squeeze %dma_wait3A_47 : memref<1x128xi32, #tpu.memory_space<vmem>> -> memref<128xi32, #tpu.memory_space<vmem>>
    %dma_wait3A_49 = arith.constant 0 : i32
    %dma_wait3A_50 = arith.constant 0 : i32
    %dma_wait3A_51 = tpu.memref_slice %arg13[%dma_wait3A_49, %dma_wait3A_50] : memref<10016x48xf32, #tpu.memory_space<vmem_shared>> -> memref<10016x48xf32, #tpu.memory_space<vmem_shared>>
    tpu.wait_indirect_dma semaphore(%arg19 : memref<!tpu.dma_semaphore, #tpu.memory_space<semaphore_mem>>) src(%arg10 : memref<128x48xf32, #tpu.memory_space<vmem>>) dst(%dma_wait3A_51 : memref<10016x48xf32, #tpu.memory_space<vmem_shared>>)
    %dma_wait3A_52 = arith.constant 0 : i32
    %dma_wait3A_53 = arith.constant 0 : i32
    %dma_wait3A_54 = tpu.memref_slice %arg8[%dma_wait3A_52, %dma_wait3A_53] : memref<80x128xi32, #tpu.memory_space<vmem>> -> memref<1x128xi32, #tpu.memory_space<vmem>>
    %dma_wait3A_55 = tpu.memref_squeeze %dma_wait3A_54 : memref<1x128xi32, #tpu.memory_space<vmem>> -> memref<128xi32, #tpu.memory_space<vmem>>
    %dma_wait3A_56 = arith.constant 0 : i32
    %dma_wait3A_57 = arith.constant 0 : i32
    %dma_wait3A_58 = tpu.memref_slice %arg13[%dma_wait3A_56, %dma_wait3A_57] : memref<10016x48xf32, #tpu.memory_space<vmem_shared>> -> memref<10016x48xf32, #tpu.memory_space<vmem_shared>>
    tpu.wait_indirect_dma semaphore(%arg20 : memref<!tpu.dma_semaphore, #tpu.memory_space<semaphore_mem>>) src(%arg11 : memref<128x48xf32, #tpu.memory_space<vmem>>) dst(%dma_wait3A_58 : memref<10016x48xf32, #tpu.memory_space<vmem_shared>>)
    %dma_wait3A_59 = arith.constant 0 : i32
    %dma_wait3A_60 = arith.constant 0 : i32
    %dma_wait3A_61 = tpu.memref_slice %arg8[%dma_wait3A_59, %dma_wait3A_60] : memref<80x128xi32, #tpu.memory_space<vmem>> -> memref<1x128xi32, #tpu.memory_space<vmem>>
    %dma_wait3A_62 = tpu.memref_squeeze %dma_wait3A_61 : memref<1x128xi32, #tpu.memory_space<vmem>> -> memref<128xi32, #tpu.memory_space<vmem>>
    %dma_wait3A_63 = arith.constant 0 : i32
    %dma_wait3A_64 = arith.constant 0 : i32
    %dma_wait3A_65 = tpu.memref_slice %arg13[%dma_wait3A_63, %dma_wait3A_64] : memref<10016x48xf32, #tpu.memory_space<vmem_shared>> -> memref<10016x48xf32, #tpu.memory_space<vmem_shared>>
    tpu.wait_indirect_dma semaphore(%arg21 : memref<!tpu.dma_semaphore, #tpu.memory_space<semaphore_mem>>) src(%arg12 : memref<128x48xf32, #tpu.memory_space<vmem>>) dst(%dma_wait3A_65 : memref<10016x48xf32, #tpu.memory_space<vmem_shared>>)
    %barrier3A_66 = arith.constant 0 : index
    tpu.barrier barrier_id(%barrier3A_66)
    %mul3A_67 = arith.constant 624 : i32
    %mul3A_68 = arith.muli %arg1, %mul3A_67 : i32
    %mul3A_69 = arith.constant 624 : i32
    %mul3A_70 = arith.muli %arg1, %mul3A_69 : i32
    "tpu.region"() ({
      %run_scoped3A = tpu.sem_alloc : memref<!tpu.dma_semaphore, #tpu.memory_space<semaphore_mem>>
      %dma_start3A_76 = arith.constant 0 : i32
      %dma_start3A_77 = arith.constant 0 : i32
      %dma_start3A_78 = tpu.memref_slice %arg6[%arg0, %dma_start3A_76, %dma_start3A_77] : memref<2x10000x48xf32, #tpu.memory_space<hbm>> -> memref<1x10000x48xf32, #tpu.memory_space<hbm>>
      %dma_start3A_79 = tpu.memref_squeeze %dma_start3A_78 : memref<1x10000x48xf32, #tpu.memory_space<hbm>> -> memref<10000x48xf32, #tpu.memory_space<hbm>>
      %dma_start3A_80 = arith.constant 0 : i32
      %dma_start3A_81 = tpu.memref_slice %dma_start3A_79[%mul3A_70, %dma_start3A_80] : memref<10000x48xf32, #tpu.memory_space<hbm>> -> memref<624x48xf32, #tpu.memory_space<hbm>>
      %dma_start3A_82 = arith.constant 0 : i32
      %dma_start3A_83 = tpu.memref_slice %arg13[%mul3A_68, %dma_start3A_82] : memref<10016x48xf32, #tpu.memory_space<vmem_shared>> -> memref<624x48xf32, #tpu.memory_space<vmem_shared>>
      tpu.enqueue_dma source(%dma_start3A_83 : memref<624x48xf32, #tpu.memory_space<vmem_shared>>) target(%dma_start3A_81 : memref<624x48xf32, #tpu.memory_space<hbm>>) target_semaphore(%run_scoped3A : memref<!tpu.dma_semaphore, #tpu.memory_space<semaphore_mem>>)
      %dma_wait3A_84 = arith.constant 0 : i32
      %dma_wait3A_85 = arith.constant 0 : i32
      %dma_wait3A_86 = tpu.memref_slice %arg6[%arg0, %dma_wait3A_84, %dma_wait3A_85] : memref<2x10000x48xf32, #tpu.memory_space<hbm>> -> memref<1x10000x48xf32, #tpu.memory_space<hbm>>
      %dma_wait3A_87 = tpu.memref_squeeze %dma_wait3A_86 : memref<1x10000x48xf32, #tpu.memory_space<hbm>> -> memref<10000x48xf32, #tpu.memory_space<hbm>>
      %dma_wait3A_88 = arith.constant 0 : i32
      %dma_wait3A_89 = tpu.memref_slice %dma_wait3A_87[%mul3A_70, %dma_wait3A_88] : memref<10000x48xf32, #tpu.memory_space<hbm>> -> memref<624x48xf32, #tpu.memory_space<hbm>>
      %dma_wait3A_90 = arith.constant 0 : i32
      %dma_wait3A_91 = tpu.memref_slice %arg13[%mul3A_68, %dma_wait3A_90] : memref<10016x48xf32, #tpu.memory_space<vmem_shared>> -> memref<624x48xf32, #tpu.memory_space<vmem_shared>>
      tpu.wait_dma2 semaphore(%run_scoped3A : memref<!tpu.dma_semaphore, #tpu.memory_space<semaphore_mem>>) src(%dma_wait3A_91 : memref<624x48xf32, #tpu.memory_space<vmem_shared>>) dst(%dma_wait3A_89 : memref<624x48xf32, #tpu.memory_space<hbm>>)
      tpu.yield
    }) : () -> ()
    %eq3A_71 = arith.constant 0 : i32
    %eq3A_72 = arith.cmpi eq, %arg1, %eq3A_71 : i32
    %convert_element_type3A_73 = arith.extui %eq3A_72 : i1 to i32
    %cond3A_74 = arith.constant 0 : i32
    %cond3A_75 = arith.cmpi ne, %convert_element_type3A_73, %cond3A_74 : i32
    scf.if %cond3A_75 {
      "tpu.region"() ({
        %run_scoped3A = tpu.sem_alloc : memref<!tpu.dma_semaphore, #tpu.memory_space<semaphore_mem>>
        %dma_start3A_76 = arith.constant 0 : i32
        %dma_start3A_77 = arith.constant 0 : i32
        %dma_start3A_78 = tpu.memref_slice %arg6[%arg0, %dma_start3A_76, %dma_start3A_77] : memref<2x10000x48xf32, #tpu.memory_space<hbm>> -> memref<1x10000x48xf32, #tpu.memory_space<hbm>>
        %dma_start3A_79 = tpu.memref_squeeze %dma_start3A_78 : memref<1x10000x48xf32, #tpu.memory_space<hbm>> -> memref<10000x48xf32, #tpu.memory_space<hbm>>
        %dma_start3A_80 = arith.constant 9984 : i32
        %dma_start3A_81 = arith.constant 0 : i32
        %dma_start3A_82 = tpu.memref_slice %dma_start3A_79[%dma_start3A_80, %dma_start3A_81] : memref<10000x48xf32, #tpu.memory_space<hbm>> -> memref<16x48xf32, #tpu.memory_space<hbm>>
        %dma_start3A_83 = arith.constant 9984 : i32
        %dma_start3A_84 = arith.constant 0 : i32
        %dma_start3A_85 = tpu.memref_slice %arg13[%dma_start3A_83, %dma_start3A_84] : memref<10016x48xf32, #tpu.memory_space<vmem_shared>> -> memref<16x48xf32, #tpu.memory_space<vmem_shared>>
        tpu.enqueue_dma source(%dma_start3A_85 : memref<16x48xf32, #tpu.memory_space<vmem_shared>>) target(%dma_start3A_82 : memref<16x48xf32, #tpu.memory_space<hbm>>) target_semaphore(%run_scoped3A : memref<!tpu.dma_semaphore, #tpu.memory_space<semaphore_mem>>)
        %dma_wait3A_86 = arith.constant 0 : i32
        %dma_wait3A_87 = arith.constant 0 : i32
        %dma_wait3A_88 = tpu.memref_slice %arg6[%arg0, %dma_wait3A_86, %dma_wait3A_87] : memref<2x10000x48xf32, #tpu.memory_space<hbm>> -> memref<1x10000x48xf32, #tpu.memory_space<hbm>>
        %dma_wait3A_89 = tpu.memref_squeeze %dma_wait3A_88 : memref<1x10000x48xf32, #tpu.memory_space<hbm>> -> memref<10000x48xf32, #tpu.memory_space<hbm>>
        %dma_wait3A_90 = arith.constant 9984 : i32
        %dma_wait3A_91 = arith.constant 0 : i32
        %dma_wait3A_92 = tpu.memref_slice %dma_wait3A_89[%dma_wait3A_90, %dma_wait3A_91] : memref<10000x48xf32, #tpu.memory_space<hbm>> -> memref<16x48xf32, #tpu.memory_space<hbm>>
        %dma_wait3A_93 = arith.constant 9984 : i32
        %dma_wait3A_94 = arith.constant 0 : i32
        %dma_wait3A_95 = tpu.memref_slice %arg13[%dma_wait3A_93, %dma_wait3A_94] : memref<10016x48xf32, #tpu.memory_space<vmem_shared>> -> memref<16x48xf32, #tpu.memory_space<vmem_shared>>
        tpu.wait_dma2 semaphore(%run_scoped3A : memref<!tpu.dma_semaphore, #tpu.memory_space<semaphore_mem>>) src(%dma_wait3A_95 : memref<16x48xf32, #tpu.memory_space<vmem_shared>>) dst(%dma_wait3A_92 : memref<16x48xf32, #tpu.memory_space<hbm>>)
        tpu.yield
      }) : () -> ()
    } else {
    }
    return
  }
}

module attributes {stable_mosaic.version = 14 : i64} {
  func.func @_tc_mm_body(%arg0: i32, %arg1: memref<10000x128xf32, #tpu.memory_space<vmem>>, %arg2: memref<128x16xf32, #tpu.memory_space<vmem>>, %arg3: memref<10000x16xf32, #tpu.memory_space<vmem>>) attributes {dimension_semantics = [#tpu.dimension_semantics<arbitrary>], iteration_bounds = array<i64: 1>, scalar_prefetch = 0 : i64, scratch_operands = 0 : i64, tpu.core_type = #tpu.core_type<tc>, window_params = [{pipeline_mode = #tpu.pipeline_mode<synchronous>, transform_indices = @transform_0, window_bounds = array<i64: 10000, 128>}, {pipeline_mode = #tpu.pipeline_mode<synchronous>, transform_indices = @transform_1, window_bounds = array<i64: 128, 16>}, {pipeline_mode = #tpu.pipeline_mode<synchronous>, transform_indices = @transform_2, window_bounds = array<i64: 10000, 16>}]} {
    %get3A = arith.constant 0 : index
    %get3A_0 = arith.constant 0 : index
    %get3A_1 = vector.load %arg1[%get3A, %get3A_0] : memref<10000x128xf32, #tpu.memory_space<vmem>>, vector<10000x128xf32>
    %get3A_2 = arith.constant 0 : index
    %get3A_3 = arith.constant 0 : index
    %get3A_4 = vector.load %arg2[%get3A_2, %get3A_3] : memref<128x16xf32, #tpu.memory_space<vmem>>, vector<128x16xf32>
    %dot_general3A = arith.constant dense<0.000000e+00> : vector<10000x16xf32>
    %dot_general3A_5 = tpu.matmul %get3A_1, %get3A_4, %dot_general3A {dimension_numbers = #tpu.dot_dimension_numbers<[1], [0], [0], [1], [0, 0, 1, 1], [], []>, transpose_lhs_hint = false} : vector<10000x128xf32>, vector<128x16xf32>, vector<10000x16xf32> -> vector<10000x16xf32>
    %swap3A = arith.constant 0 : index
    %swap3A_6 = arith.constant 0 : index
    %swap3A_7 = vector.load %arg3[%swap3A, %swap3A_6] : memref<10000x16xf32, #tpu.memory_space<vmem>>, vector<10000x16xf32>
    tpu.vector_store %arg3[%swap3A, %swap3A_6], %dot_general3A_5 {strides = array<i32>} : memref<10000x16xf32, #tpu.memory_space<vmem>>, vector<10000x16xf32>,
    return
  }
  func.func @transform_0(%arg0: i32) -> (i32, i32) {
    %c0_i32 = arith.constant 0 : i32
    %c0_i32_0 = arith.constant 0 : i32
    %c0_i32_1 = arith.constant 0 : i32
    return %c0_i32, %c0_i32_0 : i32, i32
  }
  func.func @transform_1(%arg0: i32) -> (i32, i32) {
    %c0_i32 = arith.constant 0 : i32
    %c0_i32_0 = arith.constant 0 : i32
    %c0_i32_1 = arith.constant 0 : i32
    return %c0_i32, %c0_i32_0 : i32, i32
  }
  func.func @transform_2(%arg0: i32) -> (i32, i32) {
    %c0_i32 = arith.constant 0 : i32
    %c0_i32_0 = arith.constant 0 : i32
    %c0_i32_1 = arith.constant 0 : i32
    return %c0_i32, %c0_i32_0 : i32, i32
  }
}

module attributes {stable_mosaic.version = 14 : i64} {
  func.func @_tc_b_body(%arg0: i32, %arg1: memref<2x1250x128xf32, #tpu.memory_space<vmem>>, %arg2: memref<1x128xf32, #tpu.memory_space<vmem>>, %arg3: memref<128x384xf32, #tpu.memory_space<vmem>>, %arg4: memref<1250x384xf32, #tpu.memory_space<vmem>>, %arg5: memref<1250x384xf32, #tpu.memory_space<vmem>>) attributes {dimension_semantics = [#tpu.dimension_semantics<arbitrary>], iteration_bounds = array<i64: 1>, scalar_prefetch = 0 : i64, scratch_operands = 0 : i64, tpu.core_type = #tpu.core_type<tc>, window_params = [{pipeline_mode = #tpu.pipeline_mode<synchronous>, transform_indices = @transform_0, window_bounds = array<i64: 2, 1250, 128>}, {pipeline_mode = #tpu.pipeline_mode<synchronous>, transform_indices = @transform_1, window_bounds = array<i64: 1, 128>}, {pipeline_mode = #tpu.pipeline_mode<synchronous>, transform_indices = @transform_2, window_bounds = array<i64: 128, 384>}, {pipeline_mode = #tpu.pipeline_mode<synchronous>, transform_indices = @transform_3, window_bounds = array<i64: 1250, 384>}, {pipeline_mode = #tpu.pipeline_mode<synchronous>, transform_indices = @transform_4, window_bounds = array<i64: 1250, 384>}]} {
    %get3A = arith.constant 0 : index
    %get3A_0 = arith.constant 0 : index
    %get3A_1 = arith.constant 0 : index
    %get3A_2 = vector.load %arg1[%get3A, %get3A_0, %get3A_1] : memref<2x1250x128xf32, #tpu.memory_space<vmem>>, vector<1x1250x128xf32>
    %get3A_3 = vector.shape_cast %get3A_2 : vector<1x1250x128xf32> to vector<1250x128xf32>
    %get3A_4 = arith.constant 1 : index
    %get3A_5 = arith.constant 0 : index
    %get3A_6 = arith.constant 0 : index
    %get3A_7 = vector.load %arg1[%get3A_4, %get3A_5, %get3A_6] : memref<2x1250x128xf32, #tpu.memory_space<vmem>>, vector<1x1250x128xf32>
    %get3A_8 = vector.shape_cast %get3A_7 : vector<1x1250x128xf32> to vector<1250x128xf32>
    %add3A = arith.addf %get3A_3, %get3A_8 : vector<1250x128xf32>
    %get3A_9 = arith.constant 0 : index
    %get3A_10 = arith.constant 0 : index
    %get3A_11 = vector.load %arg2[%get3A_9, %get3A_10] : memref<1x128xf32, #tpu.memory_space<vmem>>, vector<1x128xf32>
    %add3A_12 = vector.broadcast %get3A_11 : vector<1x128xf32> to vector<1250x128xf32>
    %add3A_13 = arith.addf %add3A, %add3A_12 : vector<1250x128xf32>
    %gt3A = arith.constant 0.000000e+00 : f32
    %gt3A_14 = vector.broadcast %gt3A : f32 to vector<1250x128xf32>
    %gt3A_15 = arith.cmpf ogt, %add3A_13, %gt3A_14 : vector<1250x128xf32>
    %min3A = arith.constant 0.000000e+00 : f32
    %min3A_16 = vector.broadcast %min3A : f32 to vector<1250x128xf32>
    %min3A_17 = arith.minimumf %add3A_13, %min3A_16 : vector<1250x128xf32>
    %exp3A = math.exp %min3A_17 : vector<1250x128xf32>
    %sub3A = arith.constant 1.000000e+00 : f32
    %sub3A_18 = vector.broadcast %sub3A : f32 to vector<1250x128xf32>
    %sub3A_19 = arith.subf %exp3A, %sub3A_18 : vector<1250x128xf32>
    %select_n3A = arith.select %gt3A_15, %add3A_13, %sub3A_19 : vector<1250x128xi1>, vector<1250x128xf32>
    %get3A_20 = arith.constant 0 : index
    %get3A_21 = arith.constant 0 : index
    %get3A_22 = vector.load %arg3[%get3A_20, %get3A_21] : memref<128x384xf32, #tpu.memory_space<vmem>>, vector<128x384xf32>
    %dot_general3A = arith.constant dense<0.000000e+00> : vector<1250x384xf32>
    %dot_general3A_23 = tpu.matmul %select_n3A, %get3A_22, %dot_general3A {dimension_numbers = #tpu.dot_dimension_numbers<[1], [0], [0], [1], [0, 0, 1, 1], [], []>, transpose_lhs_hint = false} : vector<1250x128xf32>, vector<128x384xf32>, vector<1250x384xf32> -> vector<1250x384xf32>
    %get3A_24 = arith.constant 0 : index
    %get3A_25 = arith.constant 0 : index
    %get3A_26 = vector.load %arg4[%get3A_24, %get3A_25] : memref<1250x384xf32, #tpu.memory_space<vmem>>, vector<1250x384xf32>
    %mul3A = arith.mulf %dot_general3A_23, %get3A_26 : vector<1250x384xf32>
    %swap3A = arith.constant 0 : index
    %swap3A_27 = arith.constant 0 : index
    %swap3A_28 = vector.load %arg5[%swap3A, %swap3A_27] : memref<1250x384xf32, #tpu.memory_space<vmem>>, vector<1250x384xf32>
    tpu.vector_store %arg5[%swap3A, %swap3A_27], %mul3A {strides = array<i32>} : memref<1250x384xf32, #tpu.memory_space<vmem>>, vector<1250x384xf32>,
    return
  }
  func.func @transform_0(%arg0: i32) -> (i32, i32, i32) {
    %c0_i32 = arith.constant 0 : i32
    %c0_i32_0 = arith.constant 0 : i32
    %c0_i32_1 = arith.constant 0 : i32
    %c0_i32_2 = arith.constant 0 : i32
    return %c0_i32, %c0_i32_0, %c0_i32_1 : i32, i32, i32
  }
  func.func @transform_1(%arg0: i32) -> (i32, i32) {
    %c0_i32 = arith.constant 0 : i32
    %c0_i32_0 = arith.constant 0 : i32
    %c0_i32_1 = arith.constant 0 : i32
    return %c0_i32, %c0_i32_0 : i32, i32
  }
  func.func @transform_2(%arg0: i32) -> (i32, i32) {
    %c0_i32 = arith.constant 0 : i32
    %c0_i32_0 = arith.constant 0 : i32
    %c0_i32_1 = arith.constant 0 : i32
    return %c0_i32, %c0_i32_0 : i32, i32
  }
  func.func @transform_3(%arg0: i32) -> (i32, i32) {
    %c0_i32 = arith.constant 0 : i32
    %c0_i32_0 = arith.constant 0 : i32
    %c0_i32_1 = arith.constant 0 : i32
    return %c0_i32, %c0_i32_0 : i32, i32
  }
  func.func @transform_4(%arg0: i32) -> (i32, i32) {
    %c0_i32 = arith.constant 0 : i32
    %c0_i32_0 = arith.constant 0 : i32
    %c0_i32_1 = arith.constant 0 : i32
    return %c0_i32, %c0_i32_0 : i32, i32
  }
}

module attributes {stable_mosaic.version = 14 : i64} {
  func.func @_tc_c_body(%arg0: i32, %arg1: memref<2x10000x48xf32, #tpu.memory_space<vmem>>, %arg2: memref<10000x1xf32, #tpu.memory_space<vmem>>, %arg3: memref<1x48xf32, #tpu.memory_space<vmem>>, %arg4: memref<10000x48xf32, #tpu.memory_space<vmem>>) attributes {dimension_semantics = [#tpu.dimension_semantics<arbitrary>], iteration_bounds = array<i64: 1>, scalar_prefetch = 0 : i64, scratch_operands = 0 : i64, tpu.core_type = #tpu.core_type<tc>, window_params = [{pipeline_mode = #tpu.pipeline_mode<synchronous>, transform_indices = @transform_0, window_bounds = array<i64: 2, 10000, 48>}, {pipeline_mode = #tpu.pipeline_mode<synchronous>, transform_indices = @transform_1, window_bounds = array<i64: 10000, 1>}, {pipeline_mode = #tpu.pipeline_mode<synchronous>, transform_indices = @transform_2, window_bounds = array<i64: 1, 48>}, {pipeline_mode = #tpu.pipeline_mode<synchronous>, transform_indices = @transform_3, window_bounds = array<i64: 10000, 48>}]} {
    %get3A = arith.constant 0 : index
    %get3A_0 = arith.constant 0 : index
    %get3A_1 = vector.load %arg2[%get3A, %get3A_0] : memref<10000x1xf32, #tpu.memory_space<vmem>>, vector<10000x1xf32>
    %broadcast_in_dim3A = vector.shape_cast %get3A_1 : vector<10000x1xf32> to vector<10000x1xf32>
    %broadcast_in_dim3A_2 = vector.broadcast %broadcast_in_dim3A : vector<10000x1xf32> to vector<10000x48xf32>
    %get3A_3 = arith.constant 0 : index
    %get3A_4 = arith.constant 0 : index
    %get3A_5 = arith.constant 0 : index
    %get3A_6 = vector.load %arg1[%get3A_3, %get3A_4, %get3A_5] : memref<2x10000x48xf32, #tpu.memory_space<vmem>>, vector<1x10000x48xf32>
    %get3A_7 = vector.shape_cast %get3A_6 : vector<1x10000x48xf32> to vector<10000x48xf32>
    %get3A_8 = arith.constant 1 : index
    %get3A_9 = arith.constant 0 : index
    %get3A_10 = arith.constant 0 : index
    %get3A_11 = vector.load %arg1[%get3A_8, %get3A_9, %get3A_10] : memref<2x10000x48xf32, #tpu.memory_space<vmem>>, vector<1x10000x48xf32>
    %get3A_12 = vector.shape_cast %get3A_11 : vector<1x10000x48xf32> to vector<10000x48xf32>
    %add3A = arith.addf %get3A_7, %get3A_12 : vector<10000x48xf32>
    %mul3A = arith.mulf %add3A, %broadcast_in_dim3A_2 : vector<10000x48xf32>
    %get3A_13 = arith.constant 0 : index
    %get3A_14 = arith.constant 0 : index
    %get3A_15 = vector.load %arg3[%get3A_13, %get3A_14] : memref<1x48xf32, #tpu.memory_space<vmem>>, vector<1x48xf32>
    %add3A_16 = vector.broadcast %get3A_15 : vector<1x48xf32> to vector<10000x48xf32>
    %add3A_17 = arith.addf %mul3A, %add3A_16 : vector<10000x48xf32>
    %iota3A = tpu.iota {dimensions = array<i32: 1>} : vector<10000x48xi32>
    %lt3A = arith.constant 40 : i32
    %lt3A_18 = vector.broadcast %lt3A : i32 to vector<10000x48xi32>
    %lt3A_19 = arith.cmpi slt, %iota3A, %lt3A_18 : vector<10000x48xi32>
    %jit3A = arith.constant -1.000000e+30 : f32
    %broadcast_in_dim3A_20 = vector.broadcast %jit3A : f32 to vector<10000x48xf32>
    %select_n3A = arith.select %lt3A_19, %add3A_17, %broadcast_in_dim3A_20 : vector<10000x48xi1>, vector<10000x48xf32>
    %reduce_max3A = arith.constant dense<0xFF800000> : vector<10000xf32>
    %reduce_max3A_21 = vector.multi_reduction <maximumf>, %select_n3A, %reduce_max3A [1] : vector<10000x48xf32> to vector<10000xf32>
    %broadcast_in_dim3A_22 = vector.shape_cast %reduce_max3A_21 : vector<10000xf32> to vector<10000x1xf32>
    %sub3A = vector.broadcast %broadcast_in_dim3A_22 : vector<10000x1xf32> to vector<10000x48xf32>
    %sub3A_23 = arith.subf %add3A_17, %sub3A : vector<10000x48xf32>
    %exp3A = math.exp %sub3A_23 : vector<10000x48xf32>
    %jit3A_24 = arith.constant 0.000000e+00 : f32
    %broadcast_in_dim3A_25 = vector.broadcast %jit3A_24 : f32 to vector<10000x48xf32>
    %select_n3A_26 = arith.select %lt3A_19, %exp3A, %broadcast_in_dim3A_25 : vector<10000x48xi1>, vector<10000x48xf32>
    %reduce_sum3A = arith.constant dense<0.000000e+00> : vector<10000xf32>
    %reduce_sum3A_27 = vector.multi_reduction <add>, %select_n3A_26, %reduce_sum3A [1] : vector<10000x48xf32> to vector<10000xf32>
    %broadcast_in_dim3A_28 = vector.shape_cast %reduce_sum3A_27 : vector<10000xf32> to vector<10000x1xf32>
    %log3A = math.log %broadcast_in_dim3A_28 : vector<10000x1xf32>
    %sub3A_29 = vector.broadcast %broadcast_in_dim3A_22 : vector<10000x1xf32> to vector<10000x48xf32>
    %sub3A_30 = arith.subf %add3A_17, %sub3A_29 : vector<10000x48xf32>
    %sub3A_31 = vector.broadcast %log3A : vector<10000x1xf32> to vector<10000x48xf32>
    %sub3A_32 = arith.subf %sub3A_30, %sub3A_31 : vector<10000x48xf32>
    %swap3A = arith.constant 0 : index
    %swap3A_33 = arith.constant 0 : index
    %swap3A_34 = vector.load %arg4[%swap3A, %swap3A_33] : memref<10000x48xf32, #tpu.memory_space<vmem>>, vector<10000x48xf32>
    tpu.vector_store %arg4[%swap3A, %swap3A_33], %sub3A_32 {strides = array<i32>} : memref<10000x48xf32, #tpu.memory_space<vmem>>, vector<10000x48xf32>,
    return
  }
  func.func @transform_0(%arg0: i32) -> (i32, i32, i32) {
    %c0_i32 = arith.constant 0 : i32
    %c0_i32_0 = arith.constant 0 : i32
    %c0_i32_1 = arith.constant 0 : i32
    %c0_i32_2 = arith.constant 0 : i32
    return %c0_i32, %c0_i32_0, %c0_i32_1 : i32, i32, i32
  }
  func.func @transform_1(%arg0: i32) -> (i32, i32) {
    %c0_i32 = arith.constant 0 : i32
    %c0_i32_0 = arith.constant 0 : i32
    %c0_i32_1 = arith.constant 0 : i32
    return %c0_i32, %c0_i32_0 : i32, i32
  }
  func.func @transform_2(%arg0: i32) -> (i32, i32) {
    %c0_i32 = arith.constant 0 : i32
    %c0_i32_0 = arith.constant 0 : i32
    %c0_i32_1 = arith.constant 0 : i32
    return %c0_i32, %c0_i32_0 : i32, i32
  }
  func.func @transform_3(%arg0: i32) -> (i32, i32) {
    %c0_i32 = arith.constant 0 : i32
    %c0_i32_0 = arith.constant 0 : i32
    %c0_i32_1 = arith.constant 0 : i32
    return %c0_i32, %c0_i32_0 : i32, i32
  }
}

</mosaic_0001>

<sc_bundles>
// kernel: kernel.10.cloned.1.call-start
scs
__scs_entry_jumppad:
0x0: {  	(pc) =	sbr.rel $0x88, $3  }
0x1: {  	(tag) =	ssettag $0x0;
	lr =	simm.s32 $0x1  }
0x2: {  	[smem:$0x3F9B] =	sst lr;
	_ =	strace $0xD0000000  }
0x3: {  	_ = 	snop  }
0x4: {  	_ = 	snop  }
0x5: {  	_ = 	snop  }
0x6: {  	_ = 	snop  }
0x7: {  	_ = 	snop  }
__scs_overlays_trampoline_lowered:
0x8: {  	[smem:$0x3FAA] =	sst s0  }
0x9: {  	[smem:$0x3FAB] =	sst s1  }
0xa: {  	[smem:$0x3FAC] =	sst s2  }
0xb: {  	[smem:$0x3FAD] =	sst s3  }
0xc: {  	[smem:$0x3FAE] =	sst s4  }
0xd: {  	[smem:$0x3FAF] =	sst s5  }
0xe: {  	[smem:$0x3FB0] =	sst s6  }
0xf: {  	[smem:$0x3FB1] =	sst s7  }
0x10: {  	[smem:$0x3FB2] =	sst s8  }
0x11: {  	[smem:$0x3FB3] =	sst s9;
	s0 =	simm.s32 @!p0 $0x0  }
0x12: {  	s1 =	sld [smem:$0x3F99];
	s0 =	simm.s32 @p0 $0x1  }
0x13: {  	[smem:$0x3FB4] =	sst s0;
	s0 =	simm.s32 @!p1 $0x0  }
0x14: {  	s2 =	sld [smem:$0x3F98];
	s0 =	simm.s32 @p1 $0x1  }
0x15: {  	[smem:$0x3FB5] =	sst s0;
	s0 =	simm.s32 @!p2 $0x0  }
0x16: {  	s3 =	sld [smem:$0x3FDB];
	s0 =	simm.s32 @p2 $0x1  }
0x17: {  	s4 =	simm.s32 $0x1BF5;
	[smem:$0x3FB7] =	sst s0  }
0x18: {  	s0 =	sld [smem:$0x3F9A];
	_ =	swait.ge [sflag:s4], $0x0  }
0x19: {  	s7 =	sld [smem:$0x3F9B]  }
0x1a: {  	s8 =	sadd.s32 $0xFFFFE003, lr  }
0x1b: {  	s9 =	sadd.s32 $0xFFFFFEF7, lr;
	s5 =	simm.s32 $0xFFFFFFFF;
	p2 =	slt.u32 s8, $0xFFFFF086  }
0x1c: {  	p1 =	slt.u32 s9, $0xF7A;
	s5 =	simm.s32 @!p2 $0x0  }
0x1d: {  	s5 =	simm.s32 @p1 $0x1;
	p0 =	seq.s32 s7, s2  }
0x1e: {  	s7 =	smul.u32 @!p0 $0xF7A, s2;
	p2 =	seq.s32 @!p0 s5, $0x0  }
0x1f: {  	s9 =	smul.u32 $0xF7A, s1;
	s8 =	simm.s32 @!p0 $0x1BF5;
	p2 =	por !p2, p0  }
0x20: {  	[sflag:s8] =	ssyncset.s32 @!p0 $0xFFFFF086;
	s6 =	sadd.s32 @!p0 s3, s7;
	s7 =	simm.s32 @!p0 $0x108  }
0x21: {  	s3 =	sadd.s32 s3, s9;
	s6 =	sadd.s32 @!p0 $0x88, s6;
	s7 =	simm.s32 @p2 $0x1082  }
0x22: {  	[simem:s7], [sflag:s8] =	dma.local @!p0 [hbm:s6], $0xF7A  }
0x23: {  	s9 =	sor.u32 $0xD0000000, s2;
	s6 =	simm.s32 $0x108;
	_ =	swait.ge @!p0 [sflag:s8], $0x0  }
0x24: {  	s3 =	sadd.s32 $0x88, s3;
	s6 =	simm.s32 @!p1 $0x1082;
	[sflag:s4] =	ssyncset.s32 $0xFFFFF086  }
0x25: {  	[simem:s6], [sflag:s4] =	dma.local [hbm:s3], $0xF7A  }
0x26: {  	[smem:$0x3F9B] =	sst s1;
	(tag) =	ssettag s2;
	_ =	strace s9  }
0x27: {  	s1 =	sld [smem:$0x3FAB]  }
0x28: {  	s2 =	sld [smem:$0x3FAC]  }
0x29: {  	s4 =	sld [smem:$0x3FAE]  }
0x2a: {  	p0 =	seq.s32 s5, $0x0;
	s5 =	sld [smem:$0x3FAF]  }
0x2b: {  	s6 =	sld [smem:$0x3FB0]  }
0x2c: {  	s7 =	sld [smem:$0x3FB1]  }
0x2d: {  	s3 =	simm.s32 $0x108;
	s8 =	sld [smem:$0x3FB2]  }
0x2e: {  	s3 =	simm.s32 @!p0 $0x1082;
	s9 =	sld [smem:$0x3FB3]  }
0x2f: {  	lr =	sadd.s32 s0, s3;
	s0 =	sld [smem:$0x3FAA]  }
0x30: {  	s3 =	sld [smem:$0x3FAD]  }
0x31: {  	[smem:$0x3FB6] =	sst s10  }
0x32: {  	s10 =	sld [smem:$0x3FB4];
	_ =	sdelay $0x3  }
0x33: {  	p0 =	seq.s32 s10, $0x1;
	s10 =	sld [smem:$0x3FB6];
	_ =	sdelay $0x3  }
0x34: {  	[smem:$0x3FB6] =	sst s10  }
0x35: {  	s10 =	sld [smem:$0x3FB5];
	_ =	sdelay $0x3  }
0x36: {  	p1 =	seq.s32 s10, $0x1;
	s10 =	sld [smem:$0x3FB6];
	_ =	sdelay $0x3  }
0x37: {  	[smem:$0x3FB6] =	sst s10  }
0x38: {  	s10 =	sld [smem:$0x3FB7]  }
0x39: {  	_ = 	snop;
	(pc) =	sbr.ind lr, $3  }
0x3a: {  	_ = 	snop  }
0x3b: {  	_ = 	snop  }
0x3c: {  	p2 =	seq.s32 s10, $0x1;
	s10 =	sld [smem:$0x3FB6]  }
0x3d: {  	_ =	shalt  }
0x3e: {  	_ =	shalt  }
0x3f: {  	_ =	shalt  }
0x40: {  	_ =	shalt  }
0x41: {  	_ =	shalt  }
0x42: {  	_ =	shalt  }
0x43: {  	_ =	shalt  }
0x44: {  	_ =	shalt  }
0x45: {  	_ =	shalt  }
0x46: {  	_ =	shalt  }
0x47: {  	_ =	shalt  }
0x48: {  	_ =	shalt  }
0x49: {  	_ =	shalt  }
0x4a: {  	_ =	shalt  }
0x4b: {  	_ =	shalt  }
0x4c: {  	_ =	shalt  }
0x4d: {  	_ =	shalt  }
0x4e: {  	_ =	shalt  }
0x4f: {  	_ =	shalt  }
0x50: {  	_ =	shalt  }
0x51: {  	_ =	shalt  }
0x52: {  	_ =	shalt  }
0x53: {  	_ =	shalt  }
0x54: {  	_ =	shalt  }
0x55: {  	_ =	shalt  }
0x56: {  	_ =	shalt  }
0x57: {  	_ =	shalt  }
0x58: {  	_ =	shalt  }
0x59: {  	_ =	shalt  }
0x5a: {  	_ =	shalt  }
0x5b: {  	_ =	shalt  }
0x5c: {  	_ =	shalt  }
0x5d: {  	_ =	shalt  }
0x5e: {  	_ =	shalt  }
0x5f: {  	_ =	shalt  }
0x60: {  	_ =	shalt  }
0x61: {  	_ =	shalt  }
0x62: {  	_ =	shalt  }
0x63: {  	_ =	shalt  }
0x64: {  	_ =	shalt  }
0x65: {  	_ =	shalt  }
0x66: {  	_ =	shalt  }
0x67: {  	_ =	shalt  }
0x68: {  	_ =	shalt  }
0x69: {  	_ =	shalt  }
0x6a: {  	_ =	shalt  }
0x6b: {  	_ =	shalt  }
0x6c: {  	_ =	shalt  }
0x6d: {  	_ =	shalt  }
0x6e: {  	_ =	shalt  }
0x6f: {  	_ =	shalt  }
0x70: {  	_ =	shalt  }
0x71: {  	_ =	shalt  }
0x72: {  	_ =	shalt  }
0x73: {  	_ =	shalt  }
0x74: {  	_ =	shalt  }
0x75: {  	_ =	shalt  }
0x76: {  	_ =	shalt  }
0x77: {  	_ =	shalt  }
0x78: {  	_ =	shalt  }
0x79: {  	_ =	shalt  }
0x7a: {  	_ =	shalt  }
0x7b: {  	_ =	shalt  }
0x7c: {  	_ =	shalt  }
0x7d: {  	_ =	shalt  }
0x7e: {  	_ =	shalt  }
0x7f: {  	_ =	shalt  }
0x80: {  	_ =	shalt  }
0x81: {  	_ =	shalt  }
0x82: {  	_ =	shalt  }
0x83: {  	_ =	shalt  }
0x84: {  	_ =	shalt  }
0x85: {  	_ =	shalt  }
0x86: {  	_ =	shalt  }
0x87: {  	_ =	shalt  }
.Lfunc_end0:
.L_simem_size_0:
called_computation.1_lowered:
.L_overlay_start_0:
0x88: {  	s2 =	sld [smem:$0x3FD9]  }
0x89: {  	s3 =	sld [smem:$0x3FFE];
	_ =	sdelay $0x1  }
0x8a: {  	s1 =	srdreg.scid  }
0x8b: {  	s0 =	sand.u32 $0x1, s1  }
0x8c: {  	s17 =	sshll.u32 s0, $0xA;
	s2 =	sadd.s32 s3, s2  }
0x8d: {  	s2 =	sadd.s32 s2, s17  }
0x8e: {  	[smem:$0x3FC2] =	sst s2  }
0x8f: {  	_ = 	snop  }
0x90: {  	s2 =	sld [smem:$0x3FD0];
	(tm) =	ssettm $0x1  }
0x91: {  	s18 =	sld [smem:$0x3FFB];
	_ =	sdelay $0x3  }
0x92: {  	_ =	strace s18  }
0x93: {  	s3 =	sld [smem:$0x3FFC];
	_ =	sdelay $0x3  }
0x94: {  	_ =	strace s3  }
0x95: {  	s3 =	sld [smem:$0x3FFD];
	_ =	sdelay $0x3  }
0x96: {  	_ =	strace s3  }
0x97: {  	_ =	strace $0x8FFFFFFF  }
0x98: {  	s19 =	sld [smem:$0x3FDB];
	_ =	sdelay $0x1  }
0x99: {  	s4 =	simm.s32 $_scs_section_size  }
0x9a: {  	s5 =	simm.s32 $_size__tile_overlayer_lowered;
	s6 =	simm.s32 $_tile_overlayer_lowered  }
0x9b: {  	s22 =	simm.s32 $0x1BFF;
	s21 =	sshll.u32 s6, $0x1;
	s3 =	sadd.s32 s4, s19  }
0x9c: {  	s7 =	simm.s32 $0x0;
	s20 =	sshll.u32 s5, $0x1;
	s5 =	sadd.s32 s21, s3  }
0x9d: {  	[timem:s7], [sflag:s22] =	dma.local [hbm:s5], s20  }
0x9e: {  	_ =	swait.ge [sflag:s22], s20  }
0x9f: {  	s4 =	ssub.s32 $0x0, s20;
	[sflag:s22] =	ssyncset.done $0x0  }
0xa0: {  	[sflag:s22] =	ssyncadd.s32 s4;
	_ =	sdelay $0x1  }
0xa1: {  	s23 =	simm.s32 $0x1B8B  }
0xa2: {  	_ =	swait.ge [sflag:s23], $0x1  }
0xa3: {  	[sflag:s23] =	ssyncset.done $0x0  }
0xa4: {  	s25 =	simm.s32 $0x1B8E;
	s24 =	sld [smem:$0x3FFE];
	[sflag:s23] =	ssyncadd.s32 $0xFFFFFFFF  }
0xa5: {  	s26 =	simm.s32 $execute0_lowered;
	[smem:$0x3FD2] =	sst s25  }
0xa6: {  	s5 =	sshll.u32 s26, $0x1;
	_ =	strace $0x80000049;
	[dreg:$0x1] =	wrdreg $0xFFFFFFFF  }
0xa7: {  	s28 =	simm.s32 $_size_execute0_lowered;
	s3 =	sadd.s32 s3, s5;
	[dreg:$0x0] =	wrdreg $0x0  }
0xa8: {  	s5 =	sshll.u32 s28, $0x1;
	[dreg:$0x2] =	wrdreg s3  }
0xa9: {  	[dreg:$0x3] =	wrdreg s5  }
0xaa: {  	[dreg:$0x4] =	wrdreg $0xC0  }
0xab: {  	_ =	task [dreg:s7], $0x5FFFF  }
0xac: {  	[dreg:$0x1] =	wrdreg $0xFFFFFFFF  }
0xad: {  	[dreg:$0x0] =	wrdreg $0x60  }
0xae: {  	[dreg:$0x2] =	wrdreg s24  }
0xaf: {  	[dreg:$0x3] =	wrdreg s2  }
0xb0: {  	[dreg:$0x4] =	wrdreg $0xB0000  }
0xb1: {  	[dreg:$0x5] =	wrdreg $0x9  }
0xb2: {  	_ =	task.clear_ibuf [dreg:s7], $0x6FFFF;
	_ =	strace $0x90000049  }
0xb3: {  	s29 =	simm.s32 $0x9;
	_ =	strace $0x8000004B  }
0xb4: {  	_ =	swait.ge [sflag:s29], $0x1  }
0xb5: {  	[sflag:s29] =	ssyncadd.s32 $0xFFFFFFFF  }
0xb6: {  	_ =	strace $0x9000004B  }
0xb7: {  	_ =	sfence  }
0xb8: {  	s30 =	sld [smem:$0x0];
	_ =	sdelay $0x2  }
0xb9: {  	s31 =	sshll.u32 s1, $0xD;
	s1 =	sshrl.u32 s1, $0x2  }
0xba: {  	s3 =	sand.u32 $0x4000, s31;
	s1 =	sadd.s32 s1, s30  }
0xbb: {  	s0 =	sor.u32 s3, s0;
	s1 =	sshll.u32 s1, $0x11  }
0xbc: {  	s0 =	sor.u32 s1, s0  }
0xbd: {  	s0 =	sadd.s32 $0x8F2B, s0  }
0xbe: {  	[sflag:s0] =	ssyncadd.remote.s32 $0x1  }
0xbf: {  	_ =	sfence.sel $0xFFFF  }
0xc0: {  	[dreg:$0x0] =	wrdreg $0xFFFFFFFF;
	(pc) =	sbr.abs _section_cstart, $3  }
0xc1: {  	[dreg:$0x1] =	wrdreg $0xFFFFFFFF  }
0xc2: {  	_ =	task.clear_ibuf [dreg:s7], $0x2FFFF;
	_ =	strace $0x9FFFFFFF  }
0xc3: {  	(tm) =	ssettm $0x7FFFFFFF  }
tec
execute0_lowered:
.L_overlay_start_1:
0x0: {  	(tag) =	ssettag $0x1  }
0x1: {  	s0 =	rddreg [dreg:$0x0]  }
0x2: {  	s1 =	srdreg.scid;
	s4 =	rddreg [dreg:$0x1]  }
0x3: {  	s8 =	stileid.u32;
	s2 =	simm.s32 $0x0;
	s13 =	simm.s32 $0x9  }
0x4: {  	s19 =	simm.s32 $0x80;
	s20 =	simm.s32 $0x5000;
	s21 =	simm.s32 $0x6800  }
0x5: {  	s28 =	simm.s32 $0x2;
	s29 =	simm.s32 $0x3;
	s30 =	simm.s32 $0x4  }
0x6: {  	s31 =	simm.s32 $0x5;
	s18 =	simm.s32 $0x7;
	s14 =	simm.s32 $0x8  }
0x7: {  	s22 =	simm.s32 $0x4F80;
	s7 =	sand.u32 $0x1, s1;
	s1 =	rddreg [dreg:$0x2]  }
0x8: {  	[smem:$0x7FF] =	sst s2;
	s12 =	sadd.s32 $0x1F000, s0;
	s11 =	smul.u32 $0x7500, s8  }
0x9: {  	p1 =	sne.s32 s8, $0x0;
	s15 =	sshll.u32 s8, $0x6;
	p2 =	seq.s32 s8, $0x0  }
0xa: {  	s3 =	sshll.u32 s7, $0x4;
	_ =	strace $0x8000004A;
	s6 =	smul.u32 $0xEA60, s7  }
0xb: {  	s10 =	ssub.s32 $0x2, s7;
	p0 =	seq.s32 s7, $0x1;
	[dreg:$0x4] =	wrdreg s12  }
0xc: {  	s16 =	sor.u32 $0x1C09, s15;
	s3 =	sor.u32 s8, s3;
	s23 =	sshrl.u32 s10, $0x1  }
0xd: {  	s24 =	sadd.s32 s11, s1;
	s7 =	sshrl.u32 s11, $0x3;
	s5 =	smul.u32 $0x500, s3  }
0xe: {  	s3 =	sadd.s32 $0x10400, s0;
	s10 =	ssub.s32 s10, s23;
	s11 =	sadd.s32 s12, s7  }
0xf: {  	s17 =	sshrl.u32 s24, $0x3;
	s23 =	simm.s32 $0x8000;
	s24 =	simm.s32 $0x0  }
0x10: {  	s25 =	sadd.s32 s3, s7;
	[dreg:$0x6] =	wrdreg s11;
	s12 =	smax.u32 s10, $0x1  }
0x11: {  	s9 =	sadd.s32 s5, s0;
	s0 =	sadd.s32 s6, s0;
	s5 =	sadd.s32 s4, s5  }
0x12: {  	[dreg:$0x5] =	wrdreg s25;
	s6 =	sadd.s32 $0x6400, s9;
	s9 =	sadd.s32 $0x75000, s1  }
0x13: {  	s25 =	simm.s32 $0x9800;
	s11 =	sadd.s32 $0x33200, s0;
	s26 =	sshrl.u32 s9, $0x3  }
0x14: {  	s0 =	simm.s32 $0x6;
	[dreg:$0x7] =	wrdreg s26;
	s26 =	simm.s32 $0x1  }
.LBB2_1:
0x15: {  	[tilespmem:s2], [sflag:$0x9] =	stream.linear.gather [hbm4b:s5+s2], $0x2800, $0x38;
	[tilespmem:$0x12560] =	vst v63  }
0x16: {  	_ =	swait.ge [sflag:s13], $0x2800  }
0x17: {  	[sflag:s13] =	ssyncset.done $0x0  }
.Ltmp0:
0x18: {  	s4 =	simm.s32 $0x2800;
	[sflag:s13] =	ssyncadd.s32 $0xFFFFD800;
	(pc) =	sbr.rel @!p0 .LBB2_2-.Ltmp0, $4  }
0x19: {  	[tilespmem:s4], [sflag:$0x9] =	stream.linear.gather [hbm4b:s6+s2], $0x2800, $0x38;
	[tilespmem:$0x12560] =	vst v63  }
0x1a: {  	_ =	swait.ge [sflag:s13], $0x2800  }
0x1b: {  	[sflag:s13] =	ssyncset.done $0x0  }
0x1c: {  	[sflag:s13] =	ssyncadd.s32 $0xFFFFD800  }
0x1d: {  	s4 =	rddreg [dreg:$0x6]  }
0x1e: {  	[spmem:s17], [sflag:s16] =	dma.local [hbm:s4], $0xEA0  }
.Ltmp1:
0x1f: {  	_ = 	snop;
	(pc) =	sbr.rel @p1 .LBB2_5-.Ltmp1, $4  }
.Ltmp2:
0x20: {  	_ = 	snop;
	(pc) =	sbr.rel @!p1 .LBB2_4-.Ltmp2, $4  }
0x21: {  	_ =	swait.ge [sflag:s13], $0xEA0  }
0x22: {  	[sflag:s13] =	ssyncset.done $0x0  }
0x23: {  	s8 =	smov.u32 s16;
	s10 =	rddreg [dreg:$0x4];
	[sflag:s13] =	ssyncadd.s32 $0xFFFFF160  }
0x24: {  	_ = 	snop  }
.LBB2_2:
.Ltmp3:
0x25: {  	s8 =	sor.u32 $0x1C09, s15;
	s4 =	rddreg [dreg:$0x5];
	(pc) =	sbr.rel @!p2 .LBB2_5-.Ltmp3, $4  }
0x26: {  	[spmem:s17], [sflag:s8] =	dma.local [hbm:s4], $0xEA0  }
0x27: {  	_ =	swait.ge [sflag:s13], $0xEA0  }
0x28: {  	[sflag:s13] =	ssyncset.done $0x0  }
0x29: {  	s10 =	smov.u32 s3;
	[sflag:s13] =	ssyncadd.s32 $0xFFFFF160  }
.LBB2_4:
0x2a: {  	s10 =	sadd.s32 $0xEA00, s10;
	s4 =	rddreg [dreg:$0x7]  }
0x2b: {  	[spmem:s4], [sflag:s8] =	dma.local [hbm:s10], $0x60  }
0x2c: {  	_ =	swait.ge [sflag:s13], $0x60  }
0x2d: {  	[sflag:s13] =	ssyncset.done $0x0  }
0x2e: {  	[sflag:s13] =	ssyncadd.s32 $0xFFFFFFA0  }
.LBB2_5:
0x2f: {  	[bflag:$0x0] =	sbarrier.arrive $0xFFFF;
	s8 =	simm.s32 $0x0  }
0x30: {  	[tilespmem:s20], [sflag:$0x1] =	stream.indirect.gather [hbm4b:s3+s19], $0x30, s8, s19, $0xb8;
	[tilespmem:$0x12560] =	vst v63  }
0x31: {  	_ = 	snop  }
0x32: {  	[tilespmem:s21], [sflag:$0x2] =	stream.indirect.gather [hbm4b:s3+s19], $0x30, s19, s19, $0xb8;
	[tilespmem:$0x12560] =	vst v63  }
0x33: {  	s4 =	simm.s32 $0x100  }
0x34: {  	[tilespmem:s23], [sflag:$0x3] =	stream.indirect.gather [hbm4b:s3+s19], $0x30, s4, s19, $0xb8;
	[tilespmem:$0x12560] =	vst v63  }
0x35: {  	s8 =	simm.s32 $0x180  }
0x36: {  	[tilespmem:s25], [sflag:$0x4] =	stream.indirect.gather [hbm4b:s3+s19], $0x30, s8, s19, $0xb8;
	[tilespmem:$0x12560] =	vst v63  }
0x37: {  	_ =	swait.ge [sflag:s26], $0x1800  }
0x38: {  	[sflag:s26] =	ssyncset.done $0x0  }
0x39: {  	s10 =	simm.s32 $0x2800;
	[sflag:s26] =	ssyncadd.s32 $0xFFFFE800  }
0x3a: {  	[spmem:s1] =	stream.indirect.scatter.add.f32 [tilespmem:s20], [sflag:$0x5], $0x30, s10, s19, $0xb8;
	[tilespmem:$0x12560] =	vst v63  }
0x3b: {  	_ =	swait.ge [sflag:s28], $0x1800  }
0x3c: {  	[sflag:s28] =	ssyncset.done $0x0  }
0x3d: {  	s4 =	simm.s32 $0x2880;
	[sflag:s28] =	ssyncadd.s32 $0xFFFFE800  }
0x3e: {  	[spmem:s1] =	stream.indirect.scatter.add.f32 [tilespmem:s21], [sflag:$0x6], $0x30, s4, s19, $0xb8;
	[tilespmem:$0x12560] =	vst v63  }
0x3f: {  	_ =	swait.ge [sflag:s29], $0x1800  }
0x40: {  	[sflag:s29] =	ssyncset.done $0x0  }
0x41: {  	s10 =	simm.s32 $0x2900;
	[sflag:s29] =	ssyncadd.s32 $0xFFFFE800  }
0x42: {  	[spmem:s1] =	stream.indirect.scatter.add.f32 [tilespmem:s23], [sflag:$0x7], $0x30, s10, s19, $0xb8;
	[tilespmem:$0x12560] =	vst v63  }
0x43: {  	_ =	swait.ge [sflag:s30], $0x1800  }
0x44: {  	[sflag:s30] =	ssyncset.done $0x0  }
0x45: {  	s4 =	simm.s32 $0x2980;
	[sflag:s30] =	ssyncadd.s32 $0xFFFFE800  }
0x46: {  	[spmem:s1] =	stream.indirect.scatter.add.f32 [tilespmem:s25], [sflag:$0x8], $0x30, s4, s19, $0xb8;
	[tilespmem:$0x12560] =	vst v63  }
0x47: {  	_ =	swait.ge [sflag:s31], $0x1800  }
0x48: {  	[sflag:s31] =	ssyncset.done $0x0  }
0x49: {  	s10 =	simm.s32 $0x200;
	[sflag:s31] =	ssyncadd.s32 $0xFFFFE800  }
0x4a: {  	[tilespmem:s20], [sflag:$0x1] =	stream.indirect.gather [hbm4b:s3+s19], $0x30, s10, s19, $0xb8;
	[tilespmem:$0x12560] =	vst v63  }
0x4b: {  	_ =	swait.ge [sflag:s0], $0x1800  }
0x4c: {  	[sflag:s0] =	ssyncset.done $0x0  }
0x4d: {  	s4 =	simm.s32 $0x280;
	[sflag:s0] =	ssyncadd.s32 $0xFFFFE800  }
0x4e: {  	[tilespmem:s21], [sflag:$0x2] =	stream.indirect.gather [hbm4b:s3+s19], $0x30, s4, s19, $0xb8;
	[tilespmem:$0x12560] =	vst v63  }
0x4f: {  	_ =	swait.ge [sflag:s18], $0x1800  }
0x50: {  	[sflag:s18] =	ssyncset.done $0x0  }
0x51: {  	s10 =	simm.s32 $0x300;
	[sflag:s18] =	ssyncadd.s32 $0xFFFFE800  }
0x52: {  	[tilespmem:s23], [sflag:$0x3] =	stream.indirect.gather [hbm4b:s3+s19], $0x30, s10, s19, $0xb8;
	[tilespmem:$0x12560] =	vst v63  }
0x53: {  	_ =	swait.ge [sflag:s14], $0x1800  }
0x54: {  	[sflag:s14] =	ssyncset.done $0x0  }
0x55: {  	s8 =	simm.s32 $0x800;
	s10 =	simm.s32 $0x380;
	[sflag:s14] =	ssyncadd.s32 $0xFFFFE800  }
.LBB2_6:
0x56: {  	[tilespmem:s25], [sflag:$0x4] =	stream.indirect.gather [hbm4b:s3+s19], $0x30, s10, s19, $0xb8;
	[tilespmem:$0x12560] =	vst v63  }
0x57: {  	s10 =	smov.u32 s8  }
0x58: {  	p3 =	sne.s32 s8, $0x9000;
	s8 =	sadd.s32 $0x800, s8;
	_ =	swait.ge [sflag:s26], $0x1800  }
0x59: {  	s10 =	sshra.s32 s10, $0x2;
	[sflag:s26] =	ssyncset.done $0x0  }
0x5a: {  	s4 =	sadd.s32 $0x2800, s10;
	[sflag:s26] =	ssyncadd.s32 $0xFFFFE800  }
0x5b: {  	[spmem:s1] =	stream.indirect.scatter.add.f32 [tilespmem:s20], [sflag:$0x5], $0x30, s4, s19, $0xb8;
	[tilespmem:$0x12560] =	vst v63  }
0x5c: {  	_ =	swait.ge [sflag:s28], $0x1800  }
0x5d: {  	[sflag:s28] =	ssyncset.done $0x0  }
0x5e: {  	s4 =	sadd.s32 $0x2880, s10;
	[sflag:s28] =	ssyncadd.s32 $0xFFFFE800  }
0x5f: {  	[spmem:s1] =	stream.indirect.scatter.add.f32 [tilespmem:s21], [sflag:$0x6], $0x30, s4, s19, $0xb8;
	[tilespmem:$0x12560] =	vst v63  }
0x60: {  	_ =	swait.ge [sflag:s29], $0x1800  }
0x61: {  	[sflag:s29] =	ssyncset.done $0x0  }
0x62: {  	s4 =	sadd.s32 $0x2900, s10;
	[sflag:s29] =	ssyncadd.s32 $0xFFFFE800  }
0x63: {  	[spmem:s1] =	stream.indirect.scatter.add.f32 [tilespmem:s23], [sflag:$0x7], $0x30, s4, s19, $0xb8;
	[tilespmem:$0x12560] =	vst v63  }
0x64: {  	_ =	swait.ge [sflag:s30], $0x1800  }
0x65: {  	[sflag:s30] =	ssyncset.done $0x0  }
0x66: {  	s4 =	sadd.s32 $0x2980, s10;
	[sflag:s30] =	ssyncadd.s32 $0xFFFFE800  }
0x67: {  	[spmem:s1] =	stream.indirect.scatter.add.f32 [tilespmem:s25], [sflag:$0x8], $0x30, s4, s19, $0xb8;
	[tilespmem:$0x12560] =	vst v63  }
0x68: {  	_ =	swait.ge [sflag:s31], $0x1800  }
0x69: {  	[sflag:s31] =	ssyncset.done $0x0  }
0x6a: {  	s4 =	sadd.s32 $0x200, s10;
	[sflag:s31] =	ssyncadd.s32 $0xFFFFE800  }
0x6b: {  	[tilespmem:s20], [sflag:$0x1] =	stream.indirect.gather [hbm4b:s3+s19], $0x30, s4, s19, $0xb8;
	[tilespmem:$0x12560] =	vst v63  }
0x6c: {  	_ =	swait.ge [sflag:s0], $0x1800  }
0x6d: {  	[sflag:s0] =	ssyncset.done $0x0  }
0x6e: {  	s4 =	sadd.s32 $0x280, s10;
	[sflag:s0] =	ssyncadd.s32 $0xFFFFE800  }
0x6f: {  	[tilespmem:s21], [sflag:$0x2] =	stream.indirect.gather [hbm4b:s3+s19], $0x30, s4, s19, $0xb8;
	[tilespmem:$0x12560] =	vst v63  }
0x70: {  	_ =	swait.ge [sflag:s18], $0x1800  }
0x71: {  	[sflag:s18] =	ssyncset.done $0x0  }
.Ltmp4:
0x72: {  	s4 =	sadd.s32 $0x300, s10;
	[sflag:s18] =	ssyncadd.s32 $0xFFFFE800;
	(pc) =	sbr.rel @p3 .LBB2_6-.Ltmp4, $4  }
0x73: {  	[tilespmem:s23], [sflag:$0x3] =	stream.indirect.gather [hbm4b:s3+s19], $0x30, s4, s19, $0xb8;
	[tilespmem:$0x12560] =	vst v63  }
0x74: {  	_ =	swait.ge [sflag:s14], $0x1800  }
0x75: {  	[sflag:s14] =	ssyncset.done $0x0  }
0x76: {  	s10 =	sadd.s32 $0x380, s10;
	[sflag:s14] =	ssyncadd.s32 $0xFFFFE800  }
0x77: {  	[tilespmem:s25], [sflag:$0x4] =	stream.indirect.gather [hbm4b:s3+s19], $0x30, s10, s19, $0xb8;
	[tilespmem:$0x12560] =	vst v63  }
0x78: {  	_ =	swait.ge [sflag:s26], $0x1800  }
0x79: {  	[sflag:s26] =	ssyncset.done $0x0  }
0x7a: {  	s4 =	simm.s32 $0x4E00;
	[sflag:s26] =	ssyncadd.s32 $0xFFFFE800  }
0x7b: {  	[spmem:s1] =	stream.indirect.scatter.add.f32 [tilespmem:s20], [sflag:$0x5], $0x30, s4, s19, $0xb8;
	[tilespmem:$0x12560] =	vst v63  }
0x7c: {  	_ =	swait.ge [sflag:s28], $0x1800  }
0x7d: {  	[sflag:s28] =	ssyncset.done $0x0  }
0x7e: {  	s10 =	simm.s32 $0x4E80;
	[sflag:s28] =	ssyncadd.s32 $0xFFFFE800  }
0x7f: {  	[spmem:s1] =	stream.indirect.scatter.add.f32 [tilespmem:s21], [sflag:$0x6], $0x30, s10, s19, $0xb8;
	[tilespmem:$0x12560] =	vst v63  }
0x80: {  	_ =	swait.ge [sflag:s29], $0x1800  }
0x81: {  	[sflag:s29] =	ssyncset.done $0x0  }
0x82: {  	s8 =	simm.s32 $0x4F00;
	[sflag:s29] =	ssyncadd.s32 $0xFFFFE800  }
0x83: {  	[spmem:s1] =	stream.indirect.scatter.add.f32 [tilespmem:s23], [sflag:$0x7], $0x30, s8, s19, $0xb8;
	[tilespmem:$0x12560] =	vst v63  }
0x84: {  	_ =	swait.ge [sflag:s30], $0x1800  }
0x85: {  	[sflag:s30] =	ssyncset.done $0x0  }
0x86: {  	[sflag:s30] =	ssyncadd.s32 $0xFFFFE800  }
0x87: {  	[spmem:s1] =	stream.indirect.scatter.add.f32 [tilespmem:s25], [sflag:$0x8], $0x30, s22, s19, $0xb8;
	[tilespmem:$0x12560] =	vst v63  }
0x88: {  	_ =	swait.ge [sflag:s31], $0x1800  }
0x89: {  	[sflag:s31] =	ssyncset.done $0x0  }
0x8a: {  	[sflag:s31] =	ssyncadd.s32 $0xFFFFE800  }
0x8b: {  	_ =	swait.ge [sflag:s0], $0x1800  }
0x8c: {  	[sflag:s0] =	ssyncset.done $0x0  }
0x8d: {  	[sflag:s0] =	ssyncadd.s32 $0xFFFFE800  }
0x8e: {  	_ =	swait.ge [sflag:s18], $0x1800  }
0x8f: {  	[sflag:s18] =	ssyncset.done $0x0  }
0x90: {  	[sflag:s18] =	ssyncadd.s32 $0xFFFFE800  }
0x91: {  	_ =	swait.ge [sflag:s14], $0x1800  }
0x92: {  	[sflag:s14] =	ssyncset.done $0x0  }
0x93: {  	[sflag:s14] =	ssyncadd.s32 $0xFFFFE800  }
0x94: {  	s10 =	sadd.s32 s7, s11;
	s8 =	sor.u32 $0x1C09, s15;
	[bflag:$0x0] =	sbarrier.arrive $0xFFFF  }
0x95: {  	[hbm:s10], [sflag:s8] =	dma.local [spmem:s17], $0xEA0  }
0x96: {  	s24 =	sadd.s32 $0x1, s24;
	_ =	swait.ge [sflag:s13], $0xEA0  }
0x97: {  	p3 =	sne.s32 s24, s12;
	[sflag:s13] =	ssyncset.done $0x0  }
0x98: {  	s4 =	sadd.s32 @!p1 $0xEA00, s11;
	s10 =	sshrl.u32 @!p1 s9, $0x3;
	[sflag:s13] =	ssyncadd.s32 $0xFFFFF160  }
0x99: {  	[hbm:s4], [sflag:s8] =	dma.local @!p1 [spmem:s10], $0x60  }
.Ltmp5:
0x9a: {  	_ = 	snop;
	(pc) =	sbr.rel @p3 .LBB2_1-.Ltmp5, $4  }
0x9b: {  	s4 =	simm.s32 @!p1 $0x9  }
0x9c: {  	_ =	swait.ge @!p1 [sflag:s4], $0x60  }
0x9d: {  	[sflag:s4] =	ssyncset.done @!p1 $0x0  }
0x9e: {  	[sflag:s4] =	ssyncadd.s32 @!p1 $0xFFFFFFA0  }
0x9f: {  	_ =	sfence.sel $0x180000  }
0xa0: {  	[bflag:$0x0] =	sbarrier.arrive $0xFFFF  }
0xa1: {  	_ =	strace $0x9000004A  }
0xa2: {  	[bflag:$0x2] =	sbarrier.arrive $0xFFFF  }
0xa3: {  	s0 =	rddreg [dreg:$0x3]  }
0xa4: {  	s0 =	sadd.s32 @!p1 $0x100000, s0  }
0xa5: {  	[sflag:s0] =	ssyncadd.tile.s32 @!p1 $0x1;
	_ =	shalt  }
.Lfunc_end2:
_tile_overlayer_lowered:
.L_overlay_start_2:
0xa6: {  	(tag) =	ssettag $0x2  }
0xa7: {  	s0 =	rddreg [dreg:$0x0];
	s2 =	stileid.u32  }
0xa8: {  	s1 =	rddreg [dreg:$0x1];
	p0 =	sne.s32 s2, $0x0  }
0xa9: {  	s3 =	rddreg [dreg:$0x2];
	[bflag:$0x3] =	sbarrier.arrive $0xFFFF;
	s2 =	simm.s32 @!p0 $0x1C09  }
0xaa: {  	[timem:s3], [sflag:s2] =	dma.local @!p0 [hbm:s0], s1  }
0xab: {  	s0 =	simm.s32 @!p0 $0x9  }
0xac: {  	_ =	swait.ge @!p0 [sflag:s0], s1  }
0xad: {  	s1 =	ssub.s32 @!p0 $0x0, s1;
	[sflag:s0] =	ssyncset.done @!p0 $0x0  }
0xae: {  	[sflag:s0] =	ssyncadd.s32 @!p0 s1  }
0xaf: {  	[bflag:$0x3] =	sbarrier.arrive $0xFFFF  }
0xb0: {  	_ =	shalt  }

// kernel: kernel.7.cloned.1.call-start
scs
__scs_entry_jumppad:
0x0: {  	(pc) =	sbr.rel $0x88, $3  }
0x1: {  	(tag) =	ssettag $0x0;
	lr =	simm.s32 $0x1  }
0x2: {  	[smem:$0x3F9B] =	sst lr;
	_ =	strace $0xD0000000  }
0x3: {  	_ = 	snop  }
0x4: {  	_ = 	snop  }
0x5: {  	_ = 	snop  }
0x6: {  	_ = 	snop  }
0x7: {  	_ = 	snop  }
__scs_overlays_trampoline_lowered:
0x8: {  	[smem:$0x3FAA] =	sst s0  }
0x9: {  	[smem:$0x3FAB] =	sst s1  }
0xa: {  	[smem:$0x3FAC] =	sst s2  }
0xb: {  	[smem:$0x3FAD] =	sst s3  }
0xc: {  	[smem:$0x3FAE] =	sst s4  }
0xd: {  	[smem:$0x3FAF] =	sst s5  }
0xe: {  	[smem:$0x3FB0] =	sst s6  }
0xf: {  	[smem:$0x3FB1] =	sst s7  }
0x10: {  	[smem:$0x3FB2] =	sst s8  }
0x11: {  	[smem:$0x3FB3] =	sst s9;
	s0 =	simm.s32 @!p0 $0x0  }
0x12: {  	s1 =	sld [smem:$0x3F99];
	s0 =	simm.s32 @p0 $0x1  }
0x13: {  	[smem:$0x3FB4] =	sst s0;
	s0 =	simm.s32 @!p1 $0x0  }
0x14: {  	s2 =	sld [smem:$0x3F98];
	s0 =	simm.s32 @p1 $0x1  }
0x15: {  	[smem:$0x3FB5] =	sst s0;
	s0 =	simm.s32 @!p2 $0x0  }
0x16: {  	s3 =	sld [smem:$0x3FDB];
	s0 =	simm.s32 @p2 $0x1  }
0x17: {  	s4 =	simm.s32 $0x1BF5;
	[smem:$0x3FB7] =	sst s0  }
0x18: {  	s0 =	sld [smem:$0x3F9A];
	_ =	swait.ge [sflag:s4], $0x0  }
0x19: {  	s7 =	sld [smem:$0x3F9B]  }
0x1a: {  	s8 =	sadd.s32 $0xFFFFE003, lr  }
0x1b: {  	s9 =	sadd.s32 $0xFFFFFEF7, lr;
	s5 =	simm.s32 $0xFFFFFFFF;
	p2 =	slt.u32 s8, $0xFFFFF086  }
0x1c: {  	p1 =	slt.u32 s9, $0xF7A;
	s5 =	simm.s32 @!p2 $0x0  }
0x1d: {  	s5 =	simm.s32 @p1 $0x1;
	p0 =	seq.s32 s7, s2  }
0x1e: {  	s7 =	smul.u32 @!p0 $0xF7A, s2;
	p2 =	seq.s32 @!p0 s5, $0x0  }
0x1f: {  	s9 =	smul.u32 $0xF7A, s1;
	s8 =	simm.s32 @!p0 $0x1BF5;
	p2 =	por !p2, p0  }
0x20: {  	[sflag:s8] =	ssyncset.s32 @!p0 $0xFFFFF086;
	s6 =	sadd.s32 @!p0 s3, s7;
	s7 =	simm.s32 @!p0 $0x108  }
0x21: {  	s3 =	sadd.s32 s3, s9;
	s6 =	sadd.s32 @!p0 $0x88, s6;
	s7 =	simm.s32 @p2 $0x1082  }
0x22: {  	[simem:s7], [sflag:s8] =	dma.local @!p0 [hbm:s6], $0xF7A  }
0x23: {  	s9 =	sor.u32 $0xD0000000, s2;
	s6 =	simm.s32 $0x108;
	_ =	swait.ge @!p0 [sflag:s8], $0x0  }
0x24: {  	s3 =	sadd.s32 $0x88, s3;
	s6 =	simm.s32 @!p1 $0x1082;
	[sflag:s4] =	ssyncset.s32 $0xFFFFF086  }
0x25: {  	[simem:s6], [sflag:s4] =	dma.local [hbm:s3], $0xF7A  }
0x26: {  	[smem:$0x3F9B] =	sst s1;
	(tag) =	ssettag s2;
	_ =	strace s9  }
0x27: {  	s1 =	sld [smem:$0x3FAB]  }
0x28: {  	s2 =	sld [smem:$0x3FAC]  }
0x29: {  	s4 =	sld [smem:$0x3FAE]  }
0x2a: {  	p0 =	seq.s32 s5, $0x0;
	s5 =	sld [smem:$0x3FAF]  }
0x2b: {  	s6 =	sld [smem:$0x3FB0]  }
0x2c: {  	s7 =	sld [smem:$0x3FB1]  }
0x2d: {  	s3 =	simm.s32 $0x108;
	s8 =	sld [smem:$0x3FB2]  }
0x2e: {  	s3 =	simm.s32 @!p0 $0x1082;
	s9 =	sld [smem:$0x3FB3]  }
0x2f: {  	lr =	sadd.s32 s0, s3;
	s0 =	sld [smem:$0x3FAA]  }
0x30: {  	s3 =	sld [smem:$0x3FAD]  }
0x31: {  	[smem:$0x3FB6] =	sst s10  }
0x32: {  	s10 =	sld [smem:$0x3FB4];
	_ =	sdelay $0x3  }
0x33: {  	p0 =	seq.s32 s10, $0x1;
	s10 =	sld [smem:$0x3FB6];
	_ =	sdelay $0x3  }
0x34: {  	[smem:$0x3FB6] =	sst s10  }
0x35: {  	s10 =	sld [smem:$0x3FB5];
	_ =	sdelay $0x3  }
0x36: {  	p1 =	seq.s32 s10, $0x1;
	s10 =	sld [smem:$0x3FB6];
	_ =	sdelay $0x3  }
0x37: {  	[smem:$0x3FB6] =	sst s10  }
0x38: {  	s10 =	sld [smem:$0x3FB7]  }
0x39: {  	_ = 	snop;
	(pc) =	sbr.ind lr, $3  }
0x3a: {  	_ = 	snop  }
0x3b: {  	_ = 	snop  }
0x3c: {  	p2 =	seq.s32 s10, $0x1;
	s10 =	sld [smem:$0x3FB6]  }
0x3d: {  	_ =	shalt  }
0x3e: {  	_ =	shalt  }
0x3f: {  	_ =	shalt  }
0x40: {  	_ =	shalt  }
0x41: {  	_ =	shalt  }
0x42: {  	_ =	shalt  }
0x43: {  	_ =	shalt  }
0x44: {  	_ =	shalt  }
0x45: {  	_ =	shalt  }
0x46: {  	_ =	shalt  }
0x47: {  	_ =	shalt  }
0x48: {  	_ =	shalt  }
0x49: {  	_ =	shalt  }
0x4a: {  	_ =	shalt  }
0x4b: {  	_ =	shalt  }
0x4c: {  	_ =	shalt  }
0x4d: {  	_ =	shalt  }
0x4e: {  	_ =	shalt  }
0x4f: {  	_ =	shalt  }
0x50: {  	_ =	shalt  }
0x51: {  	_ =	shalt  }
0x52: {  	_ =	shalt  }
0x53: {  	_ =	shalt  }
0x54: {  	_ =	shalt  }
0x55: {  	_ =	shalt  }
0x56: {  	_ =	shalt  }
0x57: {  	_ =	shalt  }
0x58: {  	_ =	shalt  }
0x59: {  	_ =	shalt  }
0x5a: {  	_ =	shalt  }
0x5b: {  	_ =	shalt  }
0x5c: {  	_ =	shalt  }
0x5d: {  	_ =	shalt  }
0x5e: {  	_ =	shalt  }
0x5f: {  	_ =	shalt  }
0x60: {  	_ =	shalt  }
0x61: {  	_ =	shalt  }
0x62: {  	_ =	shalt  }
0x63: {  	_ =	shalt  }
0x64: {  	_ =	shalt  }
0x65: {  	_ =	shalt  }
0x66: {  	_ =	shalt  }
0x67: {  	_ =	shalt  }
0x68: {  	_ =	shalt  }
0x69: {  	_ =	shalt  }
0x6a: {  	_ =	shalt  }
0x6b: {  	_ =	shalt  }
0x6c: {  	_ =	shalt  }
0x6d: {  	_ =	shalt  }
0x6e: {  	_ =	shalt  }
0x6f: {  	_ =	shalt  }
0x70: {  	_ =	shalt  }
0x71: {  	_ =	shalt  }
0x72: {  	_ =	shalt  }
0x73: {  	_ =	shalt  }
0x74: {  	_ =	shalt  }
0x75: {  	_ =	shalt  }
0x76: {  	_ =	shalt  }
0x77: {  	_ =	shalt  }
0x78: {  	_ =	shalt  }
0x79: {  	_ =	shalt  }
0x7a: {  	_ =	shalt  }
0x7b: {  	_ =	shalt  }
0x7c: {  	_ =	shalt  }
0x7d: {  	_ =	shalt  }
0x7e: {  	_ =	shalt  }
0x7f: {  	_ =	shalt  }
0x80: {  	_ =	shalt  }
0x81: {  	_ =	shalt  }
0x82: {  	_ =	shalt  }
0x83: {  	_ =	shalt  }
0x84: {  	_ =	shalt  }
0x85: {  	_ =	shalt  }
0x86: {  	_ =	shalt  }
0x87: {  	_ =	shalt  }
.Lfunc_end0:
.L_simem_size_0:
called_computation_lowered:
.L_overlay_start_0:
0x88: {  	s2 =	sld [smem:$0x3FD9]  }
0x89: {  	s3 =	sld [smem:$0x3FFE];
	_ =	sdelay $0x1  }
0x8a: {  	s1 =	srdreg.scid  }
0x8b: {  	s0 =	sand.u32 $0x1, s1  }
0x8c: {  	s17 =	sshll.u32 s0, $0xA;
	s2 =	sadd.s32 s3, s2  }
0x8d: {  	s2 =	sadd.s32 s2, s17  }
0x8e: {  	[smem:$0x3FC2] =	sst s2  }
0x8f: {  	_ = 	snop  }
0x90: {  	s2 =	sld [smem:$0x3FD0];
	(tm) =	ssettm $0x1  }
0x91: {  	s18 =	sld [smem:$0x3FFB];
	_ =	sdelay $0x3  }
0x92: {  	_ =	strace s18  }
0x93: {  	s3 =	sld [smem:$0x3FFC];
	_ =	sdelay $0x3  }
0x94: {  	_ =	strace s3  }
0x95: {  	s3 =	sld [smem:$0x3FFD];
	_ =	sdelay $0x3  }
0x96: {  	_ =	strace s3  }
0x97: {  	_ =	strace $0x8FFFFFFF  }
0x98: {  	s19 =	sld [smem:$0x3FDB];
	_ =	sdelay $0x1  }
0x99: {  	s4 =	simm.s32 $_scs_section_size  }
0x9a: {  	s5 =	simm.s32 $_size__tile_overlayer_lowered;
	s6 =	simm.s32 $_tile_overlayer_lowered  }
0x9b: {  	s22 =	simm.s32 $0x1BFF;
	s21 =	sshll.u32 s6, $0x1;
	s3 =	sadd.s32 s4, s19  }
0x9c: {  	s7 =	simm.s32 $0x0;
	s20 =	sshll.u32 s5, $0x1;
	s5 =	sadd.s32 s21, s3  }
0x9d: {  	[timem:s7], [sflag:s22] =	dma.local [hbm:s5], s20  }
0x9e: {  	_ =	swait.ge [sflag:s22], s20  }
0x9f: {  	s4 =	ssub.s32 $0x0, s20;
	[sflag:s22] =	ssyncset.done $0x0  }
0xa0: {  	[sflag:s22] =	ssyncadd.s32 s4;
	_ =	sdelay $0x1  }
0xa1: {  	s23 =	simm.s32 $0x1B8B  }
0xa2: {  	_ =	swait.ge [sflag:s23], $0x1  }
0xa3: {  	[sflag:s23] =	ssyncset.done $0x0  }
0xa4: {  	s25 =	simm.s32 $0x1B8E;
	s24 =	sld [smem:$0x3FFE];
	[sflag:s23] =	ssyncadd.s32 $0xFFFFFFFF  }
0xa5: {  	s26 =	simm.s32 $execute0_lowered;
	[smem:$0x3FD2] =	sst s25  }
0xa6: {  	s5 =	sshll.u32 s26, $0x1;
	_ =	strace $0x80000046;
	[dreg:$0x1] =	wrdreg $0xFFFFFFFF  }
0xa7: {  	s28 =	simm.s32 $_size_execute0_lowered;
	s3 =	sadd.s32 s3, s5;
	[dreg:$0x0] =	wrdreg $0x0  }
0xa8: {  	s5 =	sshll.u32 s28, $0x1;
	[dreg:$0x2] =	wrdreg s3  }
0xa9: {  	[dreg:$0x3] =	wrdreg s5  }
0xaa: {  	[dreg:$0x4] =	wrdreg $0xC0  }
0xab: {  	_ =	task [dreg:s7], $0x5FFFF  }
0xac: {  	[dreg:$0x1] =	wrdreg $0xFFFFFFFF  }
0xad: {  	[dreg:$0x0] =	wrdreg $0x60  }
0xae: {  	[dreg:$0x2] =	wrdreg s24  }
0xaf: {  	[dreg:$0x3] =	wrdreg s2  }
0xb0: {  	[dreg:$0x4] =	wrdreg $0x18F800  }
0xb1: {  	[dreg:$0x5] =	wrdreg $0x192000  }
0xb2: {  	[dreg:$0x6] =	wrdreg $0x9  }
0xb3: {  	_ =	task.clear_ibuf [dreg:s7], $0x7FFFF;
	_ =	strace $0x90000046  }
0xb4: {  	s29 =	simm.s32 $0x9;
	_ =	strace $0x80000048  }
0xb5: {  	_ =	swait.ge [sflag:s29], $0x1  }
0xb6: {  	[sflag:s29] =	ssyncadd.s32 $0xFFFFFFFF  }
0xb7: {  	_ =	strace $0x90000048  }
0xb8: {  	_ =	sfence  }
0xb9: {  	s30 =	sld [smem:$0x0];
	_ =	sdelay $0x2  }
0xba: {  	s31 =	sshll.u32 s1, $0xD;
	s1 =	sshrl.u32 s1, $0x2  }
0xbb: {  	s3 =	sand.u32 $0x4000, s31;
	s1 =	sadd.s32 s1, s30  }
0xbc: {  	s0 =	sor.u32 s3, s0;
	s1 =	sshll.u32 s1, $0x11  }
0xbd: {  	s0 =	sor.u32 s1, s0  }
0xbe: {  	s0 =	sadd.s32 $0x8F2B, s0  }
0xbf: {  	[sflag:s0] =	ssyncadd.remote.s32 $0x1  }
0xc0: {  	_ =	sfence.sel $0xFFFF  }
0xc1: {  	[dreg:$0x0] =	wrdreg $0xFFFFFFFF;
	(pc) =	sbr.abs _section_cstart, $3  }
0xc2: {  	[dreg:$0x1] =	wrdreg $0xFFFFFFFF  }
0xc3: {  	_ =	task.clear_ibuf [dreg:s7], $0x2FFFF;
	_ =	strace $0x9FFFFFFF  }
0xc4: {  	(tm) =	ssettm $0x7FFFFFFF  }
0xc5: {  	_ =	shalt  }
tec
execute0_lowered:
.L_overlay_start_1:
0x0: {  	(tag) =	ssettag $0x1  }
0x1: {  	s0 =	rddreg [dreg:$0x0]  }
0x2: {  	s4 =	rddreg [dreg:$0x1]  }
0x3: {  	s1 =	rddreg [dreg:$0x2]  }
0x4: {  	s2 =	rddreg [dreg:$0x3]  }
0x5: {  	s5 =	stileid.u32;
	s3 =	simm.s32 $0x0;
	s9 =	srdreg.scid  }
0x6: {  	s6 =	smul.u32 $0x2700, s5;
	[smem:$0x7FF] =	sst s3;
	s8 =	sadd.s32 $0x6400, s0  }
0x7: {  	s10 =	sadd.s32 $0x1200, s0;
	s20 =	smul.u32 $0xEA0, s5;
	s9 =	sand.u32 $0x1, s9  }
0x8: {  	s12 =	sadd.s32 $0x1A200, s0;
	s13 =	sadd.s32 $0x10400, s0;
	s14 =	smul.u32 $0x4E, s5  }
0x9: {  	s21 =	smul.u32 $0x9C00, s5;
	s24 =	sadd.s32 $0x800, s1;
	s25 =	sadd.s32 $0x1000, s1  }
0xa: {  	s18 =	smul.u32 $0x9C0, s5;
	_ =	strace $0x80000047;
	[dreg:$0x5] =	wrdreg s10  }
0xb: {  	p0 =	sne.s32 s5, $0x0;
	s11 =	sshll.u32 s9, $0x4;
	[dreg:$0x9] =	wrdreg s24  }
0xc: {  	s16 =	ssub.s32 $0x2, s9;
	s23 =	smul.u32 $0x27100, s9;
	[dreg:$0xa] =	wrdreg s25  }
0xd: {  	p1 =	seq.s32 s9, $0x0;
	p2 =	sne.s32 s9, $0x0;
	s25 =	sadd.s32 $0x2000, s1  }
0xe: {  	s9 =	simm.s32 $0x1;
	s7 =	sshrl.u32 s6, $0x3;
	s10 =	sadd.s32 s20, s0  }
0xf: {  	s15 =	ssub.s32 s5, s11;
	s11 =	sor.u32 s5, s11;
	s14 =	sadd.s32 s14, s0  }
0x10: {  	s17 =	sshrl.u32 s16, $0x1;
	s26 =	sshrl.u32 s21, $0x2;
	s18 =	sshrl.u32 s18, $0x2  }
0x11: {  	p3 =	sne.s32 @!p1 s5, $0x0;
	[dreg:$0x19] =	wrdreg s25;
	s15 =	smul.u32 $0x2800, s15  }
0x12: {  	s5 =	simm.s32 $0x16F80;
	s7 =	sadd.s32 s7, s0;
	s11 =	smul.u32 $0x500, s11  }
0x13: {  	s17 =	ssub.s32 s16, s17;
	s28 =	sadd.s32 s6, s23;
	s29 =	sshrl.u32 s23, $0x3  }
0x14: {  	s16 =	sadd.s32 s26, s2;
	s20 =	sadd.s32 $0x24000, s10;
	s21 =	sadd.s32 $0x32C00, s14  }
0x15: {  	s23 =	sadd.s32 $0x32A00, s0;
	p3 =	por p3, p1;
	[dreg:$0x13] =	wrdreg s20  }
0x16: {  	s14 =	simm.s32 $0x9;
	s10 =	simm.s32 $0x2;
	[dreg:$0x14] =	wrdreg s21  }
0x17: {  	s31 =	sadd.s32 $0x4E00, s29;
	s19 =	sadd.s32 $0x1400, s7;
	[dreg:$0x16] =	wrdreg s23  }
0x18: {  	s24 =	smax.u32 s17, $0x1;
	s26 =	sadd.s32 $0x800, s16;
	[dreg:$0x10] =	wrdreg s16  }
0x19: {  	s23 =	simm.s32 $0x80;
	s7 =	simm.s32 $0x17F80;
	[dreg:$0x12] =	wrdreg s19  }
0x1a: {  	s17 =	simm.s32 $0x5;
	s20 =	simm.s32 $0x7;
	[dreg:$0x18] =	wrdreg s24  }
0x1b: {  	s21 =	simm.s32 $0x8;
	s4 =	sadd.s32 s4, s11;
	[dreg:$0x1a] =	wrdreg s26  }
0x1c: {  	s15 =	sadd.s32 $0x28000, s15;
	s11 =	sadd.s32 s8, s11;
	[dreg:$0x6] =	wrdreg s4  }
0x1d: {  	s22 =	sshrl.u32 s15, $0x3;
	[dreg:$0x7] =	wrdreg s11;
	s15 =	sadd.s32 $0x1800, s1  }
0x1e: {  	s11 =	sadd.s32 s13, s29;
	s29 =	sadd.s32 $0x1800, s16;
	[dreg:$0xf] =	wrdreg s15  }
0x1f: {  	s19 =	sadd.s32 s6, s2;
	s4 =	sadd.s32 s8, s22;
	[dreg:$0x1c] =	wrdreg s29  }
0x20: {  	s26 =	simm.s32 $0xA000;
	s22 =	sadd.s32 $0x6200, s0;
	[dreg:$0x8] =	wrdreg s4  }
0x21: {  	s6 =	simm.s32 $0x17780;
	s0 =	sadd.s32 $0x330E0, s0;
	[dreg:$0x15] =	wrdreg s22  }
0x22: {  	s8 =	sshrl.u32 s28, $0x3;
	s28 =	sadd.s32 $0x1000, s16;
	[dreg:$0x17] =	wrdreg s0  }
0x23: {  	s24 =	simm.s32 $0x0;
	s30 =	sadd.s32 s13, s8;
	[dreg:$0x1b] =	wrdreg s28  }
0x24: {  	s15 =	simm.s32 $0x4;
	s13 =	sadd.s32 s13, s31;
	[dreg:$0xb] =	wrdreg s30  }
0x25: {  	s8 =	sadd.s32 s12, s8;
	s4 =	sadd.s32 s18, s1;
	[dreg:$0xc] =	wrdreg s13  }
.Ltmp0:
0x26: {  	s0 =	sadd.s32 $0x27000, s2;
	[dreg:$0xd] =	wrdreg s8;
	(pc) =	sbr.rel .LBB2_1-.Ltmp0, $4  }
0x27: {  	s22 =	simm.s32 $0x7800;
	s13 =	sadd.s32 s12, s31;
	[dreg:$0x11] =	wrdreg s4  }
0x28: {  	s18 =	simm.s32 $0x6;
	s30 =	sadd.s32 $0x2000, s16;
	[dreg:$0xe] =	wrdreg s13  }
0x29: {  	s31 =	sadd.s32 $0x2700, s1;
	s4 =	simm.s32 $0xA500;
	[dreg:$0x1d] =	wrdreg s30  }
0x2a: {  	v0 =	vimm.f32 $0.0e+00;
	v1 =	vimm.f32 $1.000000000e+00;
	s8 =	simm.s32 $0x18780;
	[dreg:$0x1e] =	wrdreg s31;
	s13 =	simm.s32 $0x3  }
.LBB2_22:
0x2b: {  	v4 =	vadd.s32 $0x270, v4  }
0x2c: {  	v4 =	vbroadcast v4, $0x0;
	_ =	sdelay $0x1  }
0x2d: {  	v2 =	vmul.f32 v3, v2;
	s16 =	sadd.s32 $0x10, s25  }
0x2e: {  	s25 =	sand.u32 $0xF0, s16  }
0x2f: {  	s12 =	sadd.s32 $0x10, s12;
	[tilespmem:s25+$0x16B80] =	vst v2  }
0x30: {  	v3 =	vld [tilespmem:s12+$0x0]  }
0x31: {  	v2 =	vld.idx.msk [tilespmem:v4+s4+$0x0], $0xffff;
	_ =	sdelay $0x4  }
0x32: {  	s29 =	sadd.s32 $0x10, s16;
	v2 =	vmul.f32 v3, v2  }
0x33: {  	s12 =	sand.u32 $0xF0, s29  }
0x34: {  	s30 =	rddreg [dreg:$0xe];
	s31 =	simm.s32 $0x16B80;
	[tilespmem:s12+$0x16B80] =	vst v2  }
0x35: {  	[hbm4b:s30+s3] =	stream.linear.scatter [tilespmem:s31], [sflag:$0x9], $0x100, $0x38;
	[tilespmem:$0x1B920] =	vst v63  }
0x36: {  	_ =	swait.ge [sflag:s14], $0x100  }
0x37: {  	[sflag:s14] =	ssyncset.done $0x0  }
0x38: {  	[sflag:s14] =	ssyncadd.s32 $0xFFFFFF00  }
.LBB2_23:
0x39: {  	s24 =	sadd.s32 $0x1, s24;
	s12 =	rddreg [dreg:$0x18]  }
0x3a: {  	p4 =	sne.s32 s24, s12  }
.Ltmp1:
0x3b: {  	_ = 	snop;
	(pc) =	sbr.rel @!p4 .LBB2_24-.Ltmp1, $2  }
0x3c: {  	_ =	sdelay $0x2  }
0x3d: {  	s26 =	simm.s32 $0xA000  }
.LBB2_1:
0x3e: {  	s12 =	rddreg [dreg:$0x6]  }
0x3f: {  	[tilespmem:s3], [sflag:$0x9] =	stream.linear.gather [hbm4b:s12+s3], $0x2800, $0x38;
	[tilespmem:$0x1B920] =	vst v63  }
0x40: {  	_ =	swait.ge [sflag:s14], $0x2800  }
0x41: {  	[sflag:s14] =	ssyncset.done $0x0  }
0x42: {  	s16 =	simm.s32 $0x2800;
	s28 =	rddreg [dreg:$0x7];
	[sflag:s14] =	ssyncadd.s32 $0xFFFFD800  }
0x43: {  	[tilespmem:s16], [sflag:$0x9] =	stream.linear.gather [hbm4b:s28+s3], $0x2800, $0x38;
	[tilespmem:$0x1B920] =	vst v63  }
0x44: {  	_ =	swait.ge [sflag:s14], $0x2800  }
0x45: {  	[sflag:s14] =	ssyncset.done $0x0  }
0x46: {  	s30 =	simm.s32 $0x5000;
	s29 =	rddreg [dreg:$0x8];
	[sflag:s14] =	ssyncadd.s32 $0xFFFFD800  }
0x47: {  	[tilespmem:s30], [sflag:$0x9] =	stream.linear.gather [hbm4b:s29+s3], $0x2800, $0x38;
	[tilespmem:$0x1B920] =	vst v63  }
0x48: {  	_ =	swait.ge [sflag:s14], $0x2800  }
0x49: {  	[sflag:s14] =	ssyncset.done $0x0  }
0x4a: {  	s31 =	rddreg [dreg:$0x5];
	[sflag:s14] =	ssyncadd.s32 $0xFFFFD800  }
0x4b: {  	[tilespmem:s26], [sflag:$0x9] =	stream.linear.gather [hbm4b:s31+s3], $0x280, $0x38;
	[tilespmem:$0x1B920] =	vst v63  }
0x4c: {  	_ =	swait.ge [sflag:s14], $0x280  }
0x4d: {  	[sflag:s14] =	ssyncset.done $0x0  }
0x4e: {  	s12 =	simm.s32 $0x0;
	[sflag:s14] =	ssyncadd.s32 $0xFFFFFD80  }
.LBB2_2:
0x4f: {  	p4 =	sne.s32 s12, $0x9FC0  }
.Ltmp2:
0x50: {  	_ = 	snop;
	(pc) =	sbr.rel @p4 .LBB2_2-.Ltmp2, $3  }
0x51: {  	_ =	sdelay $0x1  }
0x52: {  	s25 =	sshra.s32 s12, $0x2  }
0x53: {  	s12 =	sadd.s32 $0x40, s12;
	[tilespmem:s25+$0x7800] =	vst v0  }
0x54: {  	s12 =	simm.s32 $0x40;
	s25 =	simm.s32 $0x0  }
.LBB2_4:
0x55: {  	p4 =	sne.s32 s12, $0x1FC0;
	[tilespmem:s25+$0x16F80] =	vst v0;
	s25 =	smov.u32 s12;
	s12 =	sadd.s32 $0x40, s12  }
.Ltmp3:
0x56: {  	(pc) =	sbr.rel @p4 .LBB2_4-.Ltmp3, $2  }
0x57: {  	_ =	sdelay $0x2  }
0x58: {  	s25 =	sshra.s32 s25, $0x2  }
0x59: {  	[tilespmem:s25+$0x16F80] =	vst v0;
	s12 =	simm.s32 @!p0 $0x16F80;
	s25 =	simm.s32 @!p0 $0x9  }
0x5a: {  	[spmem:s1] =	stream.linear.scatter @!p0 [tilespmem:s12], [sflag:$0x9], $0x800, $0x38;
	[tilespmem:$0x1B920] =	vst v63  }
0x5b: {  	_ =	swait.ge @!p0 [sflag:s25], $0x800  }
0x5c: {  	[sflag:s25] =	ssyncset.done @!p0 $0x0  }
0x5d: {  	s16 =	rddreg [dreg:$0x9];
	[sflag:s25] =	ssyncadd.s32 @!p0 $0xFFFFF800  }
0x5e: {  	[spmem:s16] =	stream.linear.scatter @!p0 [tilespmem:s12], [sflag:$0x9], $0x800, $0x38;
	[tilespmem:$0x1B920] =	vst v63  }
0x5f: {  	_ =	swait.ge @!p0 [sflag:s25], $0x800  }
0x60: {  	[sflag:s25] =	ssyncset.done @!p0 $0x0  }
0x61: {  	s16 =	rddreg [dreg:$0xa];
	[sflag:s25] =	ssyncadd.s32 @!p0 $0xFFFFF800  }
0x62: {  	[spmem:s16] =	stream.linear.scatter @!p0 [tilespmem:s12], [sflag:$0x9], $0x800, $0x38;
	[tilespmem:$0x1B920] =	vst v63  }
0x63: {  	_ =	swait.ge @!p0 [sflag:s25], $0x800  }
0x64: {  	[sflag:s25] =	ssyncset.done @!p0 $0x0  }
0x65: {  	s16 =	rddreg [dreg:$0xf];
	[sflag:s25] =	ssyncadd.s32 @!p0 $0xFFFFF800  }
0x66: {  	[spmem:s16] =	stream.linear.scatter @!p0 [tilespmem:s12], [sflag:$0x9], $0x800, $0x38;
	[tilespmem:$0x1B920] =	vst v63  }
0x67: {  	_ =	swait.ge @!p0 [sflag:s25], $0x800  }
0x68: {  	[sflag:s25] =	ssyncset.done @!p0 $0x0  }
0x69: {  	s16 =	rddreg [dreg:$0x19];
	[sflag:s25] =	ssyncadd.s32 @!p0 $0xFFFFF800  }
0x6a: {  	[spmem:s16] =	stream.linear.scatter @!p0 [tilespmem:s12], [sflag:$0x9], $0x800, $0x38;
	[tilespmem:$0x1B920] =	vst v63  }
0x6b: {  	_ =	swait.ge @!p0 [sflag:s25], $0x800  }
0x6c: {  	s12 =	simm.s32 @!p1 $0x16F80;
	[sflag:s25] =	ssyncset.done @!p0 $0x0  }
0x6d: {  	s16 =	rddreg [dreg:$0x10];
	[sflag:s25] =	ssyncadd.s32 @!p0 $0xFFFFF800;
	s25 =	simm.s32 @!p1 $0x9  }
0x6e: {  	[spmem:s16] =	stream.linear.scatter @!p1 [tilespmem:s12], [sflag:$0x9], $0x800, $0x38;
	[tilespmem:$0x1B920] =	vst v63  }
0x6f: {  	_ =	swait.ge @!p1 [sflag:s25], $0x800  }
0x70: {  	[sflag:s25] =	ssyncset.done @!p1 $0x0  }
0x71: {  	s16 =	rddreg [dreg:$0x1a];
	[sflag:s25] =	ssyncadd.s32 @!p1 $0xFFFFF800  }
0x72: {  	[spmem:s16] =	stream.linear.scatter @!p1 [tilespmem:s12], [sflag:$0x9], $0x800, $0x38;
	[tilespmem:$0x1B920] =	vst v63  }
0x73: {  	_ =	swait.ge @!p1 [sflag:s25], $0x800  }
0x74: {  	[sflag:s25] =	ssyncset.done @!p1 $0x0  }
0x75: {  	s16 =	rddreg [dreg:$0x1b];
	[sflag:s25] =	ssyncadd.s32 @!p1 $0xFFFFF800  }
0x76: {  	[spmem:s16] =	stream.linear.scatter @!p1 [tilespmem:s12], [sflag:$0x9], $0x800, $0x38;
	[tilespmem:$0x1B920] =	vst v63  }
0x77: {  	_ =	swait.ge @!p1 [sflag:s25], $0x800  }
0x78: {  	[sflag:s25] =	ssyncset.done @!p1 $0x0  }
0x79: {  	s16 =	rddreg [dreg:$0x1c];
	[sflag:s25] =	ssyncadd.s32 @!p1 $0xFFFFF800  }
0x7a: {  	[spmem:s16] =	stream.linear.scatter @!p1 [tilespmem:s12], [sflag:$0x9], $0x800, $0x38;
	[tilespmem:$0x1B920] =	vst v63  }
0x7b: {  	_ =	swait.ge @!p1 [sflag:s25], $0x800  }
0x7c: {  	[sflag:s25] =	ssyncset.done @!p1 $0x0  }
0x7d: {  	s16 =	rddreg [dreg:$0x1d];
	[sflag:s25] =	ssyncadd.s32 @!p1 $0xFFFFF800  }
0x7e: {  	[spmem:s16] =	stream.linear.scatter @!p1 [tilespmem:s12], [sflag:$0x9], $0x700, $0x38;
	[tilespmem:$0x1B920] =	vst v63  }
0x7f: {  	_ =	swait.ge @!p1 [sflag:s25], $0x700  }
0x80: {  	[sflag:s25] =	ssyncset.done @!p1 $0x0  }
0x81: {  	s12 =	simm.s32 @!p3 $0x16F80;
	[sflag:s25] =	ssyncadd.s32 @!p1 $0xFFFFF900  }
0x82: {  	[spmem:s0] =	stream.linear.scatter @!p3 [tilespmem:s12], [sflag:$0x9], $0x100, $0x38;
	[tilespmem:$0x1B920] =	vst v63  }
0x83: {  	s12 =	simm.s32 @!p3 $0x9  }
0x84: {  	_ =	swait.ge @!p3 [sflag:s12], $0x100  }
0x85: {  	[sflag:s12] =	ssyncset.done @!p3 $0x0  }
0x86: {  	[sflag:s12] =	ssyncadd.s32 @!p3 $0xFFFFFF00  }
0x87: {  	s12 =	simm.s32 $0x0;
	[bflag:$0x0] =	sbarrier.arrive $0xFFFF  }
.LBB2_6:
0x88: {  	s25 =	sshra.s32 s12, $0x2  }
0x89: {  	v2 =	vld [tilespmem:s25+$0x2800];
	_ =	sdelay $0x7  }
0x8a: {  	[tilespmem:v2+s22+$0x0] =	vst.idx.add.f32.msk $0xffff, v1  }
0x8b: {  	v2 =	vld [tilespmem:s25+$0x2810];
	_ =	sdelay $0x7  }
0x8c: {  	[tilespmem:v2+s22+$0x0] =	vst.idx.add.f32.msk $0xffff, v1  }
0x8d: {  	v2 =	vld [tilespmem:s25+$0x2820];
	_ =	sdelay $0x7  }
0x8e: {  	[tilespmem:v2+s22+$0x0] =	vst.idx.add.f32.msk $0xffff, v1  }
0x8f: {  	v2 =	vld [tilespmem:s25+$0x2830];
	_ =	sdelay $0x7  }
0x90: {  	[tilespmem:v2+s22+$0x0] =	vst.idx.add.f32.msk $0xffff, v1  }
0x91: {  	v2 =	vld [tilespmem:s25+$0x2840];
	_ =	sdelay $0x7  }
0x92: {  	[tilespmem:v2+s22+$0x0] =	vst.idx.add.f32.msk $0xffff, v1  }
0x93: {  	v2 =	vld [tilespmem:s25+$0x2850];
	_ =	sdelay $0x7  }
0x94: {  	[tilespmem:v2+s22+$0x0] =	vst.idx.add.f32.msk $0xffff, v1  }
0x95: {  	v2 =	vld [tilespmem:s25+$0x2860];
	_ =	sdelay $0x7  }
0x96: {  	[tilespmem:v2+s22+$0x0] =	vst.idx.add.f32.msk $0xffff, v1  }
0x97: {  	v2 =	vld [tilespmem:s25+$0x2870];
	_ =	sdelay $0x7  }
0x98: {  	[tilespmem:v2+s22+$0x0] =	vst.idx.add.f32.msk $0xffff, v1  }
0x99: {  	v2 =	vld [tilespmem:s25+$0x5000];
	_ =	sdelay $0x7  }
0x9a: {  	[tilespmem:v2+s22+$0x0] =	vst.idx.add.f32.msk $0xffff, v1  }
0x9b: {  	v2 =	vld [tilespmem:s25+$0x5010];
	_ =	sdelay $0x7  }
0x9c: {  	[tilespmem:v2+s22+$0x0] =	vst.idx.add.f32.msk $0xffff, v1  }
0x9d: {  	v2 =	vld [tilespmem:s25+$0x5020];
	_ =	sdelay $0x7  }
0x9e: {  	[tilespmem:v2+s22+$0x0] =	vst.idx.add.f32.msk $0xffff, v1  }
0x9f: {  	v2 =	vld [tilespmem:s25+$0x5030];
	_ =	sdelay $0x7  }
0xa0: {  	[tilespmem:v2+s22+$0x0] =	vst.idx.add.f32.msk $0xffff, v1  }
0xa1: {  	v2 =	vld [tilespmem:s25+$0x5040];
	_ =	sdelay $0x7  }
0xa2: {  	[tilespmem:v2+s22+$0x0] =	vst.idx.add.f32.msk $0xffff, v1  }
0xa3: {  	v2 =	vld [tilespmem:s25+$0x5050];
	_ =	sdelay $0x7  }
0xa4: {  	[tilespmem:v2+s22+$0x0] =	vst.idx.add.f32.msk $0xffff, v1  }
0xa5: {  	v2 =	vld [tilespmem:s25+$0x5060];
	_ =	sdelay $0x7  }
0xa6: {  	[tilespmem:v2+s22+$0x0] =	vst.idx.add.f32.msk $0xffff, v1  }
0xa7: {  	v2 =	vld [tilespmem:s25+$0x5070];
	_ =	sdelay $0x2  }
0xa8: {  	p4 =	sne.s32 s12, $0x9E00  }
.Ltmp4:
0xa9: {  	_ = 	snop;
	(pc) =	sbr.rel @p4 .LBB2_6-.Ltmp4, $2  }
0xaa: {  	_ =	sdelay $0x2  }
0xab: {  	s12 =	sadd.s32 $0x200, s12;
	[tilespmem:v2+s22+$0x0] =	vst.idx.add.f32.msk $0xffff, v1  }
0xac: {  	[spmem:s1] =	stream.indirect.scatter.add.f32 [tilespmem:s22], [sflag:$0x9], $0x10, s26, s23, $0xb8;
	[tilespmem:$0x1B920] =	vst v63  }
0xad: {  	_ =	swait.ge [sflag:s14], $0x800  }
0xae: {  	[sflag:s14] =	ssyncset.done $0x0  }
0xaf: {  	s12 =	simm.s32 $0xA080;
	s16 =	simm.s32 $0x8000;
	[sflag:s14] =	ssyncadd.s32 $0xFFFFF800  }
0xb0: {  	[spmem:s1] =	stream.indirect.scatter.add.f32 [tilespmem:s16], [sflag:$0x9], $0x10, s12, s23, $0xb8;
	[tilespmem:$0x1B920] =	vst v63  }
0xb1: {  	_ =	swait.ge [sflag:s14], $0x800  }
0xb2: {  	[sflag:s14] =	ssyncset.done $0x0  }
0xb3: {  	s25 =	simm.s32 $0xA100;
	s26 =	simm.s32 $0x8800;
	[sflag:s14] =	ssyncadd.s32 $0xFFFFF800  }
0xb4: {  	[spmem:s1] =	stream.indirect.scatter.add.f32 [tilespmem:s26], [sflag:$0x9], $0x10, s25, s23, $0xb8;
	[tilespmem:$0x1B920] =	vst v63  }
0xb5: {  	_ =	swait.ge [sflag:s14], $0x800  }
0xb6: {  	[sflag:s14] =	ssyncset.done $0x0  }
0xb7: {  	s25 =	simm.s32 $0xA180;
	s26 =	simm.s32 $0x9000;
	[sflag:s14] =	ssyncadd.s32 $0xFFFFF800  }
0xb8: {  	[spmem:s1] =	stream.indirect.scatter.add.f32 [tilespmem:s26], [sflag:$0x9], $0x10, s25, s23, $0xb8;
	[tilespmem:$0x1B920] =	vst v63  }
0xb9: {  	_ =	swait.ge [sflag:s14], $0x800  }
0xba: {  	[sflag:s14] =	ssyncset.done $0x0  }
0xbb: {  	s25 =	simm.s32 $0xA200;
	s26 =	simm.s32 $0x9800;
	[sflag:s14] =	ssyncadd.s32 $0xFFFFF800  }
0xbc: {  	[spmem:s1] =	stream.indirect.scatter.add.f32 [tilespmem:s26], [sflag:$0x9], $0x10, s25, s23, $0xb8;
	[tilespmem:$0x1B920] =	vst v63  }
0xbd: {  	_ =	swait.ge [sflag:s14], $0x800  }
0xbe: {  	[sflag:s14] =	ssyncset.done $0x0  }
0xbf: {  	[sflag:s14] =	ssyncadd.s32 $0xFFFFF800  }
0xc0: {  	[bflag:$0x0] =	sbarrier.arrive $0xFFFF  }
0xc1: {  	s26 =	simm.s32 $0xA280;
	s25 =	rddreg [dreg:$0x11]  }
0xc2: {  	[tilespmem:s26], [sflag:$0x9] =	stream.linear.gather [spmem:s25], $0x270, $0x38;
	[tilespmem:$0x1B920] =	vst v63  }
0xc3: {  	_ =	swait.ge [sflag:s14], $0x270  }
0xc4: {  	[sflag:s14] =	ssyncset.done $0x0  }
0xc5: {  	s12 =	simm.s32 @!p0 $0xA4F0;
	s16 =	rddreg [dreg:$0x1e];
	[sflag:s14] =	ssyncadd.s32 $0xFFFFFD90  }
0xc6: {  	[tilespmem:s12], [sflag:$0x9] =	stream.linear.gather @!p0 [spmem:s16], $0x10, $0x38;
	[tilespmem:$0x1B920] =	vst v63  }
0xc7: {  	s12 =	simm.s32 @!p0 $0x9  }
0xc8: {  	_ =	swait.ge @!p0 [sflag:s12], $0x10  }
0xc9: {  	[sflag:s12] =	ssyncset.done @!p0 $0x0  }
0xca: {  	s26 =	simm.s32 $0x0;
	[sflag:s12] =	ssyncadd.s32 @!p0 $0xFFFFFFF0  }
0xcb: {  	v2 =	vld [tilespmem:s26+$0xA280];
	_ =	sdelay $0x4  }
0xcc: {  	s25 =	simm.s32 $0x10;
	v2 =	vadd.f32 $1.000000000e+00, v2  }
0xcd: {  	v3 =	vld [tilespmem:s25+$0xA280]  }
0xce: {  	v4 =	vshrl.u32 v2, $0x1;
	v5 =	vmul.f32 $5.000000000e-01, v2  }
0xcf: {  	v2 =	vsub.s32 $0x5F3759DF, v4  }
0xd0: {  	v4 =	vmul.f32 v2, v5  }
0xd1: {  	s28 =	simm.s32 $0x20  }
0xd2: {  	v6 =	vld [tilespmem:s28+$0xA280];
	v3 =	vadd.f32 $1.000000000e+00, v3;
	v4 =	vmul.f32 v2, v4;
	_ =	sdelay $0x1  }
0xd3: {  	v7 =	vshrl.u32 v3, $0x1;
	v9 =	vmul.f32 $5.000000000e-01, v3;
	v3 =	vsub.f32 $1.500000000e+00, v4  }
0xd4: {  	v4 =	vsub.s32 $0x5F3759DF, v7  }
0xd5: {  	v7 =	vmul.f32 v4, v9;
	v3 =	vmul.f32 v2, v3  }
0xd6: {  	s29 =	simm.s32 $0x30;
	v2 =	vadd.f32 $1.000000000e+00, v6  }
0xd7: {  	v6 =	vld [tilespmem:s29+$0xA280];
	v7 =	vmul.f32 v4, v7;
	v8 =	vmul.f32 v3, v5  }
0xd8: {  	v10 =	vshrl.u32 v2, $0x1;
	v2 =	vmul.f32 $5.000000000e-01, v2  }
0xd9: {  	v7 =	vsub.f32 $1.500000000e+00, v7;
	v10 =	vsub.s32 $0x5F3759DF, v10;
	v8 =	vmul.f32 v8, v3  }
0xda: {  	v11 =	vmul.f32 v10, v2  }
0xdb: {  	v4 =	vmul.f32 v4, v7;
	v7 =	vsub.f32 $1.500000000e+00, v8  }
0xdc: {  	v6 =	vadd.f32 $1.000000000e+00, v6;
	v11 =	vmul.f32 v10, v11  }
0xdd: {  	s30 =	simm.s32 $0x40;
	v12 =	vmul.f32 v4, v9;
	v7 =	vmul.f32 v7, v3  }
0xde: {  	v8 =	vld [tilespmem:s30+$0xA280];
	v13 =	vshrl.u32 v6, $0x1;
	v3 =	vmul.f32 $5.000000000e-01, v6;
	v6 =	vsub.f32 $1.500000000e+00, v11  }
0xdf: {  	v14 =	vsub.s32 $0x5F3759DF, v13;
	v11 =	vmul.f32 v12, v4;
	v5 =	vmul.f32 v7, v5  }
0xe0: {  	v12 =	vmul.f32 v14, v3;
	v6 =	vmul.f32 v10, v6  }
0xe1: {  	v10 =	vsub.f32 $1.500000000e+00, v11;
	v5 =	vmul.f32 v5, v7  }
0xe2: {  	v11 =	vmul.f32 v14, v12;
	v12 =	vmul.f32 v6, v2  }
0xe3: {  	s31 =	simm.s32 $0x50;
	v8 =	vadd.f32 $1.000000000e+00, v8;
	v4 =	vmul.f32 v10, v4  }
0xe4: {  	v15 =	vsub.f32 $1.500000000e+00, v5;
	v16 =	vsub.f32 $1.500000000e+00, v11;
	v11 =	vmul.f32 v12, v6;
	v12 =	vld [tilespmem:s31+$0xA280]  }
0xe5: {  	v13 =	vshrl.u32 v8, $0x1;
	v5 =	vmul.f32 $5.000000000e-01, v8  }
0xe6: {  	v8 =	vsub.s32 $0x5F3759DF, v13;
	v10 =	vmul.f32 v4, v9;
	v7 =	vmul.f32 v15, v7  }
0xe7: {  	s12 =	simm.s32 $0x180;
	v13 =	vmul.f32 v8, v5;
	v9 =	vmul.f32 v14, v16  }
.LBB2_8:
0xe8: {  	s16 =	sshra.s32 s12, $0x2  }
0xe9: {  	v14 =	vadd.f32 $1.000000000e+00, v12;
	v11 =	vsub.f32 $1.500000000e+00, v11;
	v10 =	vmul.f32 v10, v4;
	[tilespmem:s26+$0xA500] =	vst v7;
	s26 =	smov.u32 s25;
	s25 =	smov.u32 s28;
	p4 =	sne.s32 s12, $0x980  }
.Ltmp5:
0xea: {  	s28 =	smov.u32 s29;
	s29 =	smov.u32 s30;
	v12 =	vld [tilespmem:s16+$0xA280];
	v7 =	vmul.f32 v8, v13;
	v13 =	vmul.f32 v9, v3;
	(pc) =	sbr.rel @p4 .LBB2_8-.Ltmp5, $4  }
0xeb: {  	s12 =	sadd.s32 $0x40, s12;
	s30 =	smov.u32 s31;
	v15 =	vshrl.u32 v14, $0x1;
	v16 =	vmul.f32 v11, v6;
	v17 =	vsub.f32 $1.500000000e+00, v10;
	v6 =	vmovc v9  }
0xec: {  	s31 =	smov.u32 s16;
	v14 =	vmul.f32 $5.000000000e-01, v14;
	v9 =	vsub.f32 $1.500000000e+00, v7;
	v11 =	vmul.f32 v13, v6  }
0xed: {  	v15 =	vsub.s32 $0x5F3759DF, v15;
	v10 =	vmul.f32 v16, v2;
	v7 =	vmul.f32 v17, v4;
	v4 =	vmovc v16;
	v2 =	vmovc v3  }
0xee: {  	v13 =	vmul.f32 v15, v14;
	v3 =	vmovc v5;
	v5 =	vmovc v14;
	v9 =	vmul.f32 v8, v9;
	v8 =	vmov v15  }
0xef: {  	v12 =	vadd.f32 $1.000000000e+00, v12;
	_ =	sdelay $0x1  }
0xf0: {  	v14 =	vshrl.u32 v12, $0x1;
	v12 =	vmul.f32 $5.000000000e-01, v12  }
0xf1: {  	v14 =	vsub.s32 $0x5F3759DF, v14  }
0xf2: {  	v15 =	vmul.f32 v14, v12  }
0xf3: {  	v13 =	vmul.f32 v8, v13  }
0xf4: {  	v15 =	vmul.f32 v14, v15  }
0xf5: {  	v13 =	vsub.f32 $1.500000000e+00, v13  }
0xf6: {  	v15 =	vsub.f32 $1.500000000e+00, v15  }
0xf7: {  	v56 =	vmul.f32 v8, v13  }
0xf8: {  	v57 =	vmul.f32 v9, v3;
	v14 =	vmul.f32 v14, v15  }
0xf9: {  	v58 =	vmul.f32 v56, v5  }
0xfa: {  	v13 =	vmul.f32 v57, v9;
	v16 =	vmul.f32 v14, v12  }
0xfb: {  	v11 =	vsub.f32 $1.500000000e+00, v11;
	v15 =	vmul.f32 v58, v56  }
0xfc: {  	v13 =	vsub.f32 $1.500000000e+00, v13;
	v16 =	vmul.f32 v16, v14  }
0xfd: {  	v6 =	vmul.f32 v11, v6;
	v59 =	vsub.f32 $1.500000000e+00, v15  }
0xfe: {  	v10 =	vmul.f32 v10, v4;
	v60 =	vmul.f32 v13, v9;
	v61 =	vsub.f32 $1.500000000e+00, v16  }
0xff: {  	v2 =	vmul.f32 v6, v2;
	v8 =	vmul.f32 v59, v56  }
0x100: {  	v3 =	vmul.f32 v60, v3;
	v62 =	vmul.f32 v61, v14  }
0x101: {  	v2 =	vmul.f32 v2, v6;
	v5 =	vmul.f32 v8, v5  }
0x102: {  	v10 =	vsub.f32 $1.500000000e+00, v10;
	v3 =	vmul.f32 v3, v60;
	v12 =	vmul.f32 v62, v12  }
0x103: {  	v2 =	vsub.f32 $1.500000000e+00, v2;
	v5 =	vmul.f32 v5, v8  }
0x104: {  	v4 =	vmul.f32 v10, v4;
	v3 =	vsub.f32 $1.500000000e+00, v3;
	v63 =	vmul.f32 v12, v62  }
0x105: {  	[tilespmem:s26+$0xA500] =	vst v7;
	v2 =	vmul.f32 v2, v6;
	v5 =	vsub.f32 $1.500000000e+00, v5  }
0x106: {  	[tilespmem:s25+$0xA500] =	vst v4;
	v3 =	vmul.f32 v3, v60;
	v4 =	vsub.f32 $1.500000000e+00, v63  }
0x107: {  	[tilespmem:s28+$0xA500] =	vst v2;
	v2 =	vmul.f32 v5, v8  }
0x108: {  	[tilespmem:s29+$0xA500] =	vst v3;
	v3 =	vmul.f32 v4, v62  }
0x109: {  	[tilespmem:s30+$0xA500] =	vst v2  }
0x10a: {  	[tilespmem:s31+$0xA500] =	vst v3  }
0x10b: {  	v2 =	vld @!p0 [tilespmem:$0xA4F0];
	_ =	sdelay $0x4  }
0x10c: {  	v2 =	vadd.f32 @!p0 $1.000000000e+00, v2;
	_ =	sdelay $0x1  }
0x10d: {  	v3 =	vshrl.u32 @!p0 v2, $0x1;
	v2 =	vmul.f32 @!p0 $5.000000000e-01, v2  }
0x10e: {  	v3 =	vsub.s32 @!p0 $0x5F3759DF, v3  }
0x10f: {  	v4 =	vmul.f32 @!p0 v3, v2;
	_ =	sdelay $0x1  }
0x110: {  	v4 =	vmul.f32 @!p0 v3, v4;
	_ =	sdelay $0x1  }
0x111: {  	v4 =	vsub.f32 @!p0 $1.500000000e+00, v4;
	_ =	sdelay $0x1  }
0x112: {  	v3 =	vmul.f32 @!p0 v3, v4;
	_ =	sdelay $0x1  }
0x113: {  	v4 =	vmul.f32 @!p0 v3, v2;
	_ =	sdelay $0x1  }
0x114: {  	v4 =	vmul.f32 @!p0 v4, v3;
	_ =	sdelay $0x1  }
0x115: {  	v4 =	vsub.f32 @!p0 $1.500000000e+00, v4;
	_ =	sdelay $0x1  }
0x116: {  	v3 =	vmul.f32 @!p0 v4, v3;
	_ =	sdelay $0x1  }
0x117: {  	v2 =	vmul.f32 @!p0 v3, v2;
	_ =	sdelay $0x1  }
0x118: {  	v2 =	vmul.f32 @!p0 v2, v3;
	_ =	sdelay $0x1  }
0x119: {  	v2 =	vsub.f32 @!p0 $1.500000000e+00, v2;
	_ =	sdelay $0x1  }
0x11a: {  	v2 =	vmul.f32 @!p0 v2, v3  }
0x11b: {  	s12 =	simm.s32 $0x0  }
0x11c: {  	s16 =	rddreg [dreg:$0x12];
	s25 =	simm.s32 $0xA780;
	[tilespmem:$0xA770] =	vst @!p0 v2;
	v2 =	vmov s12  }
0x11d: {  	[tilespmem:s25], [sflag:$0x9] =	stream.linear.gather [hbm4b:s16+s12], $0x2700, $0x38;
	[tilespmem:$0x1B920] =	vst v63  }
0x11e: {  	_ =	swait.ge [sflag:s14], $0x2700  }
0x11f: {  	[sflag:s14] =	ssyncset.done $0x0  }
0x120: {  	[sflag:s14] =	ssyncadd.s32 $0xFFFFD900  }
0x121: {  	v2 =	vld.idx.msk [tilespmem:v2+s4+$0x0], $0xffff  }
0x122: {  	v3 =	vld [tilespmem:s25+$0x0];
	_ =	sdelay $0x1  }
0x123: {  	s31 =	simm.s32 $0x0  }
0x124: {  	s12 =	sand.u32 $0x7, s12;
	s16 =	smul.u32 $0x600, s31  }
0x125: {  	s12 =	smul.u32 $0xC0, s12  }
0x126: {  	s26 =	simm.s32 $0x1;
	v4 =	vmul.f32 v3, v2  }
0x127: {  	s16 =	sshra.s32 s16, $0x2;
	s28 =	sshrl.u32 s12, $0x2;
	v3 =	vmov s26  }
0x128: {  	s12 =	simm.s32 $0x2;
	s28 =	sadd.s32 s28, s16;
	[tilespmem:s25+$0x0] =	vst v4  }
.LBB2_10:
0x129: {  	p4 =	sne.s32 s12, $0x26F;
	[tilespmem:s28+$0xF680] =	vst v2  }
0x12a: {  	[tilespmem:s28+$0xF690] =	vst v2  }
0x12b: {  	[tilespmem:s28+$0xF6A0] =	vst v2  }
0x12c: {  	s25 =	sadd.s32 $0x10, s25;
	v2 =	vld.idx.msk [tilespmem:v3+s4+$0x0], $0xffff  }
0x12d: {  	v3 =	vld [tilespmem:s25+$0x0]  }
0x12e: {  	s16 =	sshrl.u32 s26, $0x3  }
0x12f: {  	s16 =	smul.u32 $0x600, s16  }
.Ltmp6:
0x130: {  	s26 =	sand.u32 $0x7, s26;
	(pc) =	sbr.rel @p4 .LBB2_10-.Ltmp6, $4  }
0x131: {  	s28 =	smul.u32 $0xC0, s26;
	s26 =	smov.u32 s12  }
0x132: {  	v4 =	vmul.f32 v3, v2  }
0x133: {  	s16 =	sshra.s32 s16, $0x2;
	s28 =	sshrl.u32 s28, $0x2;
	v3 =	vmov s12  }
0x134: {  	s28 =	sadd.s32 s28, s16;
	s12 =	sadd.s32 $0x1, s12;
	[tilespmem:s25+$0x0] =	vst v4  }
0x135: {  	_ = 	snop  }
0x136: {  	[tilespmem:s28+$0xF680] =	vst v2  }
0x137: {  	[tilespmem:s28+$0xF690] =	vst v2  }
0x138: {  	[tilespmem:s28+$0xF6A0] =	vst v2  }
0x139: {  	s12 =	sadd.s32 $0x10, s25;
	v2 =	vld.idx.msk [tilespmem:v3+s4+$0x0], $0xffff  }
0x13a: {  	v3 =	vld [tilespmem:s12+$0x0];
	_ =	sdelay $0x1  }
0x13b: {  	s16 =	sshrl.u32 s26, $0x3  }
0x13c: {  	s28 =	sand.u32 $0x7, s26;
	s16 =	smul.u32 $0x600, s16  }
0x13d: {  	s25 =	smul.u32 $0xC0, s28  }
0x13e: {  	v3 =	vmul.f32 v3, v2  }
0x13f: {  	s16 =	sshra.s32 s16, $0x2;
	s25 =	sshrl.u32 s25, $0x2  }
0x140: {  	s29 =	sadd.s32 s25, s16;
	[tilespmem:s12+$0x0] =	vst v3  }
0x141: {  	[tilespmem:s29+$0xF680] =	vst v2  }
0x142: {  	[tilespmem:s29+$0xF690] =	vst v2  }
0x143: {  	s30 =	rddreg [dreg:$0xb];
	s31 =	simm.s32 $0xA780;
	[tilespmem:s29+$0xF6A0] =	vst v2  }
0x144: {  	[hbm4b:s30+s3] =	stream.linear.scatter [tilespmem:s31], [sflag:$0x9], $0x2700, $0x38;
	[tilespmem:$0x1B920] =	vst v63  }
0x145: {  	_ =	swait.ge [sflag:s14], $0x2700  }
0x146: {  	[sflag:s14] =	ssyncset.done $0x0  }
0x147: {  	s12 =	simm.s32 @!p2 $0xA780;
	[sflag:s14] =	ssyncadd.s32 $0xFFFFD900  }
0x148: {  	[spmem:s19] =	stream.linear.scatter @!p2 [tilespmem:s12], [sflag:$0x9], $0x2700, $0x38;
	[tilespmem:$0x1B920] =	vst v63  }
0x149: {  	s12 =	simm.s32 @!p2 $0x9  }
0x14a: {  	_ =	swait.ge @!p2 [sflag:s12], $0x2700  }
0x14b: {  	s16 =	simm.s32 @!p2 $0x0;
	[sflag:s12] =	ssyncset.done @!p2 $0x0  }
0x14c: {  	s25 =	simm.s32 @!p2 $0xF680;
	s26 =	rddreg [dreg:$0x13];
	[sflag:s12] =	ssyncadd.s32 @!p2 $0xFFFFD900  }
0x14d: {  	[hbm4b:s26+s16] =	stream.linear.scatter @!p2 [tilespmem:s25], [sflag:$0x9], $0x7500, $0x38;
	[tilespmem:$0x1B920] =	vst v63  }
0x14e: {  	_ =	swait.ge @!p2 [sflag:s12], $0x7500  }
0x14f: {  	s25 =	simm.s32 @!p2 $0xA500;
	[sflag:s12] =	ssyncset.done @!p2 $0x0  }
.Ltmp7:
0x150: {  	s26 =	rddreg [dreg:$0x14];
	[sflag:s12] =	ssyncadd.s32 @!p2 $0xFFFF8B00;
	(pc) =	sbr.rel @p0 .LBB2_15-.Ltmp7, $4  }
0x151: {  	[hbm4b:s26+s16] =	stream.linear.scatter @!p2 [tilespmem:s25], [sflag:$0x9], $0x270, $0x38;
	[tilespmem:$0x1B920] =	vst v63  }
0x152: {  	_ =	swait.ge @!p2 [sflag:s12], $0x270  }
0x153: {  	[sflag:s12] =	ssyncset.done @!p2 $0x0  }
0x154: {  	[sflag:s12] =	ssyncadd.s32 @!p2 $0xFFFFFD90  }
0x155: {  	s12 =	simm.s32 $0x0  }
0x156: {  	v2 =	vmov s12  }
0x157: {  	v2 =	vadd.s32 $0x270, v2  }
0x158: {  	s25 =	simm.s32 $0xCE80;
	s16 =	rddreg [dreg:$0x15];
	v2 =	vbroadcast v2, $0x0  }
0x159: {  	[tilespmem:s25], [sflag:$0x9] =	stream.linear.gather [hbm4b:s16+s12], $0x100, $0x38;
	[tilespmem:$0x1B920] =	vst v63  }
0x15a: {  	_ =	swait.ge [sflag:s14], $0x100  }
0x15b: {  	[sflag:s14] =	ssyncset.done $0x0  }
0x15c: {  	[sflag:s14] =	ssyncadd.s32 $0xFFFFFF00  }
0x15d: {  	v3 =	vld [tilespmem:s25+$0x0]  }
0x15e: {  	v2 =	vld.idx.msk [tilespmem:v2+s4+$0x0], $0xffff;
	_ =	sdelay $0x1  }
0x15f: {  	s31 =	simm.s32 $0x0  }
0x160: {  	s26 =	simm.s32 $0x1;
	s12 =	sand.u32 $0x7, s12;
	s16 =	smul.u32 $0x600, s31  }
0x161: {  	v4 =	vmov s26;
	s12 =	smul.u32 $0xC0, s12  }
0x162: {  	v5 =	vmul.f32 v3, v2;
	v3 =	vadd.s32 $0x270, v4  }
0x163: {  	s16 =	sshra.s32 s16, $0x2;
	s28 =	sshrl.u32 s12, $0x2;
	v3 =	vbroadcast v3, $0x0  }
0x164: {  	s12 =	simm.s32 $0x2;
	s28 =	sadd.s32 s28, s16;
	[tilespmem:s25+$0x0] =	vst v5  }
.LBB2_13:
0x165: {  	s16 =	sadd.s32 $0x16C80, s28  }
0x166: {  	[tilespmem:s28+$0x16C80] =	vst v2;
	s25 =	sadd.s32 $0x10, s25;
	s28 =	smov.u32 s12;
	s29 =	sadd.s32 $0x1, s12  }
0x167: {  	p4 =	sne.s32 s12, $0xF;
	[tilespmem:s16+$0x10] =	vst v2  }
0x168: {  	[tilespmem:s16+$0x20] =	vst v2  }
0x169: {  	v2 =	vld.idx.msk [tilespmem:v3+s4+$0x0], $0xffff  }
0x16a: {  	v3 =	vld [tilespmem:s25+$0x0];
	_ =	sdelay $0x1  }
0x16b: {  	s12 =	sshrl.u32 s26, $0x3  }
0x16c: {  	s12 =	smul.u32 $0x600, s12;
	s16 =	sand.u32 $0x7, s26;
	s26 =	smov.u32 s28  }
.Ltmp8:
0x16d: {  	v4 =	vmov s26;
	(pc) =	sbr.rel @p4 .LBB2_13-.Ltmp8, $4  }
0x16e: {  	s16 =	smul.u32 $0xC0, s16;
	v4 =	vadd.s32 $0x270, v4;
	v5 =	vmul.f32 v3, v2  }
0x16f: {  	s12 =	sshra.s32 s12, $0x2;
	v3 =	vbroadcast v4, $0x0  }
0x170: {  	s16 =	sshrl.u32 s16, $0x2  }
0x171: {  	s28 =	sadd.s32 s16, s12;
	s12 =	smov.u32 s29;
	[tilespmem:s25+$0x0] =	vst v5  }
0x172: {  	_ = 	snop  }
0x173: {  	s12 =	sadd.s32 $0x16C80, s28;
	[tilespmem:s28+$0x16C80] =	vst v2  }
0x174: {  	[tilespmem:s12+$0x10] =	vst v2  }
0x175: {  	[tilespmem:s12+$0x20] =	vst v2  }
0x176: {  	s31 =	sadd.s32 $0x10, s25;
	v2 =	vld.idx.msk [tilespmem:v3+s4+$0x0], $0xffff  }
0x177: {  	v3 =	vld [tilespmem:s31+$0x0];
	_ =	sdelay $0x1  }
0x178: {  	s16 =	sshrl.u32 s26, $0x3  }
0x179: {  	s28 =	sand.u32 $0x7, s26;
	s16 =	smul.u32 $0x600, s16  }
0x17a: {  	s25 =	smul.u32 $0xC0, s28  }
0x17b: {  	v3 =	vmul.f32 v3, v2  }
0x17c: {  	s16 =	sshra.s32 s16, $0x2;
	s25 =	sshrl.u32 s25, $0x2  }
0x17d: {  	s29 =	sadd.s32 s25, s16;
	[tilespmem:s31+$0x0] =	vst v3  }
0x17e: {  	s16 =	sadd.s32 $0x16C80, s29;
	[tilespmem:s29+$0x16C80] =	vst v2  }
0x17f: {  	[tilespmem:s16+$0x10] =	vst v2  }
0x180: {  	s30 =	rddreg [dreg:$0xc];
	s31 =	simm.s32 $0xCE80;
	[tilespmem:s16+$0x20] =	vst v2  }
0x181: {  	[hbm4b:s30+s3] =	stream.linear.scatter [tilespmem:s31], [sflag:$0x9], $0x100, $0x38;
	[tilespmem:$0x1B920] =	vst v63  }
0x182: {  	_ =	swait.ge [sflag:s14], $0x100  }
0x183: {  	[sflag:s14] =	ssyncset.done $0x0  }
0x184: {  	s12 =	simm.s32 @!p2 $0xCE80;
	[sflag:s14] =	ssyncadd.s32 $0xFFFFFF00  }
0x185: {  	[spmem:s0] =	stream.linear.scatter @!p2 [tilespmem:s12], [sflag:$0x9], $0x100, $0x38;
	[tilespmem:$0x1B920] =	vst v63  }
0x186: {  	s12 =	simm.s32 @!p2 $0x9  }
0x187: {  	_ =	swait.ge @!p2 [sflag:s12], $0x100  }
0x188: {  	s25 =	simm.s32 @!p2 $0x16C80;
	[sflag:s12] =	ssyncset.done @!p2 $0x0  }
0x189: {  	s16 =	simm.s32 @!p2 $0x0;
	s26 =	rddreg [dreg:$0x16];
	[sflag:s12] =	ssyncadd.s32 @!p2 $0xFFFFFF00  }
0x18a: {  	[hbm4b:s26+s16] =	stream.linear.scatter @!p2 [tilespmem:s25], [sflag:$0x9], $0x300, $0x38;
	[tilespmem:$0x1B920] =	vst v63  }
0x18b: {  	_ =	swait.ge @!p2 [sflag:s12], $0x300  }
0x18c: {  	[sflag:s12] =	ssyncset.done @!p2 $0x0  }
0x18d: {  	s25 =	simm.s32 @!p2 $0xA770;
	s26 =	rddreg [dreg:$0x17];
	[sflag:s12] =	ssyncadd.s32 @!p2 $0xFFFFFD00  }
0x18e: {  	[hbm4b:s26+s16] =	stream.linear.scatter @!p2 [tilespmem:s25], [sflag:$0x9], $0x10, $0x38;
	[tilespmem:$0x1B920] =	vst v63  }
0x18f: {  	_ =	swait.ge @!p2 [sflag:s12], $0x10  }
0x190: {  	[sflag:s12] =	ssyncset.done @!p2 $0x0  }
0x191: {  	[sflag:s12] =	ssyncadd.s32 @!p2 $0xFFFFFFF0  }
.LBB2_15:
0x192: {  	[bflag:$0x0] =	sbarrier.arrive $0xFFFF;
	s12 =	simm.s32 $0x0  }
0x193: {  	[tilespmem:s5], [sflag:$0x1] =	stream.indirect.gather [hbm4b:s11+s23], $0x10, s12, s23, $0xb8;
	[tilespmem:$0x1B920] =	vst v63  }
0x194: {  	_ = 	snop  }
0x195: {  	[tilespmem:s6], [sflag:$0x2] =	stream.indirect.gather [hbm4b:s11+s23], $0x10, s23, s23, $0xb8;
	[tilespmem:$0x1B920] =	vst v63  }
0x196: {  	s30 =	simm.s32 $0x100  }
0x197: {  	[tilespmem:s7], [sflag:$0x3] =	stream.indirect.gather [hbm4b:s11+s23], $0x10, s30, s23, $0xb8;
	[tilespmem:$0x1B920] =	vst v63  }
0x198: {  	s31 =	simm.s32 $0x180  }
0x199: {  	[tilespmem:s8], [sflag:$0x4] =	stream.indirect.gather [hbm4b:s11+s23], $0x10, s31, s23, $0xb8;
	[tilespmem:$0x1B920] =	vst v63  }
0x19a: {  	_ =	swait.ge [sflag:s9], $0x800  }
0x19b: {  	[sflag:s9] =	ssyncset.done $0x0  }
0x19c: {  	s16 =	simm.s32 $0x2800;
	[sflag:s9] =	ssyncadd.s32 $0xFFFFF800  }
0x19d: {  	[spmem:s2] =	stream.indirect.scatter.add.f32 [tilespmem:s5], [sflag:$0x5], $0x10, s16, s23, $0xb8;
	[tilespmem:$0x1B920] =	vst v63  }
0x19e: {  	_ =	swait.ge [sflag:s10], $0x800  }
0x19f: {  	[sflag:s10] =	ssyncset.done $0x0  }
0x1a0: {  	s25 =	simm.s32 $0x2880;
	[sflag:s10] =	ssyncadd.s32 $0xFFFFF800  }
0x1a1: {  	[spmem:s2] =	stream.indirect.scatter.add.f32 [tilespmem:s6], [sflag:$0x6], $0x10, s25, s23, $0xb8;
	[tilespmem:$0x1B920] =	vst v63  }
0x1a2: {  	_ =	swait.ge [sflag:s13], $0x800  }
0x1a3: {  	[sflag:s13] =	ssyncset.done $0x0  }
0x1a4: {  	s26 =	simm.s32 $0x2900;
	[sflag:s13] =	ssyncadd.s32 $0xFFFFF800  }
0x1a5: {  	[spmem:s2] =	stream.indirect.scatter.add.f32 [tilespmem:s7], [sflag:$0x7], $0x10, s26, s23, $0xb8;
	[tilespmem:$0x1B920] =	vst v63  }
0x1a6: {  	_ =	swait.ge [sflag:s15], $0x800  }
0x1a7: {  	[sflag:s15] =	ssyncset.done $0x0  }
0x1a8: {  	s28 =	simm.s32 $0x2980;
	[sflag:s15] =	ssyncadd.s32 $0xFFFFF800  }
0x1a9: {  	[spmem:s2] =	stream.indirect.scatter.add.f32 [tilespmem:s8], [sflag:$0x8], $0x10, s28, s23, $0xb8;
	[tilespmem:$0x1B920] =	vst v63  }
0x1aa: {  	_ =	swait.ge [sflag:s17], $0x800  }
0x1ab: {  	[sflag:s17] =	ssyncset.done $0x0  }
0x1ac: {  	s29 =	simm.s32 $0x200;
	[sflag:s17] =	ssyncadd.s32 $0xFFFFF800  }
0x1ad: {  	[tilespmem:s5], [sflag:$0x1] =	stream.indirect.gather [hbm4b:s11+s23], $0x10, s29, s23, $0xb8;
	[tilespmem:$0x1B920] =	vst v63  }
0x1ae: {  	_ =	swait.ge [sflag:s18], $0x800  }
0x1af: {  	[sflag:s18] =	ssyncset.done $0x0  }
0x1b0: {  	s30 =	simm.s32 $0x280;
	[sflag:s18] =	ssyncadd.s32 $0xFFFFF800  }
0x1b1: {  	[tilespmem:s6], [sflag:$0x2] =	stream.indirect.gather [hbm4b:s11+s23], $0x10, s30, s23, $0xb8;
	[tilespmem:$0x1B920] =	vst v63  }
0x1b2: {  	_ =	swait.ge [sflag:s20], $0x800  }
0x1b3: {  	[sflag:s20] =	ssyncset.done $0x0  }
0x1b4: {  	s31 =	simm.s32 $0x300;
	[sflag:s20] =	ssyncadd.s32 $0xFFFFF800  }
0x1b5: {  	[tilespmem:s7], [sflag:$0x3] =	stream.indirect.gather [hbm4b:s11+s23], $0x10, s31, s23, $0xb8;
	[tilespmem:$0x1B920] =	vst v63  }
0x1b6: {  	_ =	swait.ge [sflag:s21], $0x800  }
0x1b7: {  	[sflag:s21] =	ssyncset.done $0x0  }
0x1b8: {  	s12 =	simm.s32 $0x380;
	s25 =	simm.s32 $0x800;
	[sflag:s21] =	ssyncadd.s32 $0xFFFFF800  }
.LBB2_16:
0x1b9: {  	[tilespmem:s8], [sflag:$0x4] =	stream.indirect.gather [hbm4b:s11+s23], $0x10, s12, s23, $0xb8;
	[tilespmem:$0x1B920] =	vst v63  }
0x1ba: {  	s12 =	smov.u32 s25  }
0x1bb: {  	p4 =	sne.s32 s25, $0x9000;
	s25 =	sadd.s32 $0x800, s25;
	_ =	swait.ge [sflag:s9], $0x800  }
0x1bc: {  	s26 =	sshra.s32 s12, $0x2;
	[sflag:s9] =	ssyncset.done $0x0  }
0x1bd: {  	s12 =	sadd.s32 $0x2800, s26;
	[sflag:s9] =	ssyncadd.s32 $0xFFFFF800  }
0x1be: {  	[spmem:s2] =	stream.indirect.scatter.add.f32 [tilespmem:s5], [sflag:$0x5], $0x10, s12, s23, $0xb8;
	[tilespmem:$0x1B920] =	vst v63  }
0x1bf: {  	_ =	swait.ge [sflag:s10], $0x800  }
0x1c0: {  	[sflag:s10] =	ssyncset.done $0x0  }
0x1c1: {  	s12 =	sadd.s32 $0x2880, s26;
	[sflag:s10] =	ssyncadd.s32 $0xFFFFF800  }
0x1c2: {  	[spmem:s2] =	stream.indirect.scatter.add.f32 [tilespmem:s6], [sflag:$0x6], $0x10, s12, s23, $0xb8;
	[tilespmem:$0x1B920] =	vst v63  }
0x1c3: {  	_ =	swait.ge [sflag:s13], $0x800  }
0x1c4: {  	[sflag:s13] =	ssyncset.done $0x0  }
0x1c5: {  	s12 =	sadd.s32 $0x2900, s26;
	[sflag:s13] =	ssyncadd.s32 $0xFFFFF800  }
0x1c6: {  	[spmem:s2] =	stream.indirect.scatter.add.f32 [tilespmem:s7], [sflag:$0x7], $0x10, s12, s23, $0xb8;
	[tilespmem:$0x1B920] =	vst v63  }
0x1c7: {  	_ =	swait.ge [sflag:s15], $0x800  }
0x1c8: {  	[sflag:s15] =	ssyncset.done $0x0  }
0x1c9: {  	s12 =	sadd.s32 $0x2980, s26;
	[sflag:s15] =	ssyncadd.s32 $0xFFFFF800  }
0x1ca: {  	[spmem:s2] =	stream.indirect.scatter.add.f32 [tilespmem:s8], [sflag:$0x8], $0x10, s12, s23, $0xb8;
	[tilespmem:$0x1B920] =	vst v63  }
0x1cb: {  	_ =	swait.ge [sflag:s17], $0x800  }
0x1cc: {  	[sflag:s17] =	ssyncset.done $0x0  }
0x1cd: {  	s12 =	sadd.s32 $0x200, s26;
	[sflag:s17] =	ssyncadd.s32 $0xFFFFF800  }
0x1ce: {  	[tilespmem:s5], [sflag:$0x1] =	stream.indirect.gather [hbm4b:s11+s23], $0x10, s12, s23, $0xb8;
	[tilespmem:$0x1B920] =	vst v63  }
0x1cf: {  	_ =	swait.ge [sflag:s18], $0x800  }
0x1d0: {  	[sflag:s18] =	ssyncset.done $0x0  }
0x1d1: {  	s12 =	sadd.s32 $0x280, s26;
	[sflag:s18] =	ssyncadd.s32 $0xFFFFF800  }
0x1d2: {  	[tilespmem:s6], [sflag:$0x2] =	stream.indirect.gather [hbm4b:s11+s23], $0x10, s12, s23, $0xb8;
	[tilespmem:$0x1B920] =	vst v63  }
0x1d3: {  	_ =	swait.ge [sflag:s20], $0x800  }
0x1d4: {  	[sflag:s20] =	ssyncset.done $0x0  }
.Ltmp9:
0x1d5: {  	s12 =	sadd.s32 $0x300, s26;
	[sflag:s20] =	ssyncadd.s32 $0xFFFFF800;
	(pc) =	sbr.rel @p4 .LBB2_16-.Ltmp9, $4  }
0x1d6: {  	[tilespmem:s7], [sflag:$0x3] =	stream.indirect.gather [hbm4b:s11+s23], $0x10, s12, s23, $0xb8;
	[tilespmem:$0x1B920] =	vst v63  }
0x1d7: {  	_ =	swait.ge [sflag:s21], $0x800  }
0x1d8: {  	[sflag:s21] =	ssyncset.done $0x0  }
0x1d9: {  	s12 =	sadd.s32 $0x380, s26;
	[sflag:s21] =	ssyncadd.s32 $0xFFFFF800  }
0x1da: {  	[tilespmem:s8], [sflag:$0x4] =	stream.indirect.gather [hbm4b:s11+s23], $0x10, s12, s23, $0xb8;
	[tilespmem:$0x1B920] =	vst v63  }
0x1db: {  	_ =	swait.ge [sflag:s9], $0x800  }
0x1dc: {  	[sflag:s9] =	ssyncset.done $0x0  }
0x1dd: {  	s16 =	simm.s32 $0x4E00;
	[sflag:s9] =	ssyncadd.s32 $0xFFFFF800  }
0x1de: {  	[spmem:s2] =	stream.indirect.scatter.add.f32 [tilespmem:s5], [sflag:$0x5], $0x10, s16, s23, $0xb8;
	[tilespmem:$0x1B920] =	vst v63  }
0x1df: {  	_ =	swait.ge [sflag:s10], $0x800  }
0x1e0: {  	[sflag:s10] =	ssyncset.done $0x0  }
0x1e1: {  	s25 =	simm.s32 $0x4E80;
	[sflag:s10] =	ssyncadd.s32 $0xFFFFF800  }
0x1e2: {  	[spmem:s2] =	stream.indirect.scatter.add.f32 [tilespmem:s6], [sflag:$0x6], $0x10, s25, s23, $0xb8;
	[tilespmem:$0x1B920] =	vst v63  }
0x1e3: {  	_ =	swait.ge [sflag:s13], $0x800  }
0x1e4: {  	[sflag:s13] =	ssyncset.done $0x0  }
0x1e5: {  	s26 =	simm.s32 $0x4F00;
	[sflag:s13] =	ssyncadd.s32 $0xFFFFF800  }
0x1e6: {  	[spmem:s2] =	stream.indirect.scatter.add.f32 [tilespmem:s7], [sflag:$0x7], $0x10, s26, s23, $0xb8;
	[tilespmem:$0x1B920] =	vst v63  }
0x1e7: {  	_ =	swait.ge [sflag:s15], $0x800  }
0x1e8: {  	[sflag:s15] =	ssyncset.done $0x0  }
0x1e9: {  	s28 =	simm.s32 $0x4F80;
	[sflag:s15] =	ssyncadd.s32 $0xFFFFF800  }
0x1ea: {  	[spmem:s2] =	stream.indirect.scatter.add.f32 [tilespmem:s8], [sflag:$0x8], $0x10, s28, s23, $0xb8;
	[tilespmem:$0x1B920] =	vst v63  }
0x1eb: {  	_ =	swait.ge [sflag:s17], $0x800  }
0x1ec: {  	[sflag:s17] =	ssyncset.done $0x0  }
0x1ed: {  	[sflag:s17] =	ssyncadd.s32 $0xFFFFF800  }
0x1ee: {  	_ =	swait.ge [sflag:s18], $0x800  }
0x1ef: {  	[sflag:s18] =	ssyncset.done $0x0  }
0x1f0: {  	[sflag:s18] =	ssyncadd.s32 $0xFFFFF800  }
0x1f1: {  	_ =	swait.ge [sflag:s20], $0x800  }
0x1f2: {  	[sflag:s20] =	ssyncset.done $0x0  }
0x1f3: {  	[sflag:s20] =	ssyncadd.s32 $0xFFFFF800  }
0x1f4: {  	_ =	swait.ge [sflag:s21], $0x800  }
0x1f5: {  	[sflag:s21] =	ssyncset.done $0x0  }
0x1f6: {  	s25 =	simm.s32 $0x0;
	[sflag:s21] =	ssyncadd.s32 $0xFFFFF800  }
0x1f7: {  	s29 =	simm.s32 $0xA780;
	v2 =	vmov s25;
	[bflag:$0x0] =	sbarrier.arrive $0xFFFF  }
0x1f8: {  	[tilespmem:s29], [sflag:$0x9] =	stream.linear.gather [spmem:s19], $0x2700, $0x38;
	[tilespmem:$0x1B920] =	vst v63  }
0x1f9: {  	_ =	swait.ge [sflag:s14], $0x2700  }
0x1fa: {  	[sflag:s14] =	ssyncset.done $0x0  }
0x1fb: {  	[sflag:s14] =	ssyncadd.s32 $0xFFFFD900  }
0x1fc: {  	v2 =	vld.idx.msk [tilespmem:v2+s4+$0x0], $0xffff  }
0x1fd: {  	v3 =	vld [tilespmem:s29+$0x0];
	_ =	sdelay $0x1  }
0x1fe: {  	s30 =	simm.s32 $0x1  }
0x1ff: {  	v4 =	vmov s30;
	_ =	sdelay $0x1  }
0x200: {  	v2 =	vmul.f32 v3, v2  }
0x201: {  	s31 =	sand.u32 $0x3FF0, s25  }
0x202: {  	[tilespmem:s31+$0xCF80] =	vst v2  }
0x203: {  	s12 =	simm.s32 $0xA790;
	v3 =	vld.idx.msk [tilespmem:v4+s4+$0x0], $0xffff  }
0x204: {  	v4 =	vld [tilespmem:s12+$0x0];
	_ =	sdelay $0x1  }
0x205: {  	s16 =	simm.s32 $0x2  }
0x206: {  	s26 =	simm.s32 $0x3;
	v2 =	vmov s16  }
.LBB2_18:
0x207: {  	p4 =	sne.s32 s26, $0x26F  }
0x208: {  	s25 =	sadd.s32 $0x10, s25;
	v3 =	vmul.f32 v4, v3  }
0x209: {  	s16 =	sand.u32 $0x3FF0, s25  }
0x20a: {  	[tilespmem:s16+$0xCF80] =	vst v3  }
.Ltmp10:
0x20b: {  	s12 =	sadd.s32 $0x10, s12;
	v3 =	vld.idx.msk [tilespmem:v2+s4+$0x0], $0xffff;
	(pc) =	sbr.rel @p4 .LBB2_18-.Ltmp10, $2  }
0x20c: {  	v4 =	vld [tilespmem:s12+$0x0];
	_ =	sdelay $0x2  }
0x20d: {  	v2 =	vmov s26;
	s26 =	sadd.s32 $0x1, s26  }
0x20e: {  	_ = 	snop  }
0x20f: {  	s16 =	sadd.s32 $0x10, s25;
	v3 =	vmul.f32 v4, v3  }
0x210: {  	s25 =	sand.u32 $0x3FF0, s16  }
0x211: {  	[tilespmem:s25+$0xCF80] =	vst v3  }
0x212: {  	s12 =	sadd.s32 $0x10, s12;
	v2 =	vld.idx.msk [tilespmem:v2+s4+$0x0], $0xffff  }
0x213: {  	v3 =	vld [tilespmem:s12+$0x0];
	_ =	sdelay $0x4  }
0x214: {  	s29 =	sadd.s32 $0x10, s16;
	v2 =	vmul.f32 v3, v2  }
0x215: {  	s12 =	sand.u32 $0x3FF0, s29  }
.Ltmp11:
0x216: {  	s30 =	rddreg [dreg:$0xd];
	s31 =	simm.s32 $0xCF80;
	[tilespmem:s12+$0xCF80] =	vst v2;
	(pc) =	sbr.rel @p0 .LBB2_23-.Ltmp11, $4  }
0x217: {  	[hbm4b:s30+s3] =	stream.linear.scatter [tilespmem:s31], [sflag:$0x9], $0x2700, $0x38;
	[tilespmem:$0x1B920] =	vst v63  }
0x218: {  	_ =	swait.ge [sflag:s14], $0x2700  }
0x219: {  	[sflag:s14] =	ssyncset.done $0x0  }
0x21a: {  	[sflag:s14] =	ssyncadd.s32 $0xFFFFD900  }
0x21b: {  	s25 =	simm.s32 $0x0  }
0x21c: {  	v2 =	vmov s25  }
0x21d: {  	v2 =	vadd.s32 $0x270, v2  }
0x21e: {  	s12 =	simm.s32 $0xCE80;
	v2 =	vbroadcast v2, $0x0  }
0x21f: {  	[tilespmem:s12], [sflag:$0x9] =	stream.linear.gather [spmem:s0], $0x100, $0x38;
	[tilespmem:$0x1B920] =	vst v63  }
0x220: {  	_ =	swait.ge [sflag:s14], $0x100  }
0x221: {  	[sflag:s14] =	ssyncset.done $0x0  }
0x222: {  	[sflag:s14] =	ssyncadd.s32 $0xFFFFFF00  }
0x223: {  	s16 =	simm.s32 $0x1;
	v4 =	vld [tilespmem:s12+$0x0]  }
0x224: {  	v3 =	vmov s16;
	v2 =	vld.idx.msk [tilespmem:v2+s4+$0x0], $0xffff  }
0x225: {  	v3 =	vadd.s32 $0x270, v3  }
0x226: {  	v3 =	vbroadcast v3, $0x0;
	_ =	sdelay $0x2  }
0x227: {  	v2 =	vmul.f32 v4, v2  }
0x228: {  	s30 =	sand.u32 $0xF0, s25  }
0x229: {  	[tilespmem:s30+$0x16B80] =	vst v2  }
0x22a: {  	s31 =	simm.s32 $0x2;
	s12 =	simm.s32 $0xCE90;
	v2 =	vld.idx.msk [tilespmem:v3+s4+$0x0], $0xffff  }
0x22b: {  	s26 =	simm.s32 $0x3;
	v4 =	vmov s31;
	v3 =	vld [tilespmem:s12+$0x0]  }
.LBB2_21:
0x22c: {  	p4 =	sne.s32 s26, $0xF;
	v4 =	vadd.s32 $0x270, v4  }
0x22d: {  	v4 =	vbroadcast v4, $0x0;
	_ =	sdelay $0x2  }
.Ltmp12:
0x22e: {  	v2 =	vmul.f32 v3, v2;
	s25 =	sadd.s32 $0x10, s25;
	(pc) =	sbr.rel @p4 .LBB2_21-.Ltmp12, $4  }
0x22f: {  	s16 =	sand.u32 $0xF0, s25  }
0x230: {  	[tilespmem:s16+$0x16B80] =	vst v2  }
0x231: {  	s12 =	sadd.s32 $0x10, s12;
	v2 =	vld.idx.msk [tilespmem:v4+s4+$0x0], $0xffff  }
0x232: {  	v4 =	vmov s26;
	s26 =	sadd.s32 $0x1, s26;
	v3 =	vld [tilespmem:s12+$0x0]  }
.Ltmp13:
0x233: {  	_ = 	snop;
	(pc) =	sbr.rel .LBB2_22-.Ltmp13, $1  }
0x234: {  	_ =	sdelay $0x3  }
.LBB2_24:
0x235: {  	_ =	sfence.sel $0x180000  }
0x236: {  	[bflag:$0x0] =	sbarrier.arrive $0xFFFF  }
0x237: {  	_ =	strace $0x90000047  }
0x238: {  	[bflag:$0x2] =	sbarrier.arrive $0xFFFF  }
0x239: {  	s0 =	rddreg [dreg:$0x4]  }
0x23a: {  	s0 =	sadd.s32 @!p0 $0x100000, s0  }
0x23b: {  	[sflag:s0] =	ssyncadd.tile.s32 @!p0 $0x1;
	_ =	shalt  }
.Lfunc_end2:
_tile_overlayer_lowered:
.L_overlay_start_2:
0x23c: {  	(tag) =	ssettag $0x2  }
0x23d: {  	s0 =	rddreg [dreg:$0x0];
	s2 =	stileid.u32  }
0x23e: {  	s1 =	rddreg [dreg:$0x1];
	p0 =	sne.s32 s2, $0x0  }
0x23f: {  	s3 =	rddreg [dreg:$0x2];
	[bflag:$0x3] =	sbarrier.arrive $0xFFFF;
	s2 =	simm.s32 @!p0 $0x1C09  }
0x240: {  	[timem:s3], [sflag:s2] =	dma.local @!p0 [hbm:s0], s1  }
0x241: {  	s0 =	simm.s32 @!p0 $0x9  }
0x242: {  	_ =	swait.ge @!p0 [sflag:s0], s1  }
0x243: {  	s1 =	ssub.s32 @!p0 $0x0, s1;
	[sflag:s0] =	ssyncset.done @!p0 $0x0  }
0x244: {  	[sflag:s0] =	ssyncadd.s32 @!p0 s1  }
0x245: {  	[bflag:$0x3] =	sbarrier.arrive $0xFFFF  }
0x246: {  	_ =	shalt  }

</sc_bundles>
